<compile_context>
chip_gen: v7x
topology: tpu7x:2x2x1
jax: 0.10.2.dev20260603
libtpu: 0.0.44.dev20260713+nightly
codegen_flags: <defaults>
</compile_context>

<pallas_src>
import jax
import jax.numpy as jnp
from jax import lax
from jax.experimental import pallas as pl
from jax.experimental.pallas import tpu as pltpu
from jax.experimental.pallas import tpu_sc as plsc

NC = 2
NS = 16
NW = NC * NS
K = 80
CW = 16
NEG_INF = float("-inf")
G = 64
BM = 1000



def _sc_aggregate_fn(N, D, E):
  e_per_tile = E // NW
  chunks = e_per_tile // K
  assert e_per_tile * NW == E and chunks * K == e_per_tile
  Np = ((N + 8 * NS - 1) // (8 * NS)) * (8 * NS)
  rows_per_tile = Np // NS
  zrows = 8
  assert rows_per_tile % zrows == 0
  mesh = plsc.VectorSubcoreMesh(core_axis_name="c", subcore_axis_name="s")

  out_type = jax.ShapeDtypeStruct((NC * Np, D), jnp.float32)
  scratch = [
      pltpu.VMEM((K,), jnp.int32),
      pltpu.VMEM((K,), jnp.int32),
      pltpu.VMEM((K, D), jnp.float32),
      pltpu.VMEM((zrows, D), jnp.float32),
      pltpu.VMEM_SHARED((Np, D), jnp.float32),
      pltpu.SemaphoreType.DMA,
  ]

  def body(table, src, dst, out, idx_s, idx_d, rows, zbuf, acc, sem):
    c = lax.axis_index("c")
    s = lax.axis_index("s")
    wid = s * NC + c
    zero16 = jnp.zeros((16,), jnp.float32)

    @pl.loop(0, zrows)
    def _(r):
      for col in range(D // 16):
        zbuf[r, pl.ds(col * 16, 16)] = zero16

    row0 = s * rows_per_tile

    @pl.loop(0, rows_per_tile // zrows)
    def _(i):
      pltpu.sync_copy(zbuf, acc.at[pl.ds(row0 + i * zrows, zrows), :])
    plsc.subcore_barrier()

    ebase = wid * e_per_tile

    @pl.loop(0, chunks)
    def _(j):
      base = ebase + j * K
      pltpu.sync_copy(src.at[pl.ds(base, K)], idx_s)
      pltpu.sync_copy(dst.at[pl.ds(base, K)], idx_d)
      pltpu.async_copy(table.at[idx_s], rows, sem).wait()
      pltpu.sync_copy(rows, acc.at[idx_d], add=True)
    plsc.subcore_barrier()

    pltpu.sync_copy(acc.at[pl.ds(row0, rows_per_tile), :],
                    out.at[pl.ds(c * Np + row0, rows_per_tile), :])

  return pl.kernel(body, out_type=out_type, mesh=mesh,
                   scratch_types=scratch), Np


def _sc_count_fn(N, E):
  D = 128
  e_per_tile = E // NW
  chunks = e_per_tile // K
  assert e_per_tile * NW == E and chunks * K == e_per_tile
  Np = ((N + 8 * NS - 1) // (8 * NS)) * (8 * NS)
  rows_per_tile = Np // NS
  zrows = 8
  assert rows_per_tile % zrows == 0
  mesh = plsc.VectorSubcoreMesh(core_axis_name="c", subcore_axis_name="s")

  out_type = jax.ShapeDtypeStruct((NC * Np, D), jnp.float32)
  scratch = [
      pltpu.VMEM((K,), jnp.int32),
      pltpu.VMEM((K, D), jnp.float32),
      pltpu.VMEM((zrows, D), jnp.float32),
      pltpu.VMEM_SHARED((Np, D), jnp.float32),
  ]

  def body(src, dst, out, idx_d, ones, zbuf, acc):
    c = lax.axis_index("c")
    s = lax.axis_index("s")
    wid = s * NC + c
    zero16 = jnp.zeros((16,), jnp.float32)
    one16 = jnp.ones((16,), jnp.float32)

    @pl.loop(0, zrows)
    def _(r):
      for col in range(D // 16):
        zbuf[r, pl.ds(col * 16, 16)] = zero16

    @pl.loop(0, K)
    def _(r):
      for col in range(D // 16):
        ones[r, pl.ds(col * 16, 16)] = one16

    row0 = s * rows_per_tile

    @pl.loop(0, rows_per_tile // zrows)
    def _(i):
      pltpu.sync_copy(zbuf, acc.at[pl.ds(row0 + i * zrows, zrows), :])
    plsc.subcore_barrier()

    ebase = wid * e_per_tile

    @pl.loop(0, chunks)
    def _(j):
      pltpu.sync_copy(dst.at[pl.ds(ebase + j * K, K)], idx_d)
      pltpu.sync_copy(ones, acc.at[idx_d], add=True)
    plsc.subcore_barrier()

    pltpu.sync_copy(acc.at[pl.ds(row0, rows_per_tile), :],
                    out.at[pl.ds(c * Np + row0, rows_per_tile), :])

  return pl.kernel(body, out_type=out_type, mesh=mesh,
                   scratch_types=scratch)



def _mm2_body(x_ref, wa_ref, wb_ref, oa_ref, ob_ref):
  xv = x_ref[...]
  oa_ref[...] = jnp.dot(xv, wa_ref[...], preferred_element_type=jnp.float32)
  ob_ref[...] = jnp.dot(xv, wb_ref[...], preferred_element_type=jnp.float32)


def _mm2(x, wa, wb):
  n, d = x.shape
  da, db = wa.shape[1], wb.shape[1]
  return pl.pallas_call(
      _mm2_body,
      grid=(n // BM,),
      in_specs=[
          pl.BlockSpec((BM, d), lambda i: (i, 0)),
          pl.BlockSpec((d, da), lambda i: (0, 0)),
          pl.BlockSpec((d, db), lambda i: (0, 0)),
      ],
      out_specs=[
          pl.BlockSpec((BM, da), lambda i: (i, 0)),
          pl.BlockSpec((BM, db), lambda i: (i, 0)),
      ],
      out_shape=[
          jax.ShapeDtypeStruct((n, da), jnp.float32),
          jax.ShapeDtypeStruct((n, db), jnp.float32),
      ],
  )(x, wa, wb)


def _combine_body(agg_ref, cnt_ref, r_ref, wa_ref, wb_ref,
                  x1_ref, ta_ref, tb_ref):
  ssum = agg_ref[0] + agg_ref[1]
  cnt = jnp.maximum(cnt_ref[0, :, 0:1] + cnt_ref[1, :, 0:1], 1.0)
  x1 = jnp.maximum(ssum / cnt + r_ref[...], 0.0)
  x1_ref[...] = x1
  ta_ref[...] = jnp.dot(x1, wa_ref[...], preferred_element_type=jnp.float32)
  tb_ref[...] = jnp.dot(x1, wb_ref[...], preferred_element_type=jnp.float32)


def _combine(agg, cnt, r, wa, wb):
  n, d = r.shape
  return pl.pallas_call(
      _combine_body,
      grid=(n // BM,),
      in_specs=[
          pl.BlockSpec((2, BM, d), lambda i: (0, i, 0)),
          pl.BlockSpec((2, BM, d), lambda i: (0, i, 0)),
          pl.BlockSpec((BM, d), lambda i: (i, 0)),
          pl.BlockSpec((d, d), lambda i: (0, 0)),
          pl.BlockSpec((d, d), lambda i: (0, 0)),
      ],
      out_specs=[
          pl.BlockSpec((BM, d), lambda i: (i, 0)),
          pl.BlockSpec((BM, d), lambda i: (i, 0)),
          pl.BlockSpec((BM, d), lambda i: (i, 0)),
      ],
      out_shape=[
          jax.ShapeDtypeStruct((n, d), jnp.float32),
          jax.ShapeDtypeStruct((n, d), jnp.float32),
          jax.ShapeDtypeStruct((n, d), jnp.float32),
      ],
  )(agg, cnt, r, wa, wb)


def _final_body(agg_ref, cnt_ref, r_ref, x1_ref, b_ref, o_ref):
  @pl.when(pl.program_id(0) == 0)
  def _():
    o_ref[...] = jnp.full(o_ref.shape, NEG_INF, jnp.float32)

  ssum = agg_ref[0] + agg_ref[1]
  cnt = jnp.maximum(cnt_ref[0, :, 0:1] + cnt_ref[1, :, 0:1], 1.0)
  x2 = jnp.maximum(ssum / cnt + r_ref[...], 0.0)
  xs = jnp.concatenate([x1_ref[...], x2], axis=1)
  b = b_ref[...]
  gmin = b_ref[0, 0]
  gmax = b_ref[b_ref.shape[0] - 1, 0]
  for g in range(G):
    @pl.when(jnp.logical_and(gmin <= g, g <= gmax))
    def _(g=g):
      col = jnp.max(jnp.where(b == g, xs, NEG_INF), axis=0)
      o_ref[g, :] = jnp.maximum(o_ref[g, :], col)


def _final(agg, cnt, r, x1, batch2):
  n, d = r.shape
  return pl.pallas_call(
      _final_body,
      grid=(n // BM,),
      in_specs=[
          pl.BlockSpec((2, BM, d), lambda i: (0, i, 0)),
          pl.BlockSpec((2, BM, d), lambda i: (0, i, 0)),
          pl.BlockSpec((BM, d), lambda i: (i, 0)),
          pl.BlockSpec((BM, d), lambda i: (i, 0)),
          pl.BlockSpec((BM, 1), lambda i: (i, 0)),
      ],
      out_specs=pl.BlockSpec((G, 2 * d), lambda i: (0, 0)),
      out_shape=jax.ShapeDtypeStruct((G, 2 * d), jnp.float32),
  )(agg, cnt, r, x1, batch2)



def kernel(x, edge_index, batch, W1_l, W1_r, W2_l, W2_r):
  n, d = x.shape
  e = edge_index.shape[1]
  src = edge_index[0]
  dst = edge_index[1]

  agg, np_pad = _sc_aggregate_fn(n, d, e)

  def as3d(a):
    return a.reshape(NC, np_pad, d)

  t1, r1 = _mm2(x, W1_l.T, W1_r.T)
  agg1 = as3d(agg(t1, src, dst))
  cnt = as3d(_sc_count_fn(n, e)(src, dst))
  x1, t2, r2 = _combine(agg1, cnt, r1, W2_l.T, W2_r.T)
  agg2 = as3d(agg(t2, src, dst))
  return _final(agg2, cnt, r2, x1, batch.reshape(n, 1))

# --- scband reference (transcript-rebuilt; emitter-appended) ---
"""Pipeline reference for scband-sagegraph-embedding-7773890806281 (READ-ONLY COPY).

The authoritative reference and input builder live on the scoring server;
editing this copy changes nothing except your own understanding.
"""

import jax, jax.numpy as jnp
import numpy as np

N = 10000
E = 320000
D = 128
G = 64


def setup_inputs(seed: int = 0) -> dict:
    key = jax.random.key(seed)
    ks = jax.random.split(key, 8)
    x = jax.random.normal(ks[0], (N, D), dtype=jnp.float32)
    edge_index = jax.random.randint(ks[1], (2, E), 0, N, dtype=jnp.int32)
    batch = jnp.sort(jax.random.randint(ks[2], (N,), 0, G, dtype=jnp.int32))
    # SAGEConv params (bias=False): lin_l applied to aggregated neighbors, lin_r to root.
    W1_l = jax.random.normal(ks[3], (D, D), dtype=jnp.float32) * 0.05
    W1_r = jax.random.normal(ks[4], (D, D), dtype=jnp.float32) * 0.05
    W2_l = jax.random.normal(ks[5], (D, D), dtype=jnp.float32) * 0.05
    W2_r = jax.random.normal(ks[6], (D, D), dtype=jnp.float32) * 0.05
    return {"x": x, "edge_index": edge_index, "batch": batch,
            "W1_l": W1_l, "W1_r": W1_r, "W2_l": W2_l, "W2_r": W2_r}


def _sage_conv(x, edge_index, W_l, W_r):
    # PyG SAGEConv with aggr='mean', bias=False:
    # out = lin_l(mean_{j in N(i)} x_j) + lin_r(x_i)
    src = edge_index[0]
    dst = edge_index[1]
    msgs = jnp.take(x, src, axis=0)                      # gather (SparseCore)
    agg_sum = jax.ops.segment_sum(msgs, dst, num_segments=N)  # scatter-add
    cnt = jax.ops.segment_sum(jnp.ones((E,), dtype=x.dtype), dst, num_segments=N)
    mean = agg_sum / jnp.maximum(cnt, 1.0)[:, None]
    return mean @ W_l.T + x @ W_r.T


def reference(x, edge_index, batch, W1_l, W1_r, W2_l, W2_r):
    # Dropout in eval mode -> identity
    x1 = jax.nn.relu(_sage_conv(x, edge_index, W1_l, W1_r))
    x2 = jax.nn.relu(_sage_conv(x1, edge_index, W2_l, W2_r))
    # JumpingKnowledge('cat') over [x1, x2]
    xs = jnp.concatenate([x1, x2], axis=1)               # [N, 2D]
    # global_max_pool over batch segment ids
    out = jax.ops.segment_max(xs, batch, num_segments=G)  # [G, 2D]
    return out

if __name__ == "__main__":
    import jax
    _d = setup_inputs()
    print(jax.jit(kernel)(*tuple(_d.values())))

</pallas_src>

<mosaic_0001>
#map = affine_map<(d0, d1) -> (0, 0)>
#map1 = affine_map<(d0, d1) -> (0)>
module attributes {stable_mosaic.version = 14 : i64} {
  func.func @body(%arg0: i32, %arg1: i32, %arg2: memref<10000x128xf32, #tpu.memory_space<hbm>>, %arg3: memref<320000xi32, #tpu.memory_space<hbm>>, %arg4: memref<320000xi32, #tpu.memory_space<hbm>>, %arg5: memref<20224x128xf32, #tpu.memory_space<hbm>>, %arg6: memref<80xi32, #tpu.memory_space<vmem>>, %arg7: memref<80xi32, #tpu.memory_space<vmem>>, %arg8: memref<80x128xf32, #tpu.memory_space<vmem>>, %arg9: memref<8x128xf32, #tpu.memory_space<vmem>>, %arg10: memref<10112x128xf32, #tpu.memory_space<vmem_shared>>, %arg11: memref<!tpu.dma_semaphore, #tpu.memory_space<semaphore_mem>>) attributes {dimension_semantics = [#tpu.dimension_semantics<core_parallel>, #tpu.dimension_semantics<subcore_parallel>], iteration_bounds = array<i64: 2, 16>, scalar_prefetch = 0 : i64, scratch_operands = 6 : i64, tpu.core_type = #tpu.core_type<sc_vector_subcore>, window_params = [{transform_indices = #map}, {transform_indices = #map1}, {transform_indices = #map1}, {transform_indices = #map}]} {
    %mul3A = arith.constant 2 : i32
    %mul3A_0 = arith.muli %arg1, %mul3A : i32
    %add3A = arith.addi %mul3A_0, %arg0 : i32
    %broadcast_in_dim3A = arith.constant 0.000000e+00 : f32
    %broadcast_in_dim3A_1 = vector.broadcast %broadcast_in_dim3A : f32 to vector<16xf32>
    %scan3A = arith.constant 0 : i32
    %scan3A_2 = arith.constant 8 : i32
    %scan3A_3 = arith.addi %scan3A, %scan3A_2 : i32
    %scan3A_4 = arith.constant 1 : i32
    scf.for %scan3A_24 = %scan3A to %scan3A_3 step %scan3A_4  : i32 {
      %mul3A_25 = arith.constant 1 : i32
      %mul3A_26 = arith.muli %scan3A_24, %mul3A_25 : i32
      %add3A_27 = arith.constant 0 : i32
      %add3A_28 = arith.addi %add3A_27, %mul3A_26 : i32
      %swap3A = arith.index_cast %add3A_28 : i32 to index
      %swap3A_29 = arith.constant 0 : index
      %swap3A_30 = tpu.vector_load %arg9[%swap3A, %swap3A_29] {strides = array<i32>} : memref<8x128xf32, #tpu.memory_space<vmem>>, vector<1x16xf32>,
      %swap3A_31 = vector.shape_cast %swap3A_30 : vector<1x16xf32> to vector<16xf32>
      %swap3A_32 = vector.shape_cast %broadcast_in_dim3A_1 : vector<16xf32> to vector<1x16xf32>
      tpu.vector_store %arg9[%swap3A, %swap3A_29], %swap3A_32 {strides = array<i32>} : memref<8x128xf32, #tpu.memory_space<vmem>>, vector<1x16xf32>,
      %swap3A_33 = arith.index_cast %add3A_28 : i32 to index
      %swap3A_34 = arith.constant 16 : index
      %swap3A_35 = tpu.vector_load %arg9[%swap3A_33, %swap3A_34] {strides = array<i32>} : memref<8x128xf32, #tpu.memory_space<vmem>>, vector<1x16xf32>,
      %swap3A_36 = vector.shape_cast %swap3A_35 : vector<1x16xf32> to vector<16xf32>
      %swap3A_37 = vector.shape_cast %broadcast_in_dim3A_1 : vector<16xf32> to vector<1x16xf32>
      tpu.vector_store %arg9[%swap3A_33, %swap3A_34], %swap3A_37 {strides = array<i32>} : memref<8x128xf32, #tpu.memory_space<vmem>>, vector<1x16xf32>,
      %swap3A_38 = arith.index_cast %add3A_28 : i32 to index
      %swap3A_39 = arith.constant 32 : index
      %swap3A_40 = tpu.vector_load %arg9[%swap3A_38, %swap3A_39] {strides = array<i32>} : memref<8x128xf32, #tpu.memory_space<vmem>>, vector<1x16xf32>,
      %swap3A_41 = vector.shape_cast %swap3A_40 : vector<1x16xf32> to vector<16xf32>
      %swap3A_42 = vector.shape_cast %broadcast_in_dim3A_1 : vector<16xf32> to vector<1x16xf32>
      tpu.vector_store %arg9[%swap3A_38, %swap3A_39], %swap3A_42 {strides = array<i32>} : memref<8x128xf32, #tpu.memory_space<vmem>>, vector<1x16xf32>,
      %swap3A_43 = arith.index_cast %add3A_28 : i32 to index
      %swap3A_44 = arith.constant 48 : index
      %swap3A_45 = tpu.vector_load %arg9[%swap3A_43, %swap3A_44] {strides = array<i32>} : memref<8x128xf32, #tpu.memory_space<vmem>>, vector<1x16xf32>,
      %swap3A_46 = vector.shape_cast %swap3A_45 : vector<1x16xf32> to vector<16xf32>
      %swap3A_47 = vector.shape_cast %broadcast_in_dim3A_1 : vector<16xf32> to vector<1x16xf32>
      tpu.vector_store %arg9[%swap3A_43, %swap3A_44], %swap3A_47 {strides = array<i32>} : memref<8x128xf32, #tpu.memory_space<vmem>>, vector<1x16xf32>,
      %swap3A_48 = arith.index_cast %add3A_28 : i32 to index
      %swap3A_49 = arith.constant 64 : index
      %swap3A_50 = tpu.vector_load %arg9[%swap3A_48, %swap3A_49] {strides = array<i32>} : memref<8x128xf32, #tpu.memory_space<vmem>>, vector<1x16xf32>,
      %swap3A_51 = vector.shape_cast %swap3A_50 : vector<1x16xf32> to vector<16xf32>
      %swap3A_52 = vector.shape_cast %broadcast_in_dim3A_1 : vector<16xf32> to vector<1x16xf32>
      tpu.vector_store %arg9[%swap3A_48, %swap3A_49], %swap3A_52 {strides = array<i32>} : memref<8x128xf32, #tpu.memory_space<vmem>>, vector<1x16xf32>,
      %swap3A_53 = arith.index_cast %add3A_28 : i32 to index
      %swap3A_54 = arith.constant 80 : index
      %swap3A_55 = tpu.vector_load %arg9[%swap3A_53, %swap3A_54] {strides = array<i32>} : memref<8x128xf32, #tpu.memory_space<vmem>>, vector<1x16xf32>,
      %swap3A_56 = vector.shape_cast %swap3A_55 : vector<1x16xf32> to vector<16xf32>
      %swap3A_57 = vector.shape_cast %broadcast_in_dim3A_1 : vector<16xf32> to vector<1x16xf32>
      tpu.vector_store %arg9[%swap3A_53, %swap3A_54], %swap3A_57 {strides = array<i32>} : memref<8x128xf32, #tpu.memory_space<vmem>>, vector<1x16xf32>,
      %swap3A_58 = arith.index_cast %add3A_28 : i32 to index
      %swap3A_59 = arith.constant 96 : index
      %swap3A_60 = tpu.vector_load %arg9[%swap3A_58, %swap3A_59] {strides = array<i32>} : memref<8x128xf32, #tpu.memory_space<vmem>>, vector<1x16xf32>,
      %swap3A_61 = vector.shape_cast %swap3A_60 : vector<1x16xf32> to vector<16xf32>
      %swap3A_62 = vector.shape_cast %broadcast_in_dim3A_1 : vector<16xf32> to vector<1x16xf32>
      tpu.vector_store %arg9[%swap3A_58, %swap3A_59], %swap3A_62 {strides = array<i32>} : memref<8x128xf32, #tpu.memory_space<vmem>>, vector<1x16xf32>,
      %swap3A_63 = arith.index_cast %add3A_28 : i32 to index
      %swap3A_64 = arith.constant 112 : index
      %swap3A_65 = tpu.vector_load %arg9[%swap3A_63, %swap3A_64] {strides = array<i32>} : memref<8x128xf32, #tpu.memory_space<vmem>>, vector<1x16xf32>,
      %swap3A_66 = vector.shape_cast %swap3A_65 : vector<1x16xf32> to vector<16xf32>
      %swap3A_67 = vector.shape_cast %broadcast_in_dim3A_1 : vector<16xf32> to vector<1x16xf32>
      tpu.vector_store %arg9[%swap3A_63, %swap3A_64], %swap3A_67 {strides = array<i32>} : memref<8x128xf32, #tpu.memory_space<vmem>>, vector<1x16xf32>,
    }
    %scan3A_5 = arith.constant 8 : i32
    %mul3A_6 = arith.constant 632 : i32
    %mul3A_7 = arith.muli %arg1, %mul3A_6 : i32
    %scan3A_8 = arith.constant 0 : i32
    %scan3A_9 = arith.constant 79 : i32
    %scan3A_10 = arith.addi %scan3A_8, %scan3A_9 : i32
    %scan3A_11 = arith.constant 1 : i32
    scf.for %scan3A_24 = %scan3A_8 to %scan3A_10 step %scan3A_11  : i32 {
      %mul3A_25 = arith.constant 1 : i32
      %mul3A_26 = arith.muli %scan3A_24, %mul3A_25 : i32
      %add3A_27 = arith.constant 0 : i32
      %add3A_28 = arith.addi %add3A_27, %mul3A_26 : i32
      %mul3A_29 = arith.constant 8 : i32
      %mul3A_30 = arith.muli %add3A_28, %mul3A_29 : i32
      %add3A_31 = arith.addi %mul3A_7, %mul3A_30 : i32
      "tpu.region"() ({
        %run_scoped3A = tpu.sem_alloc : memref<!tpu.dma_semaphore, #tpu.memory_space<semaphore_mem>>
        %dma_start3A = arith.constant 0 : i32
        %dma_start3A_32 = tpu.memref_slice %arg10[%add3A_31, %dma_start3A] : memref<10112x128xf32, #tpu.memory_space<vmem_shared>> -> memref<8x128xf32, #tpu.memory_space<vmem_shared>>
        %dma_start3A_33 = arith.constant 0 : i32
        %dma_start3A_34 = tpu.memref_slice %arg10[%add3A_31, %dma_start3A_33] : memref<10112x128xf32, #tpu.memory_space<vmem_shared>> -> memref<8x128xf32, #tpu.memory_space<vmem_shared>>
        tpu.enqueue_dma source(%arg9 : memref<8x128xf32, #tpu.memory_space<vmem>>) target(%dma_start3A_34 : memref<8x128xf32, #tpu.memory_space<vmem_shared>>) target_semaphore(%run_scoped3A : memref<!tpu.dma_semaphore, #tpu.memory_space<semaphore_mem>>)
        %dma_wait3A = arith.constant 0 : i32
        %dma_wait3A_35 = tpu.memref_slice %arg10[%add3A_31, %dma_wait3A] : memref<10112x128xf32, #tpu.memory_space<vmem_shared>> -> memref<8x128xf32, #tpu.memory_space<vmem_shared>>
        %dma_wait3A_36 = arith.constant 0 : i32
        %dma_wait3A_37 = tpu.memref_slice %arg10[%add3A_31, %dma_wait3A_36] : memref<10112x128xf32, #tpu.memory_space<vmem_shared>> -> memref<8x128xf32, #tpu.memory_space<vmem_shared>>
        tpu.wait_dma2 semaphore(%run_scoped3A : memref<!tpu.dma_semaphore, #tpu.memory_space<semaphore_mem>>) src(%arg9 : memref<8x128xf32, #tpu.memory_space<vmem>>) dst(%dma_wait3A_37 : memref<8x128xf32, #tpu.memory_space<vmem_shared>>)
        tpu.yield
      }) : () -> ()
    }
    %scan3A_12 = arith.constant 79 : i32
    %barrier3A = arith.constant 0 : index
    tpu.barrier barrier_id(%barrier3A)
    %mul3A_13 = arith.constant 10000 : i32
    %mul3A_14 = arith.muli %add3A, %mul3A_13 : i32
    %scan3A_15 = arith.constant 0 : i32
    %scan3A_16 = arith.constant 125 : i32
    %scan3A_17 = arith.addi %scan3A_15, %scan3A_16 : i32
    %scan3A_18 = arith.constant 1 : i32
    scf.for %scan3A_24 = %scan3A_15 to %scan3A_17 step %scan3A_18  : i32 {
      %mul3A_25 = arith.constant 1 : i32
      %mul3A_26 = arith.muli %scan3A_24, %mul3A_25 : i32
      %add3A_27 = arith.constant 0 : i32
      %add3A_28 = arith.addi %add3A_27, %mul3A_26 : i32
      %mul3A_29 = arith.constant 80 : i32
      %mul3A_30 = arith.muli %add3A_28, %mul3A_29 : i32
      %add3A_31 = arith.addi %mul3A_14, %mul3A_30 : i32
      "tpu.region"() ({
        %run_scoped3A = tpu.sem_alloc : memref<!tpu.dma_semaphore, #tpu.memory_space<semaphore_mem>>
        %dma_start3A_36 = tpu.memref_slice %arg3[%add3A_31] : memref<320000xi32, #tpu.memory_space<hbm>> -> memref<80xi32, #tpu.memory_space<hbm>>
        %dma_start3A_37 = tpu.memref_slice %arg3[%add3A_31] : memref<320000xi32, #tpu.memory_space<hbm>> -> memref<80xi32, #tpu.memory_space<hbm>>
        tpu.enqueue_dma source(%dma_start3A_37 : memref<80xi32, #tpu.memory_space<hbm>>) target(%arg6 : memref<80xi32, #tpu.memory_space<vmem>>) target_semaphore(%run_scoped3A : memref<!tpu.dma_semaphore, #tpu.memory_space<semaphore_mem>>)
        %dma_wait3A_38 = tpu.memref_slice %arg3[%add3A_31] : memref<320000xi32, #tpu.memory_space<hbm>> -> memref<80xi32, #tpu.memory_space<hbm>>
        %dma_wait3A_39 = tpu.memref_slice %arg3[%add3A_31] : memref<320000xi32, #tpu.memory_space<hbm>> -> memref<80xi32, #tpu.memory_space<hbm>>
        tpu.wait_dma2 semaphore(%run_scoped3A : memref<!tpu.dma_semaphore, #tpu.memory_space<semaphore_mem>>) src(%dma_wait3A_39 : memref<80xi32, #tpu.memory_space<hbm>>) dst(%arg6 : memref<80xi32, #tpu.memory_space<vmem>>)
        tpu.yield
      }) : () -> ()
      "tpu.region"() ({
        %run_scoped3A = tpu.sem_alloc : memref<!tpu.dma_semaphore, #tpu.memory_space<semaphore_mem>>
        %dma_start3A_36 = tpu.memref_slice %arg4[%add3A_31] : memref<320000xi32, #tpu.memory_space<hbm>> -> memref<80xi32, #tpu.memory_space<hbm>>
        %dma_start3A_37 = tpu.memref_slice %arg4[%add3A_31] : memref<320000xi32, #tpu.memory_space<hbm>> -> memref<80xi32, #tpu.memory_space<hbm>>
        tpu.enqueue_dma source(%dma_start3A_37 : memref<80xi32, #tpu.memory_space<hbm>>) target(%arg7 : memref<80xi32, #tpu.memory_space<vmem>>) target_semaphore(%run_scoped3A : memref<!tpu.dma_semaphore, #tpu.memory_space<semaphore_mem>>)
        %dma_wait3A_38 = tpu.memref_slice %arg4[%add3A_31] : memref<320000xi32, #tpu.memory_space<hbm>> -> memref<80xi32, #tpu.memory_space<hbm>>
        %dma_wait3A_39 = tpu.memref_slice %arg4[%add3A_31] : memref<320000xi32, #tpu.memory_space<hbm>> -> memref<80xi32, #tpu.memory_space<hbm>>
        tpu.wait_dma2 semaphore(%run_scoped3A : memref<!tpu.dma_semaphore, #tpu.memory_space<semaphore_mem>>) src(%dma_wait3A_39 : memref<80xi32, #tpu.memory_space<hbm>>) dst(%arg7 : memref<80xi32, #tpu.memory_space<vmem>>)
        tpu.yield
      }) : () -> ()
      %dma_start3A = arith.constant 0 : i32
      %dma_start3A_32 = arith.constant 0 : i32
      %dma_start3A_33 = tpu.memref_slice %arg2[%dma_start3A, %dma_start3A_32] : memref<10000x128xf32, #tpu.memory_space<hbm>> -> memref<10000x128xf32, #tpu.memory_space<hbm>>
      tpu.enqueue_indirect_dma source(%dma_start3A_33 : memref<10000x128xf32, #tpu.memory_space<hbm>>) target(%arg8 : memref<80x128xf32, #tpu.memory_space<vmem>>) offsets(%arg6 : memref<80xi32, #tpu.memory_space<vmem>>) semaphore(%arg11 : memref<!tpu.dma_semaphore, #tpu.memory_space<semaphore_mem>>)
      %dma_wait3A = arith.constant 0 : i32
      %dma_wait3A_34 = arith.constant 0 : i32
      %dma_wait3A_35 = tpu.memref_slice %arg2[%dma_wait3A, %dma_wait3A_34] : memref<10000x128xf32, #tpu.memory_space<hbm>> -> memref<10000x128xf32, #tpu.memory_space<hbm>>
      tpu.wait_indirect_dma semaphore(%arg11 : memref<!tpu.dma_semaphore, #tpu.memory_space<semaphore_mem>>) src(%dma_wait3A_35 : memref<10000x128xf32, #tpu.memory_space<hbm>>) dst(%arg8 : memref<80x128xf32, #tpu.memory_space<vmem>>)
      "tpu.region"() ({
        %run_scoped3A = tpu.sem_alloc : memref<!tpu.dma_semaphore, #tpu.memory_space<semaphore_mem>>
        %dma_start3A_36 = arith.constant 0 : i32
        %dma_start3A_37 = arith.constant 0 : i32
        %dma_start3A_38 = tpu.memref_slice %arg10[%dma_start3A_36, %dma_start3A_37] : memref<10112x128xf32, #tpu.memory_space<vmem_shared>> -> memref<10112x128xf32, #tpu.memory_space<vmem_shared>>
        tpu.enqueue_indirect_dma source(%arg8 : memref<80x128xf32, #tpu.memory_space<vmem>>) target(%dma_start3A_38 : memref<10112x128xf32, #tpu.memory_space<vmem_shared>>) offsets(%arg7 : memref<80xi32, #tpu.memory_space<vmem>>) semaphore(%run_scoped3A : memref<!tpu.dma_semaphore, #tpu.memory_space<semaphore_mem>>) {add = true}
        %dma_wait3A_39 = arith.constant 0 : i32
        %dma_wait3A_40 = arith.constant 0 : i32
        %dma_wait3A_41 = tpu.memref_slice %arg10[%dma_wait3A_39, %dma_wait3A_40] : memref<10112x128xf32, #tpu.memory_space<vmem_shared>> -> memref<10112x128xf32, #tpu.memory_space<vmem_shared>>
        tpu.wait_indirect_dma semaphore(%run_scoped3A : memref<!tpu.dma_semaphore, #tpu.memory_space<semaphore_mem>>) src(%arg8 : memref<80x128xf32, #tpu.memory_space<vmem>>) dst(%dma_wait3A_41 : memref<10112x128xf32, #tpu.memory_space<vmem_shared>>)
        tpu.yield
      }) : () -> ()
    }
    %scan3A_19 = arith.constant 125 : i32
    %barrier3A_20 = arith.constant 0 : index
    tpu.barrier barrier_id(%barrier3A_20)
    %mul3A_21 = arith.constant 10112 : i32
    %mul3A_22 = arith.muli %arg0, %mul3A_21 : i32
    %add3A_23 = arith.addi %mul3A_22, %mul3A_7 : i32
    "tpu.region"() ({
      %run_scoped3A = tpu.sem_alloc : memref<!tpu.dma_semaphore, #tpu.memory_space<semaphore_mem>>
      %dma_start3A = arith.constant 0 : i32
      %dma_start3A_24 = tpu.memref_slice %arg5[%add3A_23, %dma_start3A] : memref<20224x128xf32, #tpu.memory_space<hbm>> -> memref<632x128xf32, #tpu.memory_space<hbm>>
      %dma_start3A_25 = arith.constant 0 : i32
      %dma_start3A_26 = tpu.memref_slice %arg10[%mul3A_7, %dma_start3A_25] : memref<10112x128xf32, #tpu.memory_space<vmem_shared>> -> memref<632x128xf32, #tpu.memory_space<vmem_shared>>
      tpu.enqueue_dma source(%dma_start3A_26 : memref<632x128xf32, #tpu.memory_space<vmem_shared>>) target(%dma_start3A_24 : memref<632x128xf32, #tpu.memory_space<hbm>>) target_semaphore(%run_scoped3A : memref<!tpu.dma_semaphore, #tpu.memory_space<semaphore_mem>>)
      %dma_wait3A = arith.constant 0 : i32
      %dma_wait3A_27 = tpu.memref_slice %arg5[%add3A_23, %dma_wait3A] : memref<20224x128xf32, #tpu.memory_space<hbm>> -> memref<632x128xf32, #tpu.memory_space<hbm>>
      %dma_wait3A_28 = arith.constant 0 : i32
      %dma_wait3A_29 = tpu.memref_slice %arg10[%mul3A_7, %dma_wait3A_28] : memref<10112x128xf32, #tpu.memory_space<vmem_shared>> -> memref<632x128xf32, #tpu.memory_space<vmem_shared>>
      tpu.wait_dma2 semaphore(%run_scoped3A : memref<!tpu.dma_semaphore, #tpu.memory_space<semaphore_mem>>) src(%dma_wait3A_29 : memref<632x128xf32, #tpu.memory_space<vmem_shared>>) dst(%dma_wait3A_27 : memref<632x128xf32, #tpu.memory_space<hbm>>)
      tpu.yield
    }) : () -> ()
    return
  }
}

#map = affine_map<(d0, d1) -> (0)>
#map1 = affine_map<(d0, d1) -> (0, 0)>
module attributes {stable_mosaic.version = 14 : i64} {
  func.func @body(%arg0: i32, %arg1: i32, %arg2: memref<320000xi32, #tpu.memory_space<hbm>>, %arg3: memref<320000xi32, #tpu.memory_space<hbm>>, %arg4: memref<20224x128xf32, #tpu.memory_space<hbm>>, %arg5: memref<80xi32, #tpu.memory_space<vmem>>, %arg6: memref<80x128xf32, #tpu.memory_space<vmem>>, %arg7: memref<8x128xf32, #tpu.memory_space<vmem>>, %arg8: memref<10112x128xf32, #tpu.memory_space<vmem_shared>>) attributes {dimension_semantics = [#tpu.dimension_semantics<core_parallel>, #tpu.dimension_semantics<subcore_parallel>], iteration_bounds = array<i64: 2, 16>, scalar_prefetch = 0 : i64, scratch_operands = 4 : i64, tpu.core_type = #tpu.core_type<sc_vector_subcore>, window_params = [{transform_indices = #map}, {transform_indices = #map}, {transform_indices = #map1}]} {
    %mul3A = arith.constant 2 : i32
    %mul3A_0 = arith.muli %arg1, %mul3A : i32
    %add3A = arith.addi %mul3A_0, %arg0 : i32
    %broadcast_in_dim3A = arith.constant 0.000000e+00 : f32
    %broadcast_in_dim3A_1 = vector.broadcast %broadcast_in_dim3A : f32 to vector<16xf32>
    %broadcast_in_dim3A_2 = arith.constant 1.000000e+00 : f32
    %broadcast_in_dim3A_3 = vector.broadcast %broadcast_in_dim3A_2 : f32 to vector<16xf32>
    %scan3A = arith.constant 0 : i32
    %scan3A_4 = arith.constant 8 : i32
    %scan3A_5 = arith.addi %scan3A, %scan3A_4 : i32
    %scan3A_6 = arith.constant 1 : i32
    scf.for %scan3A_31 = %scan3A to %scan3A_5 step %scan3A_6  : i32 {
      %mul3A_32 = arith.constant 1 : i32
      %mul3A_33 = arith.muli %scan3A_31, %mul3A_32 : i32
      %add3A_34 = arith.constant 0 : i32
      %add3A_35 = arith.addi %add3A_34, %mul3A_33 : i32
      %swap3A = arith.index_cast %add3A_35 : i32 to index
      %swap3A_36 = arith.constant 0 : index
      %swap3A_37 = tpu.vector_load %arg7[%swap3A, %swap3A_36] {strides = array<i32>} : memref<8x128xf32, #tpu.memory_space<vmem>>, vector<1x16xf32>,
      %swap3A_38 = vector.shape_cast %swap3A_37 : vector<1x16xf32> to vector<16xf32>
      %swap3A_39 = vector.shape_cast %broadcast_in_dim3A_1 : vector<16xf32> to vector<1x16xf32>
      tpu.vector_store %arg7[%swap3A, %swap3A_36], %swap3A_39 {strides = array<i32>} : memref<8x128xf32, #tpu.memory_space<vmem>>, vector<1x16xf32>,
      %swap3A_40 = arith.index_cast %add3A_35 : i32 to index
      %swap3A_41 = arith.constant 16 : index
      %swap3A_42 = tpu.vector_load %arg7[%swap3A_40, %swap3A_41] {strides = array<i32>} : memref<8x128xf32, #tpu.memory_space<vmem>>, vector<1x16xf32>,
      %swap3A_43 = vector.shape_cast %swap3A_42 : vector<1x16xf32> to vector<16xf32>
      %swap3A_44 = vector.shape_cast %broadcast_in_dim3A_1 : vector<16xf32> to vector<1x16xf32>
      tpu.vector_store %arg7[%swap3A_40, %swap3A_41], %swap3A_44 {strides = array<i32>} : memref<8x128xf32, #tpu.memory_space<vmem>>, vector<1x16xf32>,
      %swap3A_45 = arith.index_cast %add3A_35 : i32 to index
      %swap3A_46 = arith.constant 32 : index
      %swap3A_47 = tpu.vector_load %arg7[%swap3A_45, %swap3A_46] {strides = array<i32>} : memref<8x128xf32, #tpu.memory_space<vmem>>, vector<1x16xf32>,
      %swap3A_48 = vector.shape_cast %swap3A_47 : vector<1x16xf32> to vector<16xf32>
      %swap3A_49 = vector.shape_cast %broadcast_in_dim3A_1 : vector<16xf32> to vector<1x16xf32>
      tpu.vector_store %arg7[%swap3A_45, %swap3A_46], %swap3A_49 {strides = array<i32>} : memref<8x128xf32, #tpu.memory_space<vmem>>, vector<1x16xf32>,
      %swap3A_50 = arith.index_cast %add3A_35 : i32 to index
      %swap3A_51 = arith.constant 48 : index
      %swap3A_52 = tpu.vector_load %arg7[%swap3A_50, %swap3A_51] {strides = array<i32>} : memref<8x128xf32, #tpu.memory_space<vmem>>, vector<1x16xf32>,
      %swap3A_53 = vector.shape_cast %swap3A_52 : vector<1x16xf32> to vector<16xf32>
      %swap3A_54 = vector.shape_cast %broadcast_in_dim3A_1 : vector<16xf32> to vector<1x16xf32>
      tpu.vector_store %arg7[%swap3A_50, %swap3A_51], %swap3A_54 {strides = array<i32>} : memref<8x128xf32, #tpu.memory_space<vmem>>, vector<1x16xf32>,
      %swap3A_55 = arith.index_cast %add3A_35 : i32 to index
      %swap3A_56 = arith.constant 64 : index
      %swap3A_57 = tpu.vector_load %arg7[%swap3A_55, %swap3A_56] {strides = array<i32>} : memref<8x128xf32, #tpu.memory_space<vmem>>, vector<1x16xf32>,
      %swap3A_58 = vector.shape_cast %swap3A_57 : vector<1x16xf32> to vector<16xf32>
      %swap3A_59 = vector.shape_cast %broadcast_in_dim3A_1 : vector<16xf32> to vector<1x16xf32>
      tpu.vector_store %arg7[%swap3A_55, %swap3A_56], %swap3A_59 {strides = array<i32>} : memref<8x128xf32, #tpu.memory_space<vmem>>, vector<1x16xf32>,
      %swap3A_60 = arith.index_cast %add3A_35 : i32 to index
      %swap3A_61 = arith.constant 80 : index
      %swap3A_62 = tpu.vector_load %arg7[%swap3A_60, %swap3A_61] {strides = array<i32>} : memref<8x128xf32, #tpu.memory_space<vmem>>, vector<1x16xf32>,
      %swap3A_63 = vector.shape_cast %swap3A_62 : vector<1x16xf32> to vector<16xf32>
      %swap3A_64 = vector.shape_cast %broadcast_in_dim3A_1 : vector<16xf32> to vector<1x16xf32>
      tpu.vector_store %arg7[%swap3A_60, %swap3A_61], %swap3A_64 {strides = array<i32>} : memref<8x128xf32, #tpu.memory_space<vmem>>, vector<1x16xf32>,
      %swap3A_65 = arith.index_cast %add3A_35 : i32 to index
      %swap3A_66 = arith.constant 96 : index
      %swap3A_67 = tpu.vector_load %arg7[%swap3A_65, %swap3A_66] {strides = array<i32>} : memref<8x128xf32, #tpu.memory_space<vmem>>, vector<1x16xf32>,
      %swap3A_68 = vector.shape_cast %swap3A_67 : vector<1x16xf32> to vector<16xf32>
      %swap3A_69 = vector.shape_cast %broadcast_in_dim3A_1 : vector<16xf32> to vector<1x16xf32>
      tpu.vector_store %arg7[%swap3A_65, %swap3A_66], %swap3A_69 {strides = array<i32>} : memref<8x128xf32, #tpu.memory_space<vmem>>, vector<1x16xf32>,
      %swap3A_70 = arith.index_cast %add3A_35 : i32 to index
      %swap3A_71 = arith.constant 112 : index
      %swap3A_72 = tpu.vector_load %arg7[%swap3A_70, %swap3A_71] {strides = array<i32>} : memref<8x128xf32, #tpu.memory_space<vmem>>, vector<1x16xf32>,
      %swap3A_73 = vector.shape_cast %swap3A_72 : vector<1x16xf32> to vector<16xf32>
      %swap3A_74 = vector.shape_cast %broadcast_in_dim3A_1 : vector<16xf32> to vector<1x16xf32>
      tpu.vector_store %arg7[%swap3A_70, %swap3A_71], %swap3A_74 {strides = array<i32>} : memref<8x128xf32, #tpu.memory_space<vmem>>, vector<1x16xf32>,
    }
    %scan3A_7 = arith.constant 8 : i32
    %scan3A_8 = arith.constant 0 : i32
    %scan3A_9 = arith.constant 80 : i32
    %scan3A_10 = arith.addi %scan3A_8, %scan3A_9 : i32
    %scan3A_11 = arith.constant 1 : i32
    scf.for %scan3A_31 = %scan3A_8 to %scan3A_10 step %scan3A_11  : i32 {
      %mul3A_32 = arith.constant 1 : i32
      %mul3A_33 = arith.muli %scan3A_31, %mul3A_32 : i32
      %add3A_34 = arith.constant 0 : i32
      %add3A_35 = arith.addi %add3A_34, %mul3A_33 : i32
      %swap3A = arith.index_cast %add3A_35 : i32 to index
      %swap3A_36 = arith.constant 0 : index
      %swap3A_37 = tpu.vector_load %arg6[%swap3A, %swap3A_36] {strides = array<i32>} : memref<80x128xf32, #tpu.memory_space<vmem>>, vector<1x16xf32>,
      %swap3A_38 = vector.shape_cast %swap3A_37 : vector<1x16xf32> to vector<16xf32>
      %swap3A_39 = vector.shape_cast %broadcast_in_dim3A_3 : vector<16xf32> to vector<1x16xf32>
      tpu.vector_store %arg6[%swap3A, %swap3A_36], %swap3A_39 {strides = array<i32>} : memref<80x128xf32, #tpu.memory_space<vmem>>, vector<1x16xf32>,
      %swap3A_40 = arith.index_cast %add3A_35 : i32 to index
      %swap3A_41 = arith.constant 16 : index
      %swap3A_42 = tpu.vector_load %arg6[%swap3A_40, %swap3A_41] {strides = array<i32>} : memref<80x128xf32, #tpu.memory_space<vmem>>, vector<1x16xf32>,
      %swap3A_43 = vector.shape_cast %swap3A_42 : vector<1x16xf32> to vector<16xf32>
      %swap3A_44 = vector.shape_cast %broadcast_in_dim3A_3 : vector<16xf32> to vector<1x16xf32>
      tpu.vector_store %arg6[%swap3A_40, %swap3A_41], %swap3A_44 {strides = array<i32>} : memref<80x128xf32, #tpu.memory_space<vmem>>, vector<1x16xf32>,
      %swap3A_45 = arith.index_cast %add3A_35 : i32 to index
      %swap3A_46 = arith.constant 32 : index
      %swap3A_47 = tpu.vector_load %arg6[%swap3A_45, %swap3A_46] {strides = array<i32>} : memref<80x128xf32, #tpu.memory_space<vmem>>, vector<1x16xf32>,
      %swap3A_48 = vector.shape_cast %swap3A_47 : vector<1x16xf32> to vector<16xf32>
      %swap3A_49 = vector.shape_cast %broadcast_in_dim3A_3 : vector<16xf32> to vector<1x16xf32>
      tpu.vector_store %arg6[%swap3A_45, %swap3A_46], %swap3A_49 {strides = array<i32>} : memref<80x128xf32, #tpu.memory_space<vmem>>, vector<1x16xf32>,
      %swap3A_50 = arith.index_cast %add3A_35 : i32 to index
      %swap3A_51 = arith.constant 48 : index
      %swap3A_52 = tpu.vector_load %arg6[%swap3A_50, %swap3A_51] {strides = array<i32>} : memref<80x128xf32, #tpu.memory_space<vmem>>, vector<1x16xf32>,
      %swap3A_53 = vector.shape_cast %swap3A_52 : vector<1x16xf32> to vector<16xf32>
      %swap3A_54 = vector.shape_cast %broadcast_in_dim3A_3 : vector<16xf32> to vector<1x16xf32>
      tpu.vector_store %arg6[%swap3A_50, %swap3A_51], %swap3A_54 {strides = array<i32>} : memref<80x128xf32, #tpu.memory_space<vmem>>, vector<1x16xf32>,
      %swap3A_55 = arith.index_cast %add3A_35 : i32 to index
      %swap3A_56 = arith.constant 64 : index
      %swap3A_57 = tpu.vector_load %arg6[%swap3A_55, %swap3A_56] {strides = array<i32>} : memref<80x128xf32, #tpu.memory_space<vmem>>, vector<1x16xf32>,
      %swap3A_58 = vector.shape_cast %swap3A_57 : vector<1x16xf32> to vector<16xf32>
      %swap3A_59 = vector.shape_cast %broadcast_in_dim3A_3 : vector<16xf32> to vector<1x16xf32>
      tpu.vector_store %arg6[%swap3A_55, %swap3A_56], %swap3A_59 {strides = array<i32>} : memref<80x128xf32, #tpu.memory_space<vmem>>, vector<1x16xf32>,
      %swap3A_60 = arith.index_cast %add3A_35 : i32 to index
      %swap3A_61 = arith.constant 80 : index
      %swap3A_62 = tpu.vector_load %arg6[%swap3A_60, %swap3A_61] {strides = array<i32>} : memref<80x128xf32, #tpu.memory_space<vmem>>, vector<1x16xf32>,
      %swap3A_63 = vector.shape_cast %swap3A_62 : vector<1x16xf32> to vector<16xf32>
      %swap3A_64 = vector.shape_cast %broadcast_in_dim3A_3 : vector<16xf32> to vector<1x16xf32>
      tpu.vector_store %arg6[%swap3A_60, %swap3A_61], %swap3A_64 {strides = array<i32>} : memref<80x128xf32, #tpu.memory_space<vmem>>, vector<1x16xf32>,
      %swap3A_65 = arith.index_cast %add3A_35 : i32 to index
      %swap3A_66 = arith.constant 96 : index
      %swap3A_67 = tpu.vector_load %arg6[%swap3A_65, %swap3A_66] {strides = array<i32>} : memref<80x128xf32, #tpu.memory_space<vmem>>, vector<1x16xf32>,
      %swap3A_68 = vector.shape_cast %swap3A_67 : vector<1x16xf32> to vector<16xf32>
      %swap3A_69 = vector.shape_cast %broadcast_in_dim3A_3 : vector<16xf32> to vector<1x16xf32>
      tpu.vector_store %arg6[%swap3A_65, %swap3A_66], %swap3A_69 {strides = array<i32>} : memref<80x128xf32, #tpu.memory_space<vmem>>, vector<1x16xf32>,
      %swap3A_70 = arith.index_cast %add3A_35 : i32 to index
      %swap3A_71 = arith.constant 112 : index
      %swap3A_72 = tpu.vector_load %arg6[%swap3A_70, %swap3A_71] {strides = array<i32>} : memref<80x128xf32, #tpu.memory_space<vmem>>, vector<1x16xf32>,
      %swap3A_73 = vector.shape_cast %swap3A_72 : vector<1x16xf32> to vector<16xf32>
      %swap3A_74 = vector.shape_cast %broadcast_in_dim3A_3 : vector<16xf32> to vector<1x16xf32>
      tpu.vector_store %arg6[%swap3A_70, %swap3A_71], %swap3A_74 {strides = array<i32>} : memref<80x128xf32, #tpu.memory_space<vmem>>, vector<1x16xf32>,
    }
    %scan3A_12 = arith.constant 80 : i32
    %mul3A_13 = arith.constant 632 : i32
    %mul3A_14 = arith.muli %arg1, %mul3A_13 : i32
    %scan3A_15 = arith.constant 0 : i32
    %scan3A_16 = arith.constant 79 : i32
    %scan3A_17 = arith.addi %scan3A_15, %scan3A_16 : i32
    %scan3A_18 = arith.constant 1 : i32
    scf.for %scan3A_31 = %scan3A_15 to %scan3A_17 step %scan3A_18  : i32 {
      %mul3A_32 = arith.constant 1 : i32
      %mul3A_33 = arith.muli %scan3A_31, %mul3A_32 : i32
      %add3A_34 = arith.constant 0 : i32
      %add3A_35 = arith.addi %add3A_34, %mul3A_33 : i32
      %mul3A_36 = arith.constant 8 : i32
      %mul3A_37 = arith.muli %add3A_35, %mul3A_36 : i32
      %add3A_38 = arith.addi %mul3A_14, %mul3A_37 : i32
      "tpu.region"() ({
        %run_scoped3A = tpu.sem_alloc : memref<!tpu.dma_semaphore, #tpu.memory_space<semaphore_mem>>
        %dma_start3A = arith.constant 0 : i32
        %dma_start3A_39 = tpu.memref_slice %arg8[%add3A_38, %dma_start3A] : memref<10112x128xf32, #tpu.memory_space<vmem_shared>> -> memref<8x128xf32, #tpu.memory_space<vmem_shared>>
        %dma_start3A_40 = arith.constant 0 : i32
        %dma_start3A_41 = tpu.memref_slice %arg8[%add3A_38, %dma_start3A_40] : memref<10112x128xf32, #tpu.memory_space<vmem_shared>> -> memref<8x128xf32, #tpu.memory_space<vmem_shared>>
        tpu.enqueue_dma source(%arg7 : memref<8x128xf32, #tpu.memory_space<vmem>>) target(%dma_start3A_41 : memref<8x128xf32, #tpu.memory_space<vmem_shared>>) target_semaphore(%run_scoped3A : memref<!tpu.dma_semaphore, #tpu.memory_space<semaphore_mem>>)
        %dma_wait3A = arith.constant 0 : i32
        %dma_wait3A_42 = tpu.memref_slice %arg8[%add3A_38, %dma_wait3A] : memref<10112x128xf32, #tpu.memory_space<vmem_shared>> -> memref<8x128xf32, #tpu.memory_space<vmem_shared>>
        %dma_wait3A_43 = arith.constant 0 : i32
        %dma_wait3A_44 = tpu.memref_slice %arg8[%add3A_38, %dma_wait3A_43] : memref<10112x128xf32, #tpu.memory_space<vmem_shared>> -> memref<8x128xf32, #tpu.memory_space<vmem_shared>>
        tpu.wait_dma2 semaphore(%run_scoped3A : memref<!tpu.dma_semaphore, #tpu.memory_space<semaphore_mem>>) src(%arg7 : memref<8x128xf32, #tpu.memory_space<vmem>>) dst(%dma_wait3A_44 : memref<8x128xf32, #tpu.memory_space<vmem_shared>>)
        tpu.yield
      }) : () -> ()
    }
    %scan3A_19 = arith.constant 79 : i32
    %barrier3A = arith.constant 0 : index
    tpu.barrier barrier_id(%barrier3A)
    %mul3A_20 = arith.constant 10000 : i32
    %mul3A_21 = arith.muli %add3A, %mul3A_20 : i32
    %scan3A_22 = arith.constant 0 : i32
    %scan3A_23 = arith.constant 125 : i32
    %scan3A_24 = arith.addi %scan3A_22, %scan3A_23 : i32
    %scan3A_25 = arith.constant 1 : i32
    scf.for %scan3A_31 = %scan3A_22 to %scan3A_24 step %scan3A_25  : i32 {
      %mul3A_32 = arith.constant 1 : i32
      %mul3A_33 = arith.muli %scan3A_31, %mul3A_32 : i32
      %add3A_34 = arith.constant 0 : i32
      %add3A_35 = arith.addi %add3A_34, %mul3A_33 : i32
      %mul3A_36 = arith.constant 80 : i32
      %mul3A_37 = arith.muli %add3A_35, %mul3A_36 : i32
      %add3A_38 = arith.addi %mul3A_21, %mul3A_37 : i32
      "tpu.region"() ({
        %run_scoped3A = tpu.sem_alloc : memref<!tpu.dma_semaphore, #tpu.memory_space<semaphore_mem>>
        %dma_start3A = tpu.memref_slice %arg3[%add3A_38] : memref<320000xi32, #tpu.memory_space<hbm>> -> memref<80xi32, #tpu.memory_space<hbm>>
        %dma_start3A_39 = tpu.memref_slice %arg3[%add3A_38] : memref<320000xi32, #tpu.memory_space<hbm>> -> memref<80xi32, #tpu.memory_space<hbm>>
        tpu.enqueue_dma source(%dma_start3A_39 : memref<80xi32, #tpu.memory_space<hbm>>) target(%arg5 : memref<80xi32, #tpu.memory_space<vmem>>) target_semaphore(%run_scoped3A : memref<!tpu.dma_semaphore, #tpu.memory_space<semaphore_mem>>)
        %dma_wait3A = tpu.memref_slice %arg3[%add3A_38] : memref<320000xi32, #tpu.memory_space<hbm>> -> memref<80xi32, #tpu.memory_space<hbm>>
        %dma_wait3A_40 = tpu.memref_slice %arg3[%add3A_38] : memref<320000xi32, #tpu.memory_space<hbm>> -> memref<80xi32, #tpu.memory_space<hbm>>
        tpu.wait_dma2 semaphore(%run_scoped3A : memref<!tpu.dma_semaphore, #tpu.memory_space<semaphore_mem>>) src(%dma_wait3A_40 : memref<80xi32, #tpu.memory_space<hbm>>) dst(%arg5 : memref<80xi32, #tpu.memory_space<vmem>>)
        tpu.yield
      }) : () -> ()
      "tpu.region"() ({
        %run_scoped3A = tpu.sem_alloc : memref<!tpu.dma_semaphore, #tpu.memory_space<semaphore_mem>>
        %dma_start3A = arith.constant 0 : i32
        %dma_start3A_39 = arith.constant 0 : i32
        %dma_start3A_40 = tpu.memref_slice %arg8[%dma_start3A, %dma_start3A_39] : memref<10112x128xf32, #tpu.memory_space<vmem_shared>> -> memref<10112x128xf32, #tpu.memory_space<vmem_shared>>
        tpu.enqueue_indirect_dma source(%arg6 : memref<80x128xf32, #tpu.memory_space<vmem>>) target(%dma_start3A_40 : memref<10112x128xf32, #tpu.memory_space<vmem_shared>>) offsets(%arg5 : memref<80xi32, #tpu.memory_space<vmem>>) semaphore(%run_scoped3A : memref<!tpu.dma_semaphore, #tpu.memory_space<semaphore_mem>>) {add = true}
        %dma_wait3A = arith.constant 0 : i32
        %dma_wait3A_41 = arith.constant 0 : i32
        %dma_wait3A_42 = tpu.memref_slice %arg8[%dma_wait3A, %dma_wait3A_41] : memref<10112x128xf32, #tpu.memory_space<vmem_shared>> -> memref<10112x128xf32, #tpu.memory_space<vmem_shared>>
        tpu.wait_indirect_dma semaphore(%run_scoped3A : memref<!tpu.dma_semaphore, #tpu.memory_space<semaphore_mem>>) src(%arg6 : memref<80x128xf32, #tpu.memory_space<vmem>>) dst(%dma_wait3A_42 : memref<10112x128xf32, #tpu.memory_space<vmem_shared>>)
        tpu.yield
      }) : () -> ()
    }
    %scan3A_26 = arith.constant 125 : i32
    %barrier3A_27 = arith.constant 0 : index
    tpu.barrier barrier_id(%barrier3A_27)
    %mul3A_28 = arith.constant 10112 : i32
    %mul3A_29 = arith.muli %arg0, %mul3A_28 : i32
    %add3A_30 = arith.addi %mul3A_29, %mul3A_14 : i32
    "tpu.region"() ({
      %run_scoped3A = tpu.sem_alloc : memref<!tpu.dma_semaphore, #tpu.memory_space<semaphore_mem>>
      %dma_start3A = arith.constant 0 : i32
      %dma_start3A_31 = tpu.memref_slice %arg4[%add3A_30, %dma_start3A] : memref<20224x128xf32, #tpu.memory_space<hbm>> -> memref<632x128xf32, #tpu.memory_space<hbm>>
      %dma_start3A_32 = arith.constant 0 : i32
      %dma_start3A_33 = tpu.memref_slice %arg8[%mul3A_14, %dma_start3A_32] : memref<10112x128xf32, #tpu.memory_space<vmem_shared>> -> memref<632x128xf32, #tpu.memory_space<vmem_shared>>
      tpu.enqueue_dma source(%dma_start3A_33 : memref<632x128xf32, #tpu.memory_space<vmem_shared>>) target(%dma_start3A_31 : memref<632x128xf32, #tpu.memory_space<hbm>>) target_semaphore(%run_scoped3A : memref<!tpu.dma_semaphore, #tpu.memory_space<semaphore_mem>>)
      %dma_wait3A = arith.constant 0 : i32
      %dma_wait3A_34 = tpu.memref_slice %arg4[%add3A_30, %dma_wait3A] : memref<20224x128xf32, #tpu.memory_space<hbm>> -> memref<632x128xf32, #tpu.memory_space<hbm>>
      %dma_wait3A_35 = arith.constant 0 : i32
      %dma_wait3A_36 = tpu.memref_slice %arg8[%mul3A_14, %dma_wait3A_35] : memref<10112x128xf32, #tpu.memory_space<vmem_shared>> -> memref<632x128xf32, #tpu.memory_space<vmem_shared>>
      tpu.wait_dma2 semaphore(%run_scoped3A : memref<!tpu.dma_semaphore, #tpu.memory_space<semaphore_mem>>) src(%dma_wait3A_36 : memref<632x128xf32, #tpu.memory_space<vmem_shared>>) dst(%dma_wait3A_34 : memref<632x128xf32, #tpu.memory_space<hbm>>)
      tpu.yield
    }) : () -> ()
    return
  }
}

#map = affine_map<(d0, d1) -> (0, 0)>
#map1 = affine_map<(d0, d1) -> (0)>
module attributes {stable_mosaic.version = 14 : i64} {
  func.func @body(%arg0: i32, %arg1: i32, %arg2: memref<10000x128xf32, #tpu.memory_space<hbm>>, %arg3: memref<320000xi32, #tpu.memory_space<hbm>>, %arg4: memref<320000xi32, #tpu.memory_space<hbm>>, %arg5: memref<20224x128xf32, #tpu.memory_space<hbm>>, %arg6: memref<80xi32, #tpu.memory_space<vmem>>, %arg7: memref<80xi32, #tpu.memory_space<vmem>>, %arg8: memref<80x128xf32, #tpu.memory_space<vmem>>, %arg9: memref<8x128xf32, #tpu.memory_space<vmem>>, %arg10: memref<10112x128xf32, #tpu.memory_space<vmem_shared>>, %arg11: memref<!tpu.dma_semaphore, #tpu.memory_space<semaphore_mem>>) attributes {dimension_semantics = [#tpu.dimension_semantics<core_parallel>, #tpu.dimension_semantics<subcore_parallel>], iteration_bounds = array<i64: 2, 16>, scalar_prefetch = 0 : i64, scratch_operands = 6 : i64, tpu.core_type = #tpu.core_type<sc_vector_subcore>, window_params = [{transform_indices = #map}, {transform_indices = #map1}, {transform_indices = #map1}, {transform_indices = #map}]} {
    %mul3A = arith.constant 2 : i32
    %mul3A_0 = arith.muli %arg1, %mul3A : i32
    %add3A = arith.addi %mul3A_0, %arg0 : i32
    %broadcast_in_dim3A = arith.constant 0.000000e+00 : f32
    %broadcast_in_dim3A_1 = vector.broadcast %broadcast_in_dim3A : f32 to vector<16xf32>
    %scan3A = arith.constant 0 : i32
    %scan3A_2 = arith.constant 8 : i32
    %scan3A_3 = arith.addi %scan3A, %scan3A_2 : i32
    %scan3A_4 = arith.constant 1 : i32
    scf.for %scan3A_24 = %scan3A to %scan3A_3 step %scan3A_4  : i32 {
      %mul3A_25 = arith.constant 1 : i32
      %mul3A_26 = arith.muli %scan3A_24, %mul3A_25 : i32
      %add3A_27 = arith.constant 0 : i32
      %add3A_28 = arith.addi %add3A_27, %mul3A_26 : i32
      %swap3A = arith.index_cast %add3A_28 : i32 to index
      %swap3A_29 = arith.constant 0 : index
      %swap3A_30 = tpu.vector_load %arg9[%swap3A, %swap3A_29] {strides = array<i32>} : memref<8x128xf32, #tpu.memory_space<vmem>>, vector<1x16xf32>,
      %swap3A_31 = vector.shape_cast %swap3A_30 : vector<1x16xf32> to vector<16xf32>
      %swap3A_32 = vector.shape_cast %broadcast_in_dim3A_1 : vector<16xf32> to vector<1x16xf32>
      tpu.vector_store %arg9[%swap3A, %swap3A_29], %swap3A_32 {strides = array<i32>} : memref<8x128xf32, #tpu.memory_space<vmem>>, vector<1x16xf32>,
      %swap3A_33 = arith.index_cast %add3A_28 : i32 to index
      %swap3A_34 = arith.constant 16 : index
      %swap3A_35 = tpu.vector_load %arg9[%swap3A_33, %swap3A_34] {strides = array<i32>} : memref<8x128xf32, #tpu.memory_space<vmem>>, vector<1x16xf32>,
      %swap3A_36 = vector.shape_cast %swap3A_35 : vector<1x16xf32> to vector<16xf32>
      %swap3A_37 = vector.shape_cast %broadcast_in_dim3A_1 : vector<16xf32> to vector<1x16xf32>
      tpu.vector_store %arg9[%swap3A_33, %swap3A_34], %swap3A_37 {strides = array<i32>} : memref<8x128xf32, #tpu.memory_space<vmem>>, vector<1x16xf32>,
      %swap3A_38 = arith.index_cast %add3A_28 : i32 to index
      %swap3A_39 = arith.constant 32 : index
      %swap3A_40 = tpu.vector_load %arg9[%swap3A_38, %swap3A_39] {strides = array<i32>} : memref<8x128xf32, #tpu.memory_space<vmem>>, vector<1x16xf32>,
      %swap3A_41 = vector.shape_cast %swap3A_40 : vector<1x16xf32> to vector<16xf32>
      %swap3A_42 = vector.shape_cast %broadcast_in_dim3A_1 : vector<16xf32> to vector<1x16xf32>
      tpu.vector_store %arg9[%swap3A_38, %swap3A_39], %swap3A_42 {strides = array<i32>} : memref<8x128xf32, #tpu.memory_space<vmem>>, vector<1x16xf32>,
      %swap3A_43 = arith.index_cast %add3A_28 : i32 to index
      %swap3A_44 = arith.constant 48 : index
      %swap3A_45 = tpu.vector_load %arg9[%swap3A_43, %swap3A_44] {strides = array<i32>} : memref<8x128xf32, #tpu.memory_space<vmem>>, vector<1x16xf32>,
      %swap3A_46 = vector.shape_cast %swap3A_45 : vector<1x16xf32> to vector<16xf32>
      %swap3A_47 = vector.shape_cast %broadcast_in_dim3A_1 : vector<16xf32> to vector<1x16xf32>
      tpu.vector_store %arg9[%swap3A_43, %swap3A_44], %swap3A_47 {strides = array<i32>} : memref<8x128xf32, #tpu.memory_space<vmem>>, vector<1x16xf32>,
      %swap3A_48 = arith.index_cast %add3A_28 : i32 to index
      %swap3A_49 = arith.constant 64 : index
      %swap3A_50 = tpu.vector_load %arg9[%swap3A_48, %swap3A_49] {strides = array<i32>} : memref<8x128xf32, #tpu.memory_space<vmem>>, vector<1x16xf32>,
      %swap3A_51 = vector.shape_cast %swap3A_50 : vector<1x16xf32> to vector<16xf32>
      %swap3A_52 = vector.shape_cast %broadcast_in_dim3A_1 : vector<16xf32> to vector<1x16xf32>
      tpu.vector_store %arg9[%swap3A_48, %swap3A_49], %swap3A_52 {strides = array<i32>} : memref<8x128xf32, #tpu.memory_space<vmem>>, vector<1x16xf32>,
      %swap3A_53 = arith.index_cast %add3A_28 : i32 to index
      %swap3A_54 = arith.constant 80 : index
      %swap3A_55 = tpu.vector_load %arg9[%swap3A_53, %swap3A_54] {strides = array<i32>} : memref<8x128xf32, #tpu.memory_space<vmem>>, vector<1x16xf32>,
      %swap3A_56 = vector.shape_cast %swap3A_55 : vector<1x16xf32> to vector<16xf32>
      %swap3A_57 = vector.shape_cast %broadcast_in_dim3A_1 : vector<16xf32> to vector<1x16xf32>
      tpu.vector_store %arg9[%swap3A_53, %swap3A_54], %swap3A_57 {strides = array<i32>} : memref<8x128xf32, #tpu.memory_space<vmem>>, vector<1x16xf32>,
      %swap3A_58 = arith.index_cast %add3A_28 : i32 to index
      %swap3A_59 = arith.constant 96 : index
      %swap3A_60 = tpu.vector_load %arg9[%swap3A_58, %swap3A_59] {strides = array<i32>} : memref<8x128xf32, #tpu.memory_space<vmem>>, vector<1x16xf32>,
      %swap3A_61 = vector.shape_cast %swap3A_60 : vector<1x16xf32> to vector<16xf32>
      %swap3A_62 = vector.shape_cast %broadcast_in_dim3A_1 : vector<16xf32> to vector<1x16xf32>
      tpu.vector_store %arg9[%swap3A_58, %swap3A_59], %swap3A_62 {strides = array<i32>} : memref<8x128xf32, #tpu.memory_space<vmem>>, vector<1x16xf32>,
      %swap3A_63 = arith.index_cast %add3A_28 : i32 to index
      %swap3A_64 = arith.constant 112 : index
      %swap3A_65 = tpu.vector_load %arg9[%swap3A_63, %swap3A_64] {strides = array<i32>} : memref<8x128xf32, #tpu.memory_space<vmem>>, vector<1x16xf32>,
      %swap3A_66 = vector.shape_cast %swap3A_65 : vector<1x16xf32> to vector<16xf32>
      %swap3A_67 = vector.shape_cast %broadcast_in_dim3A_1 : vector<16xf32> to vector<1x16xf32>
      tpu.vector_store %arg9[%swap3A_63, %swap3A_64], %swap3A_67 {strides = array<i32>} : memref<8x128xf32, #tpu.memory_space<vmem>>, vector<1x16xf32>,
    }
    %scan3A_5 = arith.constant 8 : i32
    %mul3A_6 = arith.constant 632 : i32
    %mul3A_7 = arith.muli %arg1, %mul3A_6 : i32
    %scan3A_8 = arith.constant 0 : i32
    %scan3A_9 = arith.constant 79 : i32
    %scan3A_10 = arith.addi %scan3A_8, %scan3A_9 : i32
    %scan3A_11 = arith.constant 1 : i32
    scf.for %scan3A_24 = %scan3A_8 to %scan3A_10 step %scan3A_11  : i32 {
      %mul3A_25 = arith.constant 1 : i32
      %mul3A_26 = arith.muli %scan3A_24, %mul3A_25 : i32
      %add3A_27 = arith.constant 0 : i32
      %add3A_28 = arith.addi %add3A_27, %mul3A_26 : i32
      %mul3A_29 = arith.constant 8 : i32
      %mul3A_30 = arith.muli %add3A_28, %mul3A_29 : i32
      %add3A_31 = arith.addi %mul3A_7, %mul3A_30 : i32
      "tpu.region"() ({
        %run_scoped3A = tpu.sem_alloc : memref<!tpu.dma_semaphore, #tpu.memory_space<semaphore_mem>>
        %dma_start3A = arith.constant 0 : i32
        %dma_start3A_32 = tpu.memref_slice %arg10[%add3A_31, %dma_start3A] : memref<10112x128xf32, #tpu.memory_space<vmem_shared>> -> memref<8x128xf32, #tpu.memory_space<vmem_shared>>
        %dma_start3A_33 = arith.constant 0 : i32
        %dma_start3A_34 = tpu.memref_slice %arg10[%add3A_31, %dma_start3A_33] : memref<10112x128xf32, #tpu.memory_space<vmem_shared>> -> memref<8x128xf32, #tpu.memory_space<vmem_shared>>
        tpu.enqueue_dma source(%arg9 : memref<8x128xf32, #tpu.memory_space<vmem>>) target(%dma_start3A_34 : memref<8x128xf32, #tpu.memory_space<vmem_shared>>) target_semaphore(%run_scoped3A : memref<!tpu.dma_semaphore, #tpu.memory_space<semaphore_mem>>)
        %dma_wait3A = arith.constant 0 : i32
        %dma_wait3A_35 = tpu.memref_slice %arg10[%add3A_31, %dma_wait3A] : memref<10112x128xf32, #tpu.memory_space<vmem_shared>> -> memref<8x128xf32, #tpu.memory_space<vmem_shared>>
        %dma_wait3A_36 = arith.constant 0 : i32
        %dma_wait3A_37 = tpu.memref_slice %arg10[%add3A_31, %dma_wait3A_36] : memref<10112x128xf32, #tpu.memory_space<vmem_shared>> -> memref<8x128xf32, #tpu.memory_space<vmem_shared>>
        tpu.wait_dma2 semaphore(%run_scoped3A : memref<!tpu.dma_semaphore, #tpu.memory_space<semaphore_mem>>) src(%arg9 : memref<8x128xf32, #tpu.memory_space<vmem>>) dst(%dma_wait3A_37 : memref<8x128xf32, #tpu.memory_space<vmem_shared>>)
        tpu.yield
      }) : () -> ()
    }
    %scan3A_12 = arith.constant 79 : i32
    %barrier3A = arith.constant 0 : index
    tpu.barrier barrier_id(%barrier3A)
    %mul3A_13 = arith.constant 10000 : i32
    %mul3A_14 = arith.muli %add3A, %mul3A_13 : i32
    %scan3A_15 = arith.constant 0 : i32
    %scan3A_16 = arith.constant 125 : i32
    %scan3A_17 = arith.addi %scan3A_15, %scan3A_16 : i32
    %scan3A_18 = arith.constant 1 : i32
    scf.for %scan3A_24 = %scan3A_15 to %scan3A_17 step %scan3A_18  : i32 {
      %mul3A_25 = arith.constant 1 : i32
      %mul3A_26 = arith.muli %scan3A_24, %mul3A_25 : i32
      %add3A_27 = arith.constant 0 : i32
      %add3A_28 = arith.addi %add3A_27, %mul3A_26 : i32
      %mul3A_29 = arith.constant 80 : i32
      %mul3A_30 = arith.muli %add3A_28, %mul3A_29 : i32
      %add3A_31 = arith.addi %mul3A_14, %mul3A_30 : i32
      "tpu.region"() ({
        %run_scoped3A = tpu.sem_alloc : memref<!tpu.dma_semaphore, #tpu.memory_space<semaphore_mem>>
        %dma_start3A_36 = tpu.memref_slice %arg3[%add3A_31] : memref<320000xi32, #tpu.memory_space<hbm>> -> memref<80xi32, #tpu.memory_space<hbm>>
        %dma_start3A_37 = tpu.memref_slice %arg3[%add3A_31] : memref<320000xi32, #tpu.memory_space<hbm>> -> memref<80xi32, #tpu.memory_space<hbm>>
        tpu.enqueue_dma source(%dma_start3A_37 : memref<80xi32, #tpu.memory_space<hbm>>) target(%arg6 : memref<80xi32, #tpu.memory_space<vmem>>) target_semaphore(%run_scoped3A : memref<!tpu.dma_semaphore, #tpu.memory_space<semaphore_mem>>)
        %dma_wait3A_38 = tpu.memref_slice %arg3[%add3A_31] : memref<320000xi32, #tpu.memory_space<hbm>> -> memref<80xi32, #tpu.memory_space<hbm>>
        %dma_wait3A_39 = tpu.memref_slice %arg3[%add3A_31] : memref<320000xi32, #tpu.memory_space<hbm>> -> memref<80xi32, #tpu.memory_space<hbm>>
        tpu.wait_dma2 semaphore(%run_scoped3A : memref<!tpu.dma_semaphore, #tpu.memory_space<semaphore_mem>>) src(%dma_wait3A_39 : memref<80xi32, #tpu.memory_space<hbm>>) dst(%arg6 : memref<80xi32, #tpu.memory_space<vmem>>)
        tpu.yield
      }) : () -> ()
      "tpu.region"() ({
        %run_scoped3A = tpu.sem_alloc : memref<!tpu.dma_semaphore, #tpu.memory_space<semaphore_mem>>
        %dma_start3A_36 = tpu.memref_slice %arg4[%add3A_31] : memref<320000xi32, #tpu.memory_space<hbm>> -> memref<80xi32, #tpu.memory_space<hbm>>
        %dma_start3A_37 = tpu.memref_slice %arg4[%add3A_31] : memref<320000xi32, #tpu.memory_space<hbm>> -> memref<80xi32, #tpu.memory_space<hbm>>
        tpu.enqueue_dma source(%dma_start3A_37 : memref<80xi32, #tpu.memory_space<hbm>>) target(%arg7 : memref<80xi32, #tpu.memory_space<vmem>>) target_semaphore(%run_scoped3A : memref<!tpu.dma_semaphore, #tpu.memory_space<semaphore_mem>>)
        %dma_wait3A_38 = tpu.memref_slice %arg4[%add3A_31] : memref<320000xi32, #tpu.memory_space<hbm>> -> memref<80xi32, #tpu.memory_space<hbm>>
        %dma_wait3A_39 = tpu.memref_slice %arg4[%add3A_31] : memref<320000xi32, #tpu.memory_space<hbm>> -> memref<80xi32, #tpu.memory_space<hbm>>
        tpu.wait_dma2 semaphore(%run_scoped3A : memref<!tpu.dma_semaphore, #tpu.memory_space<semaphore_mem>>) src(%dma_wait3A_39 : memref<80xi32, #tpu.memory_space<hbm>>) dst(%arg7 : memref<80xi32, #tpu.memory_space<vmem>>)
        tpu.yield
      }) : () -> ()
      %dma_start3A = arith.constant 0 : i32
      %dma_start3A_32 = arith.constant 0 : i32
      %dma_start3A_33 = tpu.memref_slice %arg2[%dma_start3A, %dma_start3A_32] : memref<10000x128xf32, #tpu.memory_space<hbm>> -> memref<10000x128xf32, #tpu.memory_space<hbm>>
      tpu.enqueue_indirect_dma source(%dma_start3A_33 : memref<10000x128xf32, #tpu.memory_space<hbm>>) target(%arg8 : memref<80x128xf32, #tpu.memory_space<vmem>>) offsets(%arg6 : memref<80xi32, #tpu.memory_space<vmem>>) semaphore(%arg11 : memref<!tpu.dma_semaphore, #tpu.memory_space<semaphore_mem>>)
      %dma_wait3A = arith.constant 0 : i32
      %dma_wait3A_34 = arith.constant 0 : i32
      %dma_wait3A_35 = tpu.memref_slice %arg2[%dma_wait3A, %dma_wait3A_34] : memref<10000x128xf32, #tpu.memory_space<hbm>> -> memref<10000x128xf32, #tpu.memory_space<hbm>>
      tpu.wait_indirect_dma semaphore(%arg11 : memref<!tpu.dma_semaphore, #tpu.memory_space<semaphore_mem>>) src(%dma_wait3A_35 : memref<10000x128xf32, #tpu.memory_space<hbm>>) dst(%arg8 : memref<80x128xf32, #tpu.memory_space<vmem>>)
      "tpu.region"() ({
        %run_scoped3A = tpu.sem_alloc : memref<!tpu.dma_semaphore, #tpu.memory_space<semaphore_mem>>
        %dma_start3A_36 = arith.constant 0 : i32
        %dma_start3A_37 = arith.constant 0 : i32
        %dma_start3A_38 = tpu.memref_slice %arg10[%dma_start3A_36, %dma_start3A_37] : memref<10112x128xf32, #tpu.memory_space<vmem_shared>> -> memref<10112x128xf32, #tpu.memory_space<vmem_shared>>
        tpu.enqueue_indirect_dma source(%arg8 : memref<80x128xf32, #tpu.memory_space<vmem>>) target(%dma_start3A_38 : memref<10112x128xf32, #tpu.memory_space<vmem_shared>>) offsets(%arg7 : memref<80xi32, #tpu.memory_space<vmem>>) semaphore(%run_scoped3A : memref<!tpu.dma_semaphore, #tpu.memory_space<semaphore_mem>>) {add = true}
        %dma_wait3A_39 = arith.constant 0 : i32
        %dma_wait3A_40 = arith.constant 0 : i32
        %dma_wait3A_41 = tpu.memref_slice %arg10[%dma_wait3A_39, %dma_wait3A_40] : memref<10112x128xf32, #tpu.memory_space<vmem_shared>> -> memref<10112x128xf32, #tpu.memory_space<vmem_shared>>
        tpu.wait_indirect_dma semaphore(%run_scoped3A : memref<!tpu.dma_semaphore, #tpu.memory_space<semaphore_mem>>) src(%arg8 : memref<80x128xf32, #tpu.memory_space<vmem>>) dst(%dma_wait3A_41 : memref<10112x128xf32, #tpu.memory_space<vmem_shared>>)
        tpu.yield
      }) : () -> ()
    }
    %scan3A_19 = arith.constant 125 : i32
    %barrier3A_20 = arith.constant 0 : index
    tpu.barrier barrier_id(%barrier3A_20)
    %mul3A_21 = arith.constant 10112 : i32
    %mul3A_22 = arith.muli %arg0, %mul3A_21 : i32
    %add3A_23 = arith.addi %mul3A_22, %mul3A_7 : i32
    "tpu.region"() ({
      %run_scoped3A = tpu.sem_alloc : memref<!tpu.dma_semaphore, #tpu.memory_space<semaphore_mem>>
      %dma_start3A = arith.constant 0 : i32
      %dma_start3A_24 = tpu.memref_slice %arg5[%add3A_23, %dma_start3A] : memref<20224x128xf32, #tpu.memory_space<hbm>> -> memref<632x128xf32, #tpu.memory_space<hbm>>
      %dma_start3A_25 = arith.constant 0 : i32
      %dma_start3A_26 = tpu.memref_slice %arg10[%mul3A_7, %dma_start3A_25] : memref<10112x128xf32, #tpu.memory_space<vmem_shared>> -> memref<632x128xf32, #tpu.memory_space<vmem_shared>>
      tpu.enqueue_dma source(%dma_start3A_26 : memref<632x128xf32, #tpu.memory_space<vmem_shared>>) target(%dma_start3A_24 : memref<632x128xf32, #tpu.memory_space<hbm>>) target_semaphore(%run_scoped3A : memref<!tpu.dma_semaphore, #tpu.memory_space<semaphore_mem>>)
      %dma_wait3A = arith.constant 0 : i32
      %dma_wait3A_27 = tpu.memref_slice %arg5[%add3A_23, %dma_wait3A] : memref<20224x128xf32, #tpu.memory_space<hbm>> -> memref<632x128xf32, #tpu.memory_space<hbm>>
      %dma_wait3A_28 = arith.constant 0 : i32
      %dma_wait3A_29 = tpu.memref_slice %arg10[%mul3A_7, %dma_wait3A_28] : memref<10112x128xf32, #tpu.memory_space<vmem_shared>> -> memref<632x128xf32, #tpu.memory_space<vmem_shared>>
      tpu.wait_dma2 semaphore(%run_scoped3A : memref<!tpu.dma_semaphore, #tpu.memory_space<semaphore_mem>>) src(%dma_wait3A_29 : memref<632x128xf32, #tpu.memory_space<vmem_shared>>) dst(%dma_wait3A_27 : memref<632x128xf32, #tpu.memory_space<hbm>>)
      tpu.yield
    }) : () -> ()
    return
  }
}

module attributes {stable_mosaic.version = 14 : i64} {
  func.func @_combine_body(%arg0: i32, %arg1: memref<2x1000x128xf32, #tpu.memory_space<vmem>>, %arg2: memref<2x1000x128xf32, #tpu.memory_space<vmem>>, %arg3: memref<1000x128xf32, #tpu.memory_space<vmem>>, %arg4: memref<128x128xf32, #tpu.memory_space<vmem>>, %arg5: memref<128x128xf32, #tpu.memory_space<vmem>>, %arg6: memref<1000x128xf32, #tpu.memory_space<vmem>>, %arg7: memref<1000x128xf32, #tpu.memory_space<vmem>>, %arg8: memref<1000x128xf32, #tpu.memory_space<vmem>>) attributes {dimension_semantics = [#tpu.dimension_semantics<arbitrary>], iteration_bounds = array<i64: 10>, scalar_prefetch = 0 : i64, scratch_operands = 0 : i64, tpu.core_type = #tpu.core_type<tc>, window_params = [{transform_indices = @transform_0, window_bounds = array<i64: 2, 1000, 128>}, {transform_indices = @transform_1, window_bounds = array<i64: 2, 1000, 128>}, {transform_indices = @transform_2, window_bounds = array<i64: 1000, 128>}, {pipeline_mode = #tpu.pipeline_mode<synchronous>, transform_indices = @transform_3, window_bounds = array<i64: 128, 128>}, {pipeline_mode = #tpu.pipeline_mode<synchronous>, transform_indices = @transform_4, window_bounds = array<i64: 128, 128>}, {transform_indices = @transform_5, window_bounds = array<i64: 1000, 128>}, {transform_indices = @transform_6, window_bounds = array<i64: 1000, 128>}, {transform_indices = @transform_7, window_bounds = array<i64: 1000, 128>}]} {
    %get3A = arith.constant 0 : index
    %get3A_0 = arith.constant 0 : index
    %get3A_1 = arith.constant 0 : index
    %get3A_2 = vector.load %arg1[%get3A, %get3A_0, %get3A_1] : memref<2x1000x128xf32, #tpu.memory_space<vmem>>, vector<1x1000x128xf32>
    %get3A_3 = vector.shape_cast %get3A_2 : vector<1x1000x128xf32> to vector<1000x128xf32>
    %get3A_4 = arith.constant 1 : index
    %get3A_5 = arith.constant 0 : index
    %get3A_6 = arith.constant 0 : index
    %get3A_7 = vector.load %arg1[%get3A_4, %get3A_5, %get3A_6] : memref<2x1000x128xf32, #tpu.memory_space<vmem>>, vector<1x1000x128xf32>
    %get3A_8 = vector.shape_cast %get3A_7 : vector<1x1000x128xf32> to vector<1000x128xf32>
    %add3A = arith.addf %get3A_3, %get3A_8 : vector<1000x128xf32>
    %get3A_9 = arith.constant 0 : index
    %get3A_10 = arith.constant 0 : index
    %get3A_11 = arith.constant 0 : index
    %get3A_12 = vector.load %arg2[%get3A_9, %get3A_10, %get3A_11] : memref<2x1000x128xf32, #tpu.memory_space<vmem>>, vector<1x1000x1xf32>
    %get3A_13 = vector.shape_cast %get3A_12 : vector<1x1000x1xf32> to vector<1000x1xf32>
    %get3A_14 = arith.constant 1 : index
    %get3A_15 = arith.constant 0 : index
    %get3A_16 = arith.constant 0 : index
    %get3A_17 = vector.load %arg2[%get3A_14, %get3A_15, %get3A_16] : memref<2x1000x128xf32, #tpu.memory_space<vmem>>, vector<1x1000x1xf32>
    %get3A_18 = vector.shape_cast %get3A_17 : vector<1x1000x1xf32> to vector<1000x1xf32>
    %add3A_19 = arith.addf %get3A_13, %get3A_18 : vector<1000x1xf32>
    %max3A = arith.constant 1.000000e+00 : f32
    %max3A_20 = vector.broadcast %max3A : f32 to vector<1000x1xf32>
    %max3A_21 = arith.maximumf %add3A_19, %max3A_20 : vector<1000x1xf32>
    %div3A = vector.broadcast %max3A_21 : vector<1000x1xf32> to vector<1000x128xf32>
    %div3A_22 = arith.divf %add3A, %div3A : vector<1000x128xf32>
    %get3A_23 = arith.constant 0 : index
    %get3A_24 = arith.constant 0 : index
    %get3A_25 = vector.load %arg3[%get3A_23, %get3A_24] : memref<1000x128xf32, #tpu.memory_space<vmem>>, vector<1000x128xf32>
    %add3A_26 = arith.addf %div3A_22, %get3A_25 : vector<1000x128xf32>
    %max3A_27 = arith.constant 0.000000e+00 : f32
    %max3A_28 = vector.broadcast %max3A_27 : f32 to vector<1000x128xf32>
    %max3A_29 = arith.maximumf %add3A_26, %max3A_28 : vector<1000x128xf32>
    %swap3A = arith.constant 0 : index
    %swap3A_30 = arith.constant 0 : index
    %swap3A_31 = vector.load %arg6[%swap3A, %swap3A_30] : memref<1000x128xf32, #tpu.memory_space<vmem>>, vector<1000x128xf32>
    tpu.vector_store %arg6[%swap3A, %swap3A_30], %max3A_29 {strides = array<i32>} : memref<1000x128xf32, #tpu.memory_space<vmem>>, vector<1000x128xf32>,
    %get3A_32 = arith.constant 0 : index
    %get3A_33 = arith.constant 0 : index
    %get3A_34 = vector.load %arg4[%get3A_32, %get3A_33] : memref<128x128xf32, #tpu.memory_space<vmem>>, vector<128x128xf32>
    %dot_general3A = arith.constant dense<0.000000e+00> : vector<1000x128xf32>
    %dot_general3A_35 = tpu.matmul %max3A_29, %get3A_34, %dot_general3A {dimension_numbers = #tpu.dot_dimension_numbers<[1], [0], [0], [1], [0, 0, 1, 1], [], []>, transpose_lhs_hint = false} : vector<1000x128xf32>, vector<128x128xf32>, vector<1000x128xf32> -> vector<1000x128xf32>
    %swap3A_36 = arith.constant 0 : index
    %swap3A_37 = arith.constant 0 : index
    %swap3A_38 = vector.load %arg7[%swap3A_36, %swap3A_37] : memref<1000x128xf32, #tpu.memory_space<vmem>>, vector<1000x128xf32>
    tpu.vector_store %arg7[%swap3A_36, %swap3A_37], %dot_general3A_35 {strides = array<i32>} : memref<1000x128xf32, #tpu.memory_space<vmem>>, vector<1000x128xf32>,
    %get3A_39 = arith.constant 0 : index
    %get3A_40 = arith.constant 0 : index
    %get3A_41 = vector.load %arg5[%get3A_39, %get3A_40] : memref<128x128xf32, #tpu.memory_space<vmem>>, vector<128x128xf32>
    %dot_general3A_42 = arith.constant dense<0.000000e+00> : vector<1000x128xf32>
    %dot_general3A_43 = tpu.matmul %max3A_29, %get3A_41, %dot_general3A_42 {dimension_numbers = #tpu.dot_dimension_numbers<[1], [0], [0], [1], [0, 0, 1, 1], [], []>, transpose_lhs_hint = false} : vector<1000x128xf32>, vector<128x128xf32>, vector<1000x128xf32> -> vector<1000x128xf32>
    %swap3A_44 = arith.constant 0 : index
    %swap3A_45 = arith.constant 0 : index
    %swap3A_46 = vector.load %arg8[%swap3A_44, %swap3A_45] : memref<1000x128xf32, #tpu.memory_space<vmem>>, vector<1000x128xf32>
    tpu.vector_store %arg8[%swap3A_44, %swap3A_45], %dot_general3A_43 {strides = array<i32>} : memref<1000x128xf32, #tpu.memory_space<vmem>>, vector<1000x128xf32>,
    return
  }
  func.func @transform_0(%arg0: i32) -> (i32, i32, i32) {
    %c0_i32 = arith.constant 0 : i32
    %c0_i32_0 = arith.constant 0 : i32
    %c0_i32_1 = arith.constant 0 : i32
    return %c0_i32, %arg0, %c0_i32_0 : i32, i32, i32
  }
  func.func @transform_1(%arg0: i32) -> (i32, i32, i32) {
    %c0_i32 = arith.constant 0 : i32
    %c0_i32_0 = arith.constant 0 : i32
    %c0_i32_1 = arith.constant 0 : i32
    return %c0_i32, %arg0, %c0_i32_0 : i32, i32, i32
  }
  func.func @transform_2(%arg0: i32) -> (i32, i32) {
    %c0_i32 = arith.constant 0 : i32
    %c0_i32_0 = arith.constant 0 : i32
    return %arg0, %c0_i32 : i32, i32
  }
  func.func @transform_3(%arg0: i32) -> (i32, i32) {
    %c0_i32 = arith.constant 0 : i32
    %c0_i32_0 = arith.constant 0 : i32
    %c0_i32_1 = arith.constant 0 : i32
    return %c0_i32, %c0_i32_0 : i32, i32
  }
  func.func @transform_4(%arg0: i32) -> (i32, i32) {
    %c0_i32 = arith.constant 0 : i32
    %c0_i32_0 = arith.constant 0 : i32
    %c0_i32_1 = arith.constant 0 : i32
    return %c0_i32, %c0_i32_0 : i32, i32
  }
  func.func @transform_5(%arg0: i32) -> (i32, i32) {
    %c0_i32 = arith.constant 0 : i32
    %c0_i32_0 = arith.constant 0 : i32
    return %arg0, %c0_i32 : i32, i32
  }
  func.func @transform_6(%arg0: i32) -> (i32, i32) {
    %c0_i32 = arith.constant 0 : i32
    %c0_i32_0 = arith.constant 0 : i32
    return %arg0, %c0_i32 : i32, i32
  }
  func.func @transform_7(%arg0: i32) -> (i32, i32) {
    %c0_i32 = arith.constant 0 : i32
    %c0_i32_0 = arith.constant 0 : i32
    return %arg0, %c0_i32 : i32, i32
  }
}

module attributes {stable_mosaic.version = 14 : i64} {
  func.func @_mm2_body(%arg0: i32, %arg1: memref<1000x128xf32, #tpu.memory_space<vmem>>, %arg2: memref<128x128xf32, #tpu.memory_space<vmem>>, %arg3: memref<128x128xf32, #tpu.memory_space<vmem>>, %arg4: memref<1000x128xf32, #tpu.memory_space<vmem>>, %arg5: memref<1000x128xf32, #tpu.memory_space<vmem>>) attributes {dimension_semantics = [#tpu.dimension_semantics<arbitrary>], iteration_bounds = array<i64: 10>, scalar_prefetch = 0 : i64, scratch_operands = 0 : i64, tpu.core_type = #tpu.core_type<tc>, window_params = [{transform_indices = @transform_0, window_bounds = array<i64: 1000, 128>}, {pipeline_mode = #tpu.pipeline_mode<synchronous>, transform_indices = @transform_1, window_bounds = array<i64: 128, 128>}, {pipeline_mode = #tpu.pipeline_mode<synchronous>, transform_indices = @transform_2, window_bounds = array<i64: 128, 128>}, {transform_indices = @transform_3, window_bounds = array<i64: 1000, 128>}, {transform_indices = @transform_4, window_bounds = array<i64: 1000, 128>}]} {
    %get3A = arith.constant 0 : index
    %get3A_0 = arith.constant 0 : index
    %get3A_1 = vector.load %arg1[%get3A, %get3A_0] : memref<1000x128xf32, #tpu.memory_space<vmem>>, vector<1000x128xf32>
    %get3A_2 = arith.constant 0 : index
    %get3A_3 = arith.constant 0 : index
    %get3A_4 = vector.load %arg2[%get3A_2, %get3A_3] : memref<128x128xf32, #tpu.memory_space<vmem>>, vector<128x128xf32>
    %dot_general3A = arith.constant dense<0.000000e+00> : vector<1000x128xf32>
    %dot_general3A_5 = tpu.matmul %get3A_1, %get3A_4, %dot_general3A {dimension_numbers = #tpu.dot_dimension_numbers<[1], [0], [0], [1], [0, 0, 1, 1], [], []>, transpose_lhs_hint = false} : vector<1000x128xf32>, vector<128x128xf32>, vector<1000x128xf32> -> vector<1000x128xf32>
    %swap3A = arith.constant 0 : index
    %swap3A_6 = arith.constant 0 : index
    %swap3A_7 = vector.load %arg4[%swap3A, %swap3A_6] : memref<1000x128xf32, #tpu.memory_space<vmem>>, vector<1000x128xf32>
    tpu.vector_store %arg4[%swap3A, %swap3A_6], %dot_general3A_5 {strides = array<i32>} : memref<1000x128xf32, #tpu.memory_space<vmem>>, vector<1000x128xf32>,
    %get3A_8 = arith.constant 0 : index
    %get3A_9 = arith.constant 0 : index
    %get3A_10 = vector.load %arg3[%get3A_8, %get3A_9] : memref<128x128xf32, #tpu.memory_space<vmem>>, vector<128x128xf32>
    %dot_general3A_11 = arith.constant dense<0.000000e+00> : vector<1000x128xf32>
    %dot_general3A_12 = tpu.matmul %get3A_1, %get3A_10, %dot_general3A_11 {dimension_numbers = #tpu.dot_dimension_numbers<[1], [0], [0], [1], [0, 0, 1, 1], [], []>, transpose_lhs_hint = false} : vector<1000x128xf32>, vector<128x128xf32>, vector<1000x128xf32> -> vector<1000x128xf32>
    %swap3A_13 = arith.constant 0 : index
    %swap3A_14 = arith.constant 0 : index
    %swap3A_15 = vector.load %arg5[%swap3A_13, %swap3A_14] : memref<1000x128xf32, #tpu.memory_space<vmem>>, vector<1000x128xf32>
    tpu.vector_store %arg5[%swap3A_13, %swap3A_14], %dot_general3A_12 {strides = array<i32>} : memref<1000x128xf32, #tpu.memory_space<vmem>>, vector<1000x128xf32>,
    return
  }
  func.func @transform_0(%arg0: i32) -> (i32, i32) {
    %c0_i32 = arith.constant 0 : i32
    %c0_i32_0 = arith.constant 0 : i32
    return %arg0, %c0_i32 : i32, i32
  }
  func.func @transform_1(%arg0: i32) -> (i32, i32) {
    %c0_i32 = arith.constant 0 : i32
    %c0_i32_0 = arith.constant 0 : i32
    %c0_i32_1 = arith.constant 0 : i32
    return %c0_i32, %c0_i32_0 : i32, i32
  }
  func.func @transform_2(%arg0: i32) -> (i32, i32) {
    %c0_i32 = arith.constant 0 : i32
    %c0_i32_0 = arith.constant 0 : i32
    %c0_i32_1 = arith.constant 0 : i32
    return %c0_i32, %c0_i32_0 : i32, i32
  }
  func.func @transform_3(%arg0: i32) -> (i32, i32) {
    %c0_i32 = arith.constant 0 : i32
    %c0_i32_0 = arith.constant 0 : i32
    return %arg0, %c0_i32 : i32, i32
  }
  func.func @transform_4(%arg0: i32) -> (i32, i32) {
    %c0_i32 = arith.constant 0 : i32
    %c0_i32_0 = arith.constant 0 : i32
    return %arg0, %c0_i32 : i32, i32
  }
}

module attributes {stable_mosaic.version = 14 : i64} {
  func.func @_final_body(%arg0: i32, %arg1: memref<2x1000x128xf32, #tpu.memory_space<vmem>>, %arg2: memref<2x1000x128xf32, #tpu.memory_space<vmem>>, %arg3: memref<1000x128xf32, #tpu.memory_space<vmem>>, %arg4: memref<1000x128xf32, #tpu.memory_space<vmem>>, %arg5: memref<1000x1xi32, #tpu.memory_space<vmem>>, %arg6: memref<64x256xf32, #tpu.memory_space<vmem>>) attributes {dimension_semantics = [#tpu.dimension_semantics<arbitrary>], iteration_bounds = array<i64: 10>, scalar_prefetch = 0 : i64, scratch_operands = 0 : i64, tpu.core_type = #tpu.core_type<tc>, window_params = [{transform_indices = @transform_0, window_bounds = array<i64: 2, 1000, 128>}, {transform_indices = @transform_1, window_bounds = array<i64: 2, 1000, 128>}, {transform_indices = @transform_2, window_bounds = array<i64: 1000, 128>}, {transform_indices = @transform_3, window_bounds = array<i64: 1000, 128>}, {transform_indices = @transform_4, window_bounds = array<i64: 1000, 1>}, {pipeline_mode = #tpu.pipeline_mode<synchronous>, transform_indices = @transform_5, window_bounds = array<i64: 64, 256>}]} {
    %eq3A = arith.constant 0 : i32
    %eq3A_0 = arith.cmpi eq, %arg0, %eq3A : i32
    %convert_element_type3A = arith.extui %eq3A_0 : i1 to i32
    %cond3A = arith.constant 0 : i32
    %cond3A_1 = arith.cmpi ne, %convert_element_type3A, %cond3A : i32
    scf.if %cond3A_1 {
      %broadcast_in_dim3A = arith.constant 0xFF800000 : f32
      %broadcast_in_dim3A_555 = vector.broadcast %broadcast_in_dim3A : f32 to vector<64x256xf32>
      %swap3A = arith.constant 0 : index
      %swap3A_556 = arith.constant 0 : index
      %swap3A_557 = vector.load %arg6[%swap3A, %swap3A_556] : memref<64x256xf32, #tpu.memory_space<vmem>>, vector<64x256xf32>
      tpu.vector_store %arg6[%swap3A, %swap3A_556], %broadcast_in_dim3A_555 {strides = array<i32>} : memref<64x256xf32, #tpu.memory_space<vmem>>, vector<64x256xf32>,
    } else {
    }
    %get3A = arith.constant 0 : index
    %get3A_2 = arith.constant 0 : index
    %get3A_3 = arith.constant 0 : index
    %get3A_4 = vector.load %arg1[%get3A, %get3A_2, %get3A_3] : memref<2x1000x128xf32, #tpu.memory_space<vmem>>, vector<1x1000x128xf32>
    %get3A_5 = vector.shape_cast %get3A_4 : vector<1x1000x128xf32> to vector<1000x128xf32>
    %get3A_6 = arith.constant 1 : index
    %get3A_7 = arith.constant 0 : index
    %get3A_8 = arith.constant 0 : index
    %get3A_9 = vector.load %arg1[%get3A_6, %get3A_7, %get3A_8] : memref<2x1000x128xf32, #tpu.memory_space<vmem>>, vector<1x1000x128xf32>
    %get3A_10 = vector.shape_cast %get3A_9 : vector<1x1000x128xf32> to vector<1000x128xf32>
    %add3A = arith.addf %get3A_5, %get3A_10 : vector<1000x128xf32>
    %get3A_11 = arith.constant 0 : index
    %get3A_12 = arith.constant 0 : index
    %get3A_13 = arith.constant 0 : index
    %get3A_14 = vector.load %arg2[%get3A_11, %get3A_12, %get3A_13] : memref<2x1000x128xf32, #tpu.memory_space<vmem>>, vector<1x1000x1xf32>
    %get3A_15 = vector.shape_cast %get3A_14 : vector<1x1000x1xf32> to vector<1000x1xf32>
    %get3A_16 = arith.constant 1 : index
    %get3A_17 = arith.constant 0 : index
    %get3A_18 = arith.constant 0 : index
    %get3A_19 = vector.load %arg2[%get3A_16, %get3A_17, %get3A_18] : memref<2x1000x128xf32, #tpu.memory_space<vmem>>, vector<1x1000x1xf32>
    %get3A_20 = vector.shape_cast %get3A_19 : vector<1x1000x1xf32> to vector<1000x1xf32>
    %add3A_21 = arith.addf %get3A_15, %get3A_20 : vector<1000x1xf32>
    %max3A = arith.constant 1.000000e+00 : f32
    %max3A_22 = vector.broadcast %max3A : f32 to vector<1000x1xf32>
    %max3A_23 = arith.maximumf %add3A_21, %max3A_22 : vector<1000x1xf32>
    %div3A = vector.broadcast %max3A_23 : vector<1000x1xf32> to vector<1000x128xf32>
    %div3A_24 = arith.divf %add3A, %div3A : vector<1000x128xf32>
    %get3A_25 = arith.constant 0 : index
    %get3A_26 = arith.constant 0 : index
    %get3A_27 = vector.load %arg3[%get3A_25, %get3A_26] : memref<1000x128xf32, #tpu.memory_space<vmem>>, vector<1000x128xf32>
    %add3A_28 = arith.addf %div3A_24, %get3A_27 : vector<1000x128xf32>
    %max3A_29 = arith.constant 0.000000e+00 : f32
    %max3A_30 = vector.broadcast %max3A_29 : f32 to vector<1000x128xf32>
    %max3A_31 = arith.maximumf %add3A_28, %max3A_30 : vector<1000x128xf32>
    %get3A_32 = arith.constant 0 : index
    %get3A_33 = arith.constant 0 : index
    %get3A_34 = vector.load %arg4[%get3A_32, %get3A_33] : memref<1000x128xf32, #tpu.memory_space<vmem>>, vector<1000x128xf32>
    %concatenate3A = tpu.concatenate %get3A_34, %max3A_31 in 1 : vector<1000x128xf32>, vector<1000x128xf32> -> vector<1000x256xf32>
    %get3A_35 = arith.constant 0 : index
    %get3A_36 = arith.constant 0 : index
    %get3A_37 = vector.load %arg5[%get3A_35, %get3A_36] : memref<1000x1xi32, #tpu.memory_space<vmem>>, vector<1000x1xi32>
    %get3A_38 = arith.constant 0 : index
    %get3A_39 = arith.constant 0 : index
    %get3A_40 = vector.load %arg5[%get3A_38, %get3A_39] : memref<1000x1xi32, #tpu.memory_space<vmem>>, vector<1x1xi32>
    %get3A_41 = vector.extract %get3A_40[0, 0] : i32 from vector<1x1xi32>
    %get3A_42 = arith.constant 999 : index
    %get3A_43 = arith.constant 0 : index
    %get3A_44 = vector.load %arg5[%get3A_42, %get3A_43] : memref<1000x1xi32, #tpu.memory_space<vmem>>, vector<1x1xi32>
    %get3A_45 = vector.extract %get3A_44[0, 0] : i32 from vector<1x1xi32>
    %le3A = arith.constant 0 : i32
    %le3A_46 = arith.cmpi sle, %get3A_41, %le3A : i32
    %ge3A = arith.constant 0 : i32
    %ge3A_47 = arith.cmpi sge, %get3A_45, %ge3A : i32
    %and3A = arith.andi %le3A_46, %ge3A_47 : i1
    %convert_element_type3A_48 = arith.extui %and3A : i1 to i32
    %cond3A_49 = arith.constant 0 : i32
    %cond3A_50 = arith.cmpi ne, %convert_element_type3A_48, %cond3A_49 : i32
    scf.if %cond3A_50 {
      %eq3A_555 = arith.constant 0 : i32
      %eq3A_556 = vector.broadcast %eq3A_555 : i32 to vector<1000x1xi32>
      %eq3A_557 = arith.cmpi eq, %get3A_37, %eq3A_556 : vector<1000x1xi32>
      %jit3A = arith.constant 0xFF800000 : f32
      %broadcast_in_dim3A = vector.shape_cast %eq3A_557 : vector<1000x1xi1> to vector<1000x1xi1>
      %broadcast_in_dim3A_558 = vector.broadcast %broadcast_in_dim3A : vector<1000x1xi1> to vector<1000x256xi1>
      %broadcast_in_dim3A_559 = vector.broadcast %jit3A : f32 to vector<1000x256xf32>
      %select_n3A = arith.select %broadcast_in_dim3A_558, %concatenate3A, %broadcast_in_dim3A_559 : vector<1000x256xi1>, vector<1000x256xf32>
      %reduce_max3A = arith.constant dense<0xFF800000> : vector<256xf32>
      %reduce_max3A_560 = vector.multi_reduction <maximumf>, %select_n3A, %reduce_max3A [0] : vector<1000x256xf32> to vector<256xf32>
      %get3A_561 = arith.constant 0 : index
      %get3A_562 = arith.constant 0 : index
      %get3A_563 = vector.load %arg6[%get3A_561, %get3A_562] : memref<64x256xf32, #tpu.memory_space<vmem>>, vector<1x256xf32>
      %get3A_564 = vector.shape_cast %get3A_563 : vector<1x256xf32> to vector<256xf32>
      %max3A_565 = arith.maximumf %get3A_564, %reduce_max3A_560 : vector<256xf32>
      %swap3A = arith.constant 0 : index
      %swap3A_566 = arith.constant 0 : index
      %swap3A_567 = vector.load %arg6[%swap3A, %swap3A_566] : memref<64x256xf32, #tpu.memory_space<vmem>>, vector<1x256xf32>
      %swap3A_568 = vector.shape_cast %swap3A_567 : vector<1x256xf32> to vector<256xf32>
      %swap3A_569 = vector.shape_cast %max3A_565 : vector<256xf32> to vector<1x256xf32>
      tpu.vector_store %arg6[%swap3A, %swap3A_566], %swap3A_569 {strides = array<i32>} : memref<64x256xf32, #tpu.memory_space<vmem>>, vector<1x256xf32>,
    } else {
    }
    %le3A_51 = arith.constant 1 : i32
    %le3A_52 = arith.cmpi sle, %get3A_41, %le3A_51 : i32
    %ge3A_53 = arith.constant 1 : i32
    %ge3A_54 = arith.cmpi sge, %get3A_45, %ge3A_53 : i32
    %and3A_55 = arith.andi %le3A_52, %ge3A_54 : i1
    %convert_element_type3A_56 = arith.extui %and3A_55 : i1 to i32
    %cond3A_57 = arith.constant 0 : i32
    %cond3A_58 = arith.cmpi ne, %convert_element_type3A_56, %cond3A_57 : i32
    scf.if %cond3A_58 {
      %eq3A_555 = arith.constant 1 : i32
      %eq3A_556 = vector.broadcast %eq3A_555 : i32 to vector<1000x1xi32>
      %eq3A_557 = arith.cmpi eq, %get3A_37, %eq3A_556 : vector<1000x1xi32>
      %jit3A = arith.constant 0xFF800000 : f32
      %broadcast_in_dim3A = vector.shape_cast %eq3A_557 : vector<1000x1xi1> to vector<1000x1xi1>
      %broadcast_in_dim3A_558 = vector.broadcast %broadcast_in_dim3A : vector<1000x1xi1> to vector<1000x256xi1>
      %broadcast_in_dim3A_559 = vector.broadcast %jit3A : f32 to vector<1000x256xf32>
      %select_n3A = arith.select %broadcast_in_dim3A_558, %concatenate3A, %broadcast_in_dim3A_559 : vector<1000x256xi1>, vector<1000x256xf32>
      %reduce_max3A = arith.constant dense<0xFF800000> : vector<256xf32>
      %reduce_max3A_560 = vector.multi_reduction <maximumf>, %select_n3A, %reduce_max3A [0] : vector<1000x256xf32> to vector<256xf32>
      %get3A_561 = arith.constant 1 : index
      %get3A_562 = arith.constant 0 : index
      %get3A_563 = vector.load %arg6[%get3A_561, %get3A_562] : memref<64x256xf32, #tpu.memory_space<vmem>>, vector<1x256xf32>
      %get3A_564 = vector.shape_cast %get3A_563 : vector<1x256xf32> to vector<256xf32>
      %max3A_565 = arith.maximumf %get3A_564, %reduce_max3A_560 : vector<256xf32>
      %swap3A = arith.constant 1 : index
      %swap3A_566 = arith.constant 0 : index
      %swap3A_567 = vector.load %arg6[%swap3A, %swap3A_566] : memref<64x256xf32, #tpu.memory_space<vmem>>, vector<1x256xf32>
      %swap3A_568 = vector.shape_cast %swap3A_567 : vector<1x256xf32> to vector<256xf32>
      %swap3A_569 = vector.shape_cast %max3A_565 : vector<256xf32> to vector<1x256xf32>
      tpu.vector_store %arg6[%swap3A, %swap3A_566], %swap3A_569 {strides = array<i32>} : memref<64x256xf32, #tpu.memory_space<vmem>>, vector<1x256xf32>,
    } else {
    }
    %le3A_59 = arith.constant 2 : i32
    %le3A_60 = arith.cmpi sle, %get3A_41, %le3A_59 : i32
    %ge3A_61 = arith.constant 2 : i32
    %ge3A_62 = arith.cmpi sge, %get3A_45, %ge3A_61 : i32
    %and3A_63 = arith.andi %le3A_60, %ge3A_62 : i1
    %convert_element_type3A_64 = arith.extui %and3A_63 : i1 to i32
    %cond3A_65 = arith.constant 0 : i32
    %cond3A_66 = arith.cmpi ne, %convert_element_type3A_64, %cond3A_65 : i32
    scf.if %cond3A_66 {
      %eq3A_555 = arith.constant 2 : i32
      %eq3A_556 = vector.broadcast %eq3A_555 : i32 to vector<1000x1xi32>
      %eq3A_557 = arith.cmpi eq, %get3A_37, %eq3A_556 : vector<1000x1xi32>
      %jit3A = arith.constant 0xFF800000 : f32
      %broadcast_in_dim3A = vector.shape_cast %eq3A_557 : vector<1000x1xi1> to vector<1000x1xi1>
      %broadcast_in_dim3A_558 = vector.broadcast %broadcast_in_dim3A : vector<1000x1xi1> to vector<1000x256xi1>
      %broadcast_in_dim3A_559 = vector.broadcast %jit3A : f32 to vector<1000x256xf32>
      %select_n3A = arith.select %broadcast_in_dim3A_558, %concatenate3A, %broadcast_in_dim3A_559 : vector<1000x256xi1>, vector<1000x256xf32>
      %reduce_max3A = arith.constant dense<0xFF800000> : vector<256xf32>
      %reduce_max3A_560 = vector.multi_reduction <maximumf>, %select_n3A, %reduce_max3A [0] : vector<1000x256xf32> to vector<256xf32>
      %get3A_561 = arith.constant 2 : index
      %get3A_562 = arith.constant 0 : index
      %get3A_563 = vector.load %arg6[%get3A_561, %get3A_562] : memref<64x256xf32, #tpu.memory_space<vmem>>, vector<1x256xf32>
      %get3A_564 = vector.shape_cast %get3A_563 : vector<1x256xf32> to vector<256xf32>
      %max3A_565 = arith.maximumf %get3A_564, %reduce_max3A_560 : vector<256xf32>
      %swap3A = arith.constant 2 : index
      %swap3A_566 = arith.constant 0 : index
      %swap3A_567 = vector.load %arg6[%swap3A, %swap3A_566] : memref<64x256xf32, #tpu.memory_space<vmem>>, vector<1x256xf32>
      %swap3A_568 = vector.shape_cast %swap3A_567 : vector<1x256xf32> to vector<256xf32>
      %swap3A_569 = vector.shape_cast %max3A_565 : vector<256xf32> to vector<1x256xf32>
      tpu.vector_store %arg6[%swap3A, %swap3A_566], %swap3A_569 {strides = array<i32>} : memref<64x256xf32, #tpu.memory_space<vmem>>, vector<1x256xf32>,
    } else {
    }
    %le3A_67 = arith.constant 3 : i32
    %le3A_68 = arith.cmpi sle, %get3A_41, %le3A_67 : i32
    %ge3A_69 = arith.constant 3 : i32
    %ge3A_70 = arith.cmpi sge, %get3A_45, %ge3A_69 : i32
    %and3A_71 = arith.andi %le3A_68, %ge3A_70 : i1
    %convert_element_type3A_72 = arith.extui %and3A_71 : i1 to i32
    %cond3A_73 = arith.constant 0 : i32
    %cond3A_74 = arith.cmpi ne, %convert_element_type3A_72, %cond3A_73 : i32
    scf.if %cond3A_74 {
      %eq3A_555 = arith.constant 3 : i32
      %eq3A_556 = vector.broadcast %eq3A_555 : i32 to vector<1000x1xi32>
      %eq3A_557 = arith.cmpi eq, %get3A_37, %eq3A_556 : vector<1000x1xi32>
      %jit3A = arith.constant 0xFF800000 : f32
      %broadcast_in_dim3A = vector.shape_cast %eq3A_557 : vector<1000x1xi1> to vector<1000x1xi1>
      %broadcast_in_dim3A_558 = vector.broadcast %broadcast_in_dim3A : vector<1000x1xi1> to vector<1000x256xi1>
      %broadcast_in_dim3A_559 = vector.broadcast %jit3A : f32 to vector<1000x256xf32>
      %select_n3A = arith.select %broadcast_in_dim3A_558, %concatenate3A, %broadcast_in_dim3A_559 : vector<1000x256xi1>, vector<1000x256xf32>
      %reduce_max3A = arith.constant dense<0xFF800000> : vector<256xf32>
      %reduce_max3A_560 = vector.multi_reduction <maximumf>, %select_n3A, %reduce_max3A [0] : vector<1000x256xf32> to vector<256xf32>
      %get3A_561 = arith.constant 3 : index
      %get3A_562 = arith.constant 0 : index
      %get3A_563 = vector.load %arg6[%get3A_561, %get3A_562] : memref<64x256xf32, #tpu.memory_space<vmem>>, vector<1x256xf32>
      %get3A_564 = vector.shape_cast %get3A_563 : vector<1x256xf32> to vector<256xf32>
      %max3A_565 = arith.maximumf %get3A_564, %reduce_max3A_560 : vector<256xf32>
      %swap3A = arith.constant 3 : index
      %swap3A_566 = arith.constant 0 : index
      %swap3A_567 = vector.load %arg6[%swap3A, %swap3A_566] : memref<64x256xf32, #tpu.memory_space<vmem>>, vector<1x256xf32>
      %swap3A_568 = vector.shape_cast %swap3A_567 : vector<1x256xf32> to vector<256xf32>
      %swap3A_569 = vector.shape_cast %max3A_565 : vector<256xf32> to vector<1x256xf32>
      tpu.vector_store %arg6[%swap3A, %swap3A_566], %swap3A_569 {strides = array<i32>} : memref<64x256xf32, #tpu.memory_space<vmem>>, vector<1x256xf32>,
    } else {
    }
    %le3A_75 = arith.constant 4 : i32
    %le3A_76 = arith.cmpi sle, %get3A_41, %le3A_75 : i32
    %ge3A_77 = arith.constant 4 : i32
    %ge3A_78 = arith.cmpi sge, %get3A_45, %ge3A_77 : i32
    %and3A_79 = arith.andi %le3A_76, %ge3A_78 : i1
    %convert_element_type3A_80 = arith.extui %and3A_79 : i1 to i32
    %cond3A_81 = arith.constant 0 : i32
    %cond3A_82 = arith.cmpi ne, %convert_element_type3A_80, %cond3A_81 : i32
    scf.if %cond3A_82 {
      %eq3A_555 = arith.constant 4 : i32
      %eq3A_556 = vector.broadcast %eq3A_555 : i32 to vector<1000x1xi32>
      %eq3A_557 = arith.cmpi eq, %get3A_37, %eq3A_556 : vector<1000x1xi32>
      %jit3A = arith.constant 0xFF800000 : f32
      %broadcast_in_dim3A = vector.shape_cast %eq3A_557 : vector<1000x1xi1> to vector<1000x1xi1>
      %broadcast_in_dim3A_558 = vector.broadcast %broadcast_in_dim3A : vector<1000x1xi1> to vector<1000x256xi1>
      %broadcast_in_dim3A_559 = vector.broadcast %jit3A : f32 to vector<1000x256xf32>
      %select_n3A = arith.select %broadcast_in_dim3A_558, %concatenate3A, %broadcast_in_dim3A_559 : vector<1000x256xi1>, vector<1000x256xf32>
      %reduce_max3A = arith.constant dense<0xFF800000> : vector<256xf32>
      %reduce_max3A_560 = vector.multi_reduction <maximumf>, %select_n3A, %reduce_max3A [0] : vector<1000x256xf32> to vector<256xf32>
      %get3A_561 = arith.constant 4 : index
      %get3A_562 = arith.constant 0 : index
      %get3A_563 = vector.load %arg6[%get3A_561, %get3A_562] : memref<64x256xf32, #tpu.memory_space<vmem>>, vector<1x256xf32>
      %get3A_564 = vector.shape_cast %get3A_563 : vector<1x256xf32> to vector<256xf32>
      %max3A_565 = arith.maximumf %get3A_564, %reduce_max3A_560 : vector<256xf32>
      %swap3A = arith.constant 4 : index
      %swap3A_566 = arith.constant 0 : index
      %swap3A_567 = vector.load %arg6[%swap3A, %swap3A_566] : memref<64x256xf32, #tpu.memory_space<vmem>>, vector<1x256xf32>
      %swap3A_568 = vector.shape_cast %swap3A_567 : vector<1x256xf32> to vector<256xf32>
      %swap3A_569 = vector.shape_cast %max3A_565 : vector<256xf32> to vector<1x256xf32>
      tpu.vector_store %arg6[%swap3A, %swap3A_566], %swap3A_569 {strides = array<i32>} : memref<64x256xf32, #tpu.memory_space<vmem>>, vector<1x256xf32>,
    } else {
    }
    %le3A_83 = arith.constant 5 : i32
    %le3A_84 = arith.cmpi sle, %get3A_41, %le3A_83 : i32
    %ge3A_85 = arith.constant 5 : i32
    %ge3A_86 = arith.cmpi sge, %get3A_45, %ge3A_85 : i32
    %and3A_87 = arith.andi %le3A_84, %ge3A_86 : i1
    %convert_element_type3A_88 = arith.extui %and3A_87 : i1 to i32
    %cond3A_89 = arith.constant 0 : i32
    %cond3A_90 = arith.cmpi ne, %convert_element_type3A_88, %cond3A_89 : i32
    scf.if %cond3A_90 {
      %eq3A_555 = arith.constant 5 : i32
      %eq3A_556 = vector.broadcast %eq3A_555 : i32 to vector<1000x1xi32>
      %eq3A_557 = arith.cmpi eq, %get3A_37, %eq3A_556 : vector<1000x1xi32>
      %jit3A = arith.constant 0xFF800000 : f32
      %broadcast_in_dim3A = vector.shape_cast %eq3A_557 : vector<1000x1xi1> to vector<1000x1xi1>
      %broadcast_in_dim3A_558 = vector.broadcast %broadcast_in_dim3A : vector<1000x1xi1> to vector<1000x256xi1>
      %broadcast_in_dim3A_559 = vector.broadcast %jit3A : f32 to vector<1000x256xf32>
      %select_n3A = arith.select %broadcast_in_dim3A_558, %concatenate3A, %broadcast_in_dim3A_559 : vector<1000x256xi1>, vector<1000x256xf32>
      %reduce_max3A = arith.constant dense<0xFF800000> : vector<256xf32>
      %reduce_max3A_560 = vector.multi_reduction <maximumf>, %select_n3A, %reduce_max3A [0] : vector<1000x256xf32> to vector<256xf32>
      %get3A_561 = arith.constant 5 : index
      %get3A_562 = arith.constant 0 : index
      %get3A_563 = vector.load %arg6[%get3A_561, %get3A_562] : memref<64x256xf32, #tpu.memory_space<vmem>>, vector<1x256xf32>
      %get3A_564 = vector.shape_cast %get3A_563 : vector<1x256xf32> to vector<256xf32>
      %max3A_565 = arith.maximumf %get3A_564, %reduce_max3A_560 : vector<256xf32>
      %swap3A = arith.constant 5 : index
      %swap3A_566 = arith.constant 0 : index
      %swap3A_567 = vector.load %arg6[%swap3A, %swap3A_566] : memref<64x256xf32, #tpu.memory_space<vmem>>, vector<1x256xf32>
      %swap3A_568 = vector.shape_cast %swap3A_567 : vector<1x256xf32> to vector<256xf32>
      %swap3A_569 = vector.shape_cast %max3A_565 : vector<256xf32> to vector<1x256xf32>
      tpu.vector_store %arg6[%swap3A, %swap3A_566], %swap3A_569 {strides = array<i32>} : memref<64x256xf32, #tpu.memory_space<vmem>>, vector<1x256xf32>,
    } else {
    }
    %le3A_91 = arith.constant 6 : i32
    %le3A_92 = arith.cmpi sle, %get3A_41, %le3A_91 : i32
    %ge3A_93 = arith.constant 6 : i32
    %ge3A_94 = arith.cmpi sge, %get3A_45, %ge3A_93 : i32
    %and3A_95 = arith.andi %le3A_92, %ge3A_94 : i1
    %convert_element_type3A_96 = arith.extui %and3A_95 : i1 to i32
    %cond3A_97 = arith.constant 0 : i32
    %cond3A_98 = arith.cmpi ne, %convert_element_type3A_96, %cond3A_97 : i32
    scf.if %cond3A_98 {
      %eq3A_555 = arith.constant 6 : i32
      %eq3A_556 = vector.broadcast %eq3A_555 : i32 to vector<1000x1xi32>
      %eq3A_557 = arith.cmpi eq, %get3A_37, %eq3A_556 : vector<1000x1xi32>
      %jit3A = arith.constant 0xFF800000 : f32
      %broadcast_in_dim3A = vector.shape_cast %eq3A_557 : vector<1000x1xi1> to vector<1000x1xi1>
      %broadcast_in_dim3A_558 = vector.broadcast %broadcast_in_dim3A : vector<1000x1xi1> to vector<1000x256xi1>
      %broadcast_in_dim3A_559 = vector.broadcast %jit3A : f32 to vector<1000x256xf32>
      %select_n3A = arith.select %broadcast_in_dim3A_558, %concatenate3A, %broadcast_in_dim3A_559 : vector<1000x256xi1>, vector<1000x256xf32>
      %reduce_max3A = arith.constant dense<0xFF800000> : vector<256xf32>
      %reduce_max3A_560 = vector.multi_reduction <maximumf>, %select_n3A, %reduce_max3A [0] : vector<1000x256xf32> to vector<256xf32>
      %get3A_561 = arith.constant 6 : index
      %get3A_562 = arith.constant 0 : index
      %get3A_563 = vector.load %arg6[%get3A_561, %get3A_562] : memref<64x256xf32, #tpu.memory_space<vmem>>, vector<1x256xf32>
      %get3A_564 = vector.shape_cast %get3A_563 : vector<1x256xf32> to vector<256xf32>
      %max3A_565 = arith.maximumf %get3A_564, %reduce_max3A_560 : vector<256xf32>
      %swap3A = arith.constant 6 : index
      %swap3A_566 = arith.constant 0 : index
      %swap3A_567 = vector.load %arg6[%swap3A, %swap3A_566] : memref<64x256xf32, #tpu.memory_space<vmem>>, vector<1x256xf32>
      %swap3A_568 = vector.shape_cast %swap3A_567 : vector<1x256xf32> to vector<256xf32>
      %swap3A_569 = vector.shape_cast %max3A_565 : vector<256xf32> to vector<1x256xf32>
      tpu.vector_store %arg6[%swap3A, %swap3A_566], %swap3A_569 {strides = array<i32>} : memref<64x256xf32, #tpu.memory_space<vmem>>, vector<1x256xf32>,
    } else {
    }
    %le3A_99 = arith.constant 7 : i32
    %le3A_100 = arith.cmpi sle, %get3A_41, %le3A_99 : i32
    %ge3A_101 = arith.constant 7 : i32
    %ge3A_102 = arith.cmpi sge, %get3A_45, %ge3A_101 : i32
    %and3A_103 = arith.andi %le3A_100, %ge3A_102 : i1
    %convert_element_type3A_104 = arith.extui %and3A_103 : i1 to i32
    %cond3A_105 = arith.constant 0 : i32
    %cond3A_106 = arith.cmpi ne, %convert_element_type3A_104, %cond3A_105 : i32
    scf.if %cond3A_106 {
      %eq3A_555 = arith.constant 7 : i32
      %eq3A_556 = vector.broadcast %eq3A_555 : i32 to vector<1000x1xi32>
      %eq3A_557 = arith.cmpi eq, %get3A_37, %eq3A_556 : vector<1000x1xi32>
      %jit3A = arith.constant 0xFF800000 : f32
      %broadcast_in_dim3A = vector.shape_cast %eq3A_557 : vector<1000x1xi1> to vector<1000x1xi1>
      %broadcast_in_dim3A_558 = vector.broadcast %broadcast_in_dim3A : vector<1000x1xi1> to vector<1000x256xi1>
      %broadcast_in_dim3A_559 = vector.broadcast %jit3A : f32 to vector<1000x256xf32>
      %select_n3A = arith.select %broadcast_in_dim3A_558, %concatenate3A, %broadcast_in_dim3A_559 : vector<1000x256xi1>, vector<1000x256xf32>
      %reduce_max3A = arith.constant dense<0xFF800000> : vector<256xf32>
      %reduce_max3A_560 = vector.multi_reduction <maximumf>, %select_n3A, %reduce_max3A [0] : vector<1000x256xf32> to vector<256xf32>
      %get3A_561 = arith.constant 7 : index
      %get3A_562 = arith.constant 0 : index
      %get3A_563 = vector.load %arg6[%get3A_561, %get3A_562] : memref<64x256xf32, #tpu.memory_space<vmem>>, vector<1x256xf32>
      %get3A_564 = vector.shape_cast %get3A_563 : vector<1x256xf32> to vector<256xf32>
      %max3A_565 = arith.maximumf %get3A_564, %reduce_max3A_560 : vector<256xf32>
      %swap3A = arith.constant 7 : index
      %swap3A_566 = arith.constant 0 : index
      %swap3A_567 = vector.load %arg6[%swap3A, %swap3A_566] : memref<64x256xf32, #tpu.memory_space<vmem>>, vector<1x256xf32>
      %swap3A_568 = vector.shape_cast %swap3A_567 : vector<1x256xf32> to vector<256xf32>
      %swap3A_569 = vector.shape_cast %max3A_565 : vector<256xf32> to vector<1x256xf32>
      tpu.vector_store %arg6[%swap3A, %swap3A_566], %swap3A_569 {strides = array<i32>} : memref<64x256xf32, #tpu.memory_space<vmem>>, vector<1x256xf32>,
    } else {
    }
    %le3A_107 = arith.constant 8 : i32
    %le3A_108 = arith.cmpi sle, %get3A_41, %le3A_107 : i32
    %ge3A_109 = arith.constant 8 : i32
    %ge3A_110 = arith.cmpi sge, %get3A_45, %ge3A_109 : i32
    %and3A_111 = arith.andi %le3A_108, %ge3A_110 : i1
    %convert_element_type3A_112 = arith.extui %and3A_111 : i1 to i32
    %cond3A_113 = arith.constant 0 : i32
    %cond3A_114 = arith.cmpi ne, %convert_element_type3A_112, %cond3A_113 : i32
    scf.if %cond3A_114 {
      %eq3A_555 = arith.constant 8 : i32
      %eq3A_556 = vector.broadcast %eq3A_555 : i32 to vector<1000x1xi32>
      %eq3A_557 = arith.cmpi eq, %get3A_37, %eq3A_556 : vector<1000x1xi32>
      %jit3A = arith.constant 0xFF800000 : f32
      %broadcast_in_dim3A = vector.shape_cast %eq3A_557 : vector<1000x1xi1> to vector<1000x1xi1>
      %broadcast_in_dim3A_558 = vector.broadcast %broadcast_in_dim3A : vector<1000x1xi1> to vector<1000x256xi1>
      %broadcast_in_dim3A_559 = vector.broadcast %jit3A : f32 to vector<1000x256xf32>
      %select_n3A = arith.select %broadcast_in_dim3A_558, %concatenate3A, %broadcast_in_dim3A_559 : vector<1000x256xi1>, vector<1000x256xf32>
      %reduce_max3A = arith.constant dense<0xFF800000> : vector<256xf32>
      %reduce_max3A_560 = vector.multi_reduction <maximumf>, %select_n3A, %reduce_max3A [0] : vector<1000x256xf32> to vector<256xf32>
      %get3A_561 = arith.constant 8 : index
      %get3A_562 = arith.constant 0 : index
      %get3A_563 = vector.load %arg6[%get3A_561, %get3A_562] : memref<64x256xf32, #tpu.memory_space<vmem>>, vector<1x256xf32>
      %get3A_564 = vector.shape_cast %get3A_563 : vector<1x256xf32> to vector<256xf32>
      %max3A_565 = arith.maximumf %get3A_564, %reduce_max3A_560 : vector<256xf32>
      %swap3A = arith.constant 8 : index
      %swap3A_566 = arith.constant 0 : index
      %swap3A_567 = vector.load %arg6[%swap3A, %swap3A_566] : memref<64x256xf32, #tpu.memory_space<vmem>>, vector<1x256xf32>
      %swap3A_568 = vector.shape_cast %swap3A_567 : vector<1x256xf32> to vector<256xf32>
      %swap3A_569 = vector.shape_cast %max3A_565 : vector<256xf32> to vector<1x256xf32>
      tpu.vector_store %arg6[%swap3A, %swap3A_566], %swap3A_569 {strides = array<i32>} : memref<64x256xf32, #tpu.memory_space<vmem>>, vector<1x256xf32>,
    } else {
    }
    %le3A_115 = arith.constant 9 : i32
    %le3A_116 = arith.cmpi sle, %get3A_41, %le3A_115 : i32
    %ge3A_117 = arith.constant 9 : i32
    %ge3A_118 = arith.cmpi sge, %get3A_45, %ge3A_117 : i32
    %and3A_119 = arith.andi %le3A_116, %ge3A_118 : i1
    %convert_element_type3A_120 = arith.extui %and3A_119 : i1 to i32
    %cond3A_121 = arith.constant 0 : i32
    %cond3A_122 = arith.cmpi ne, %convert_element_type3A_120, %cond3A_121 : i32
    scf.if %cond3A_122 {
      %eq3A_555 = arith.constant 9 : i32
      %eq3A_556 = vector.broadcast %eq3A_555 : i32 to vector<1000x1xi32>
      %eq3A_557 = arith.cmpi eq, %get3A_37, %eq3A_556 : vector<1000x1xi32>
      %jit3A = arith.constant 0xFF800000 : f32
      %broadcast_in_dim3A = vector.shape_cast %eq3A_557 : vector<1000x1xi1> to vector<1000x1xi1>
      %broadcast_in_dim3A_558 = vector.broadcast %broadcast_in_dim3A : vector<1000x1xi1> to vector<1000x256xi1>
      %broadcast_in_dim3A_559 = vector.broadcast %jit3A : f32 to vector<1000x256xf32>
      %select_n3A = arith.select %broadcast_in_dim3A_558, %concatenate3A, %broadcast_in_dim3A_559 : vector<1000x256xi1>, vector<1000x256xf32>
      %reduce_max3A = arith.constant dense<0xFF800000> : vector<256xf32>
      %reduce_max3A_560 = vector.multi_reduction <maximumf>, %select_n3A, %reduce_max3A [0] : vector<1000x256xf32> to vector<256xf32>
      %get3A_561 = arith.constant 9 : index
      %get3A_562 = arith.constant 0 : index
      %get3A_563 = vector.load %arg6[%get3A_561, %get3A_562] : memref<64x256xf32, #tpu.memory_space<vmem>>, vector<1x256xf32>
      %get3A_564 = vector.shape_cast %get3A_563 : vector<1x256xf32> to vector<256xf32>
      %max3A_565 = arith.maximumf %get3A_564, %reduce_max3A_560 : vector<256xf32>
      %swap3A = arith.constant 9 : index
      %swap3A_566 = arith.constant 0 : index
      %swap3A_567 = vector.load %arg6[%swap3A, %swap3A_566] : memref<64x256xf32, #tpu.memory_space<vmem>>, vector<1x256xf32>
      %swap3A_568 = vector.shape_cast %swap3A_567 : vector<1x256xf32> to vector<256xf32>
      %swap3A_569 = vector.shape_cast %max3A_565 : vector<256xf32> to vector<1x256xf32>
      tpu.vector_store %arg6[%swap3A, %swap3A_566], %swap3A_569 {strides = array<i32>} : memref<64x256xf32, #tpu.memory_space<vmem>>, vector<1x256xf32>,
    } else {
    }
    %le3A_123 = arith.constant 10 : i32
    %le3A_124 = arith.cmpi sle, %get3A_41, %le3A_123 : i32
    %ge3A_125 = arith.constant 10 : i32
    %ge3A_126 = arith.cmpi sge, %get3A_45, %ge3A_125 : i32
    %and3A_127 = arith.andi %le3A_124, %ge3A_126 : i1
    %convert_element_type3A_128 = arith.extui %and3A_127 : i1 to i32
    %cond3A_129 = arith.constant 0 : i32
    %cond3A_130 = arith.cmpi ne, %convert_element_type3A_128, %cond3A_129 : i32
    scf.if %cond3A_130 {
      %eq3A_555 = arith.constant 10 : i32
      %eq3A_556 = vector.broadcast %eq3A_555 : i32 to vector<1000x1xi32>
      %eq3A_557 = arith.cmpi eq, %get3A_37, %eq3A_556 : vector<1000x1xi32>
      %jit3A = arith.constant 0xFF800000 : f32
      %broadcast_in_dim3A = vector.shape_cast %eq3A_557 : vector<1000x1xi1> to vector<1000x1xi1>
      %broadcast_in_dim3A_558 = vector.broadcast %broadcast_in_dim3A : vector<1000x1xi1> to vector<1000x256xi1>
      %broadcast_in_dim3A_559 = vector.broadcast %jit3A : f32 to vector<1000x256xf32>
      %select_n3A = arith.select %broadcast_in_dim3A_558, %concatenate3A, %broadcast_in_dim3A_559 : vector<1000x256xi1>, vector<1000x256xf32>
      %reduce_max3A = arith.constant dense<0xFF800000> : vector<256xf32>
      %reduce_max3A_560 = vector.multi_reduction <maximumf>, %select_n3A, %reduce_max3A [0] : vector<1000x256xf32> to vector<256xf32>
      %get3A_561 = arith.constant 10 : index
      %get3A_562 = arith.constant 0 : index
      %get3A_563 = vector.load %arg6[%get3A_561, %get3A_562] : memref<64x256xf32, #tpu.memory_space<vmem>>, vector<1x256xf32>
      %get3A_564 = vector.shape_cast %get3A_563 : vector<1x256xf32> to vector<256xf32>
      %max3A_565 = arith.maximumf %get3A_564, %reduce_max3A_560 : vector<256xf32>
      %swap3A = arith.constant 10 : index
      %swap3A_566 = arith.constant 0 : index
      %swap3A_567 = vector.load %arg6[%swap3A, %swap3A_566] : memref<64x256xf32, #tpu.memory_space<vmem>>, vector<1x256xf32>
      %swap3A_568 = vector.shape_cast %swap3A_567 : vector<1x256xf32> to vector<256xf32>
      %swap3A_569 = vector.shape_cast %max3A_565 : vector<256xf32> to vector<1x256xf32>
      tpu.vector_store %arg6[%swap3A, %swap3A_566], %swap3A_569 {strides = array<i32>} : memref<64x256xf32, #tpu.memory_space<vmem>>, vector<1x256xf32>,
    } else {
    }
    %le3A_131 = arith.constant 11 : i32
    %le3A_132 = arith.cmpi sle, %get3A_41, %le3A_131 : i32
    %ge3A_133 = arith.constant 11 : i32
    %ge3A_134 = arith.cmpi sge, %get3A_45, %ge3A_133 : i32
    %and3A_135 = arith.andi %le3A_132, %ge3A_134 : i1
    %convert_element_type3A_136 = arith.extui %and3A_135 : i1 to i32
    %cond3A_137 = arith.constant 0 : i32
    %cond3A_138 = arith.cmpi ne, %convert_element_type3A_136, %cond3A_137 : i32
    scf.if %cond3A_138 {
      %eq3A_555 = arith.constant 11 : i32
      %eq3A_556 = vector.broadcast %eq3A_555 : i32 to vector<1000x1xi32>
      %eq3A_557 = arith.cmpi eq, %get3A_37, %eq3A_556 : vector<1000x1xi32>
      %jit3A = arith.constant 0xFF800000 : f32
      %broadcast_in_dim3A = vector.shape_cast %eq3A_557 : vector<1000x1xi1> to vector<1000x1xi1>
      %broadcast_in_dim3A_558 = vector.broadcast %broadcast_in_dim3A : vector<1000x1xi1> to vector<1000x256xi1>
      %broadcast_in_dim3A_559 = vector.broadcast %jit3A : f32 to vector<1000x256xf32>
      %select_n3A = arith.select %broadcast_in_dim3A_558, %concatenate3A, %broadcast_in_dim3A_559 : vector<1000x256xi1>, vector<1000x256xf32>
      %reduce_max3A = arith.constant dense<0xFF800000> : vector<256xf32>
      %reduce_max3A_560 = vector.multi_reduction <maximumf>, %select_n3A, %reduce_max3A [0] : vector<1000x256xf32> to vector<256xf32>
      %get3A_561 = arith.constant 11 : index
      %get3A_562 = arith.constant 0 : index
      %get3A_563 = vector.load %arg6[%get3A_561, %get3A_562] : memref<64x256xf32, #tpu.memory_space<vmem>>, vector<1x256xf32>
      %get3A_564 = vector.shape_cast %get3A_563 : vector<1x256xf32> to vector<256xf32>
      %max3A_565 = arith.maximumf %get3A_564, %reduce_max3A_560 : vector<256xf32>
      %swap3A = arith.constant 11 : index
      %swap3A_566 = arith.constant 0 : index
      %swap3A_567 = vector.load %arg6[%swap3A, %swap3A_566] : memref<64x256xf32, #tpu.memory_space<vmem>>, vector<1x256xf32>
      %swap3A_568 = vector.shape_cast %swap3A_567 : vector<1x256xf32> to vector<256xf32>
      %swap3A_569 = vector.shape_cast %max3A_565 : vector<256xf32> to vector<1x256xf32>
      tpu.vector_store %arg6[%swap3A, %swap3A_566], %swap3A_569 {strides = array<i32>} : memref<64x256xf32, #tpu.memory_space<vmem>>, vector<1x256xf32>,
    } else {
    }
    %le3A_139 = arith.constant 12 : i32
    %le3A_140 = arith.cmpi sle, %get3A_41, %le3A_139 : i32
    %ge3A_141 = arith.constant 12 : i32
    %ge3A_142 = arith.cmpi sge, %get3A_45, %ge3A_141 : i32
    %and3A_143 = arith.andi %le3A_140, %ge3A_142 : i1
    %convert_element_type3A_144 = arith.extui %and3A_143 : i1 to i32
    %cond3A_145 = arith.constant 0 : i32
    %cond3A_146 = arith.cmpi ne, %convert_element_type3A_144, %cond3A_145 : i32
    scf.if %cond3A_146 {
      %eq3A_555 = arith.constant 12 : i32
      %eq3A_556 = vector.broadcast %eq3A_555 : i32 to vector<1000x1xi32>
      %eq3A_557 = arith.cmpi eq, %get3A_37, %eq3A_556 : vector<1000x1xi32>
      %jit3A = arith.constant 0xFF800000 : f32
      %broadcast_in_dim3A = vector.shape_cast %eq3A_557 : vector<1000x1xi1> to vector<1000x1xi1>
      %broadcast_in_dim3A_558 = vector.broadcast %broadcast_in_dim3A : vector<1000x1xi1> to vector<1000x256xi1>
      %broadcast_in_dim3A_559 = vector.broadcast %jit3A : f32 to vector<1000x256xf32>
      %select_n3A = arith.select %broadcast_in_dim3A_558, %concatenate3A, %broadcast_in_dim3A_559 : vector<1000x256xi1>, vector<1000x256xf32>
      %reduce_max3A = arith.constant dense<0xFF800000> : vector<256xf32>
      %reduce_max3A_560 = vector.multi_reduction <maximumf>, %select_n3A, %reduce_max3A [0] : vector<1000x256xf32> to vector<256xf32>
      %get3A_561 = arith.constant 12 : index
      %get3A_562 = arith.constant 0 : index
      %get3A_563 = vector.load %arg6[%get3A_561, %get3A_562] : memref<64x256xf32, #tpu.memory_space<vmem>>, vector<1x256xf32>
      %get3A_564 = vector.shape_cast %get3A_563 : vector<1x256xf32> to vector<256xf32>
      %max3A_565 = arith.maximumf %get3A_564, %reduce_max3A_560 : vector<256xf32>
      %swap3A = arith.constant 12 : index
      %swap3A_566 = arith.constant 0 : index
      %swap3A_567 = vector.load %arg6[%swap3A, %swap3A_566] : memref<64x256xf32, #tpu.memory_space<vmem>>, vector<1x256xf32>
      %swap3A_568 = vector.shape_cast %swap3A_567 : vector<1x256xf32> to vector<256xf32>
      %swap3A_569 = vector.shape_cast %max3A_565 : vector<256xf32> to vector<1x256xf32>
      tpu.vector_store %arg6[%swap3A, %swap3A_566], %swap3A_569 {strides = array<i32>} : memref<64x256xf32, #tpu.memory_space<vmem>>, vector<1x256xf32>,
    } else {
    }
    %le3A_147 = arith.constant 13 : i32
    %le3A_148 = arith.cmpi sle, %get3A_41, %le3A_147 : i32
    %ge3A_149 = arith.constant 13 : i32
    %ge3A_150 = arith.cmpi sge, %get3A_45, %ge3A_149 : i32
    %and3A_151 = arith.andi %le3A_148, %ge3A_150 : i1
    %convert_element_type3A_152 = arith.extui %and3A_151 : i1 to i32
    %cond3A_153 = arith.constant 0 : i32
    %cond3A_154 = arith.cmpi ne, %convert_element_type3A_152, %cond3A_153 : i32
    scf.if %cond3A_154 {
      %eq3A_555 = arith.constant 13 : i32
      %eq3A_556 = vector.broadcast %eq3A_555 : i32 to vector<1000x1xi32>
      %eq3A_557 = arith.cmpi eq, %get3A_37, %eq3A_556 : vector<1000x1xi32>
      %jit3A = arith.constant 0xFF800000 : f32
      %broadcast_in_dim3A = vector.shape_cast %eq3A_557 : vector<1000x1xi1> to vector<1000x1xi1>
      %broadcast_in_dim3A_558 = vector.broadcast %broadcast_in_dim3A : vector<1000x1xi1> to vector<1000x256xi1>
      %broadcast_in_dim3A_559 = vector.broadcast %jit3A : f32 to vector<1000x256xf32>
      %select_n3A = arith.select %broadcast_in_dim3A_558, %concatenate3A, %broadcast_in_dim3A_559 : vector<1000x256xi1>, vector<1000x256xf32>
      %reduce_max3A = arith.constant dense<0xFF800000> : vector<256xf32>
      %reduce_max3A_560 = vector.multi_reduction <maximumf>, %select_n3A, %reduce_max3A [0] : vector<1000x256xf32> to vector<256xf32>
      %get3A_561 = arith.constant 13 : index
      %get3A_562 = arith.constant 0 : index
      %get3A_563 = vector.load %arg6[%get3A_561, %get3A_562] : memref<64x256xf32, #tpu.memory_space<vmem>>, vector<1x256xf32>
      %get3A_564 = vector.shape_cast %get3A_563 : vector<1x256xf32> to vector<256xf32>
      %max3A_565 = arith.maximumf %get3A_564, %reduce_max3A_560 : vector<256xf32>
      %swap3A = arith.constant 13 : index
      %swap3A_566 = arith.constant 0 : index
      %swap3A_567 = vector.load %arg6[%swap3A, %swap3A_566] : memref<64x256xf32, #tpu.memory_space<vmem>>, vector<1x256xf32>
      %swap3A_568 = vector.shape_cast %swap3A_567 : vector<1x256xf32> to vector<256xf32>
      %swap3A_569 = vector.shape_cast %max3A_565 : vector<256xf32> to vector<1x256xf32>
      tpu.vector_store %arg6[%swap3A, %swap3A_566], %swap3A_569 {strides = array<i32>} : memref<64x256xf32, #tpu.memory_space<vmem>>, vector<1x256xf32>,
    } else {
    }
    %le3A_155 = arith.constant 14 : i32
    %le3A_156 = arith.cmpi sle, %get3A_41, %le3A_155 : i32
    %ge3A_157 = arith.constant 14 : i32
    %ge3A_158 = arith.cmpi sge, %get3A_45, %ge3A_157 : i32
    %and3A_159 = arith.andi %le3A_156, %ge3A_158 : i1
    %convert_element_type3A_160 = arith.extui %and3A_159 : i1 to i32
    %cond3A_161 = arith.constant 0 : i32
    %cond3A_162 = arith.cmpi ne, %convert_element_type3A_160, %cond3A_161 : i32
    scf.if %cond3A_162 {
      %eq3A_555 = arith.constant 14 : i32
      %eq3A_556 = vector.broadcast %eq3A_555 : i32 to vector<1000x1xi32>
      %eq3A_557 = arith.cmpi eq, %get3A_37, %eq3A_556 : vector<1000x1xi32>
      %jit3A = arith.constant 0xFF800000 : f32
      %broadcast_in_dim3A = vector.shape_cast %eq3A_557 : vector<1000x1xi1> to vector<1000x1xi1>
      %broadcast_in_dim3A_558 = vector.broadcast %broadcast_in_dim3A : vector<1000x1xi1> to vector<1000x256xi1>
      %broadcast_in_dim3A_559 = vector.broadcast %jit3A : f32 to vector<1000x256xf32>
      %select_n3A = arith.select %broadcast_in_dim3A_558, %concatenate3A, %broadcast_in_dim3A_559 : vector<1000x256xi1>, vector<1000x256xf32>
      %reduce_max3A = arith.constant dense<0xFF800000> : vector<256xf32>
      %reduce_max3A_560 = vector.multi_reduction <maximumf>, %select_n3A, %reduce_max3A [0] : vector<1000x256xf32> to vector<256xf32>
      %get3A_561 = arith.constant 14 : index
      %get3A_562 = arith.constant 0 : index
      %get3A_563 = vector.load %arg6[%get3A_561, %get3A_562] : memref<64x256xf32, #tpu.memory_space<vmem>>, vector<1x256xf32>
      %get3A_564 = vector.shape_cast %get3A_563 : vector<1x256xf32> to vector<256xf32>
      %max3A_565 = arith.maximumf %get3A_564, %reduce_max3A_560 : vector<256xf32>
      %swap3A = arith.constant 14 : index
      %swap3A_566 = arith.constant 0 : index
      %swap3A_567 = vector.load %arg6[%swap3A, %swap3A_566] : memref<64x256xf32, #tpu.memory_space<vmem>>, vector<1x256xf32>
      %swap3A_568 = vector.shape_cast %swap3A_567 : vector<1x256xf32> to vector<256xf32>
      %swap3A_569 = vector.shape_cast %max3A_565 : vector<256xf32> to vector<1x256xf32>
      tpu.vector_store %arg6[%swap3A, %swap3A_566], %swap3A_569 {strides = array<i32>} : memref<64x256xf32, #tpu.memory_space<vmem>>, vector<1x256xf32>,
    } else {
    }
    %le3A_163 = arith.constant 15 : i32
    %le3A_164 = arith.cmpi sle, %get3A_41, %le3A_163 : i32
    %ge3A_165 = arith.constant 15 : i32
    %ge3A_166 = arith.cmpi sge, %get3A_45, %ge3A_165 : i32
    %and3A_167 = arith.andi %le3A_164, %ge3A_166 : i1
    %convert_element_type3A_168 = arith.extui %and3A_167 : i1 to i32
    %cond3A_169 = arith.constant 0 : i32
    %cond3A_170 = arith.cmpi ne, %convert_element_type3A_168, %cond3A_169 : i32
    scf.if %cond3A_170 {
      %eq3A_555 = arith.constant 15 : i32
      %eq3A_556 = vector.broadcast %eq3A_555 : i32 to vector<1000x1xi32>
      %eq3A_557 = arith.cmpi eq, %get3A_37, %eq3A_556 : vector<1000x1xi32>
      %jit3A = arith.constant 0xFF800000 : f32
      %broadcast_in_dim3A = vector.shape_cast %eq3A_557 : vector<1000x1xi1> to vector<1000x1xi1>
      %broadcast_in_dim3A_558 = vector.broadcast %broadcast_in_dim3A : vector<1000x1xi1> to vector<1000x256xi1>
      %broadcast_in_dim3A_559 = vector.broadcast %jit3A : f32 to vector<1000x256xf32>
      %select_n3A = arith.select %broadcast_in_dim3A_558, %concatenate3A, %broadcast_in_dim3A_559 : vector<1000x256xi1>, vector<1000x256xf32>
      %reduce_max3A = arith.constant dense<0xFF800000> : vector<256xf32>
      %reduce_max3A_560 = vector.multi_reduction <maximumf>, %select_n3A, %reduce_max3A [0] : vector<1000x256xf32> to vector<256xf32>
      %get3A_561 = arith.constant 15 : index
      %get3A_562 = arith.constant 0 : index
      %get3A_563 = vector.load %arg6[%get3A_561, %get3A_562] : memref<64x256xf32, #tpu.memory_space<vmem>>, vector<1x256xf32>
      %get3A_564 = vector.shape_cast %get3A_563 : vector<1x256xf32> to vector<256xf32>
      %max3A_565 = arith.maximumf %get3A_564, %reduce_max3A_560 : vector<256xf32>
      %swap3A = arith.constant 15 : index
      %swap3A_566 = arith.constant 0 : index
      %swap3A_567 = vector.load %arg6[%swap3A, %swap3A_566] : memref<64x256xf32, #tpu.memory_space<vmem>>, vector<1x256xf32>
      %swap3A_568 = vector.shape_cast %swap3A_567 : vector<1x256xf32> to vector<256xf32>
      %swap3A_569 = vector.shape_cast %max3A_565 : vector<256xf32> to vector<1x256xf32>
      tpu.vector_store %arg6[%swap3A, %swap3A_566], %swap3A_569 {strides = array<i32>} : memref<64x256xf32, #tpu.memory_space<vmem>>, vector<1x256xf32>,
    } else {
    }
    %le3A_171 = arith.constant 16 : i32
    %le3A_172 = arith.cmpi sle, %get3A_41, %le3A_171 : i32
    %ge3A_173 = arith.constant 16 : i32
    %ge3A_174 = arith.cmpi sge, %get3A_45, %ge3A_173 : i32
    %and3A_175 = arith.andi %le3A_172, %ge3A_174 : i1
    %convert_element_type3A_176 = arith.extui %and3A_175 : i1 to i32
    %cond3A_177 = arith.constant 0 : i32
    %cond3A_178 = arith.cmpi ne, %convert_element_type3A_176, %cond3A_177 : i32
    scf.if %cond3A_178 {
      %eq3A_555 = arith.constant 16 : i32
      %eq3A_556 = vector.broadcast %eq3A_555 : i32 to vector<1000x1xi32>
      %eq3A_557 = arith.cmpi eq, %get3A_37, %eq3A_556 : vector<1000x1xi32>
      %jit3A = arith.constant 0xFF800000 : f32
      %broadcast_in_dim3A = vector.shape_cast %eq3A_557 : vector<1000x1xi1> to vector<1000x1xi1>
      %broadcast_in_dim3A_558 = vector.broadcast %broadcast_in_dim3A : vector<1000x1xi1> to vector<1000x256xi1>
      %broadcast_in_dim3A_559 = vector.broadcast %jit3A : f32 to vector<1000x256xf32>
      %select_n3A = arith.select %broadcast_in_dim3A_558, %concatenate3A, %broadcast_in_dim3A_559 : vector<1000x256xi1>, vector<1000x256xf32>
      %reduce_max3A = arith.constant dense<0xFF800000> : vector<256xf32>
      %reduce_max3A_560 = vector.multi_reduction <maximumf>, %select_n3A, %reduce_max3A [0] : vector<1000x256xf32> to vector<256xf32>
      %get3A_561 = arith.constant 16 : index
      %get3A_562 = arith.constant 0 : index
      %get3A_563 = vector.load %arg6[%get3A_561, %get3A_562] : memref<64x256xf32, #tpu.memory_space<vmem>>, vector<1x256xf32>
      %get3A_564 = vector.shape_cast %get3A_563 : vector<1x256xf32> to vector<256xf32>
      %max3A_565 = arith.maximumf %get3A_564, %reduce_max3A_560 : vector<256xf32>
      %swap3A = arith.constant 16 : index
      %swap3A_566 = arith.constant 0 : index
      %swap3A_567 = vector.load %arg6[%swap3A, %swap3A_566] : memref<64x256xf32, #tpu.memory_space<vmem>>, vector<1x256xf32>
      %swap3A_568 = vector.shape_cast %swap3A_567 : vector<1x256xf32> to vector<256xf32>
      %swap3A_569 = vector.shape_cast %max3A_565 : vector<256xf32> to vector<1x256xf32>
      tpu.vector_store %arg6[%swap3A, %swap3A_566], %swap3A_569 {strides = array<i32>} : memref<64x256xf32, #tpu.memory_space<vmem>>, vector<1x256xf32>,
    } else {
    }
    %le3A_179 = arith.constant 17 : i32
    %le3A_180 = arith.cmpi sle, %get3A_41, %le3A_179 : i32
    %ge3A_181 = arith.constant 17 : i32
    %ge3A_182 = arith.cmpi sge, %get3A_45, %ge3A_181 : i32
    %and3A_183 = arith.andi %le3A_180, %ge3A_182 : i1
    %convert_element_type3A_184 = arith.extui %and3A_183 : i1 to i32
    %cond3A_185 = arith.constant 0 : i32
    %cond3A_186 = arith.cmpi ne, %convert_element_type3A_184, %cond3A_185 : i32
    scf.if %cond3A_186 {
      %eq3A_555 = arith.constant 17 : i32
      %eq3A_556 = vector.broadcast %eq3A_555 : i32 to vector<1000x1xi32>
      %eq3A_557 = arith.cmpi eq, %get3A_37, %eq3A_556 : vector<1000x1xi32>
      %jit3A = arith.constant 0xFF800000 : f32
      %broadcast_in_dim3A = vector.shape_cast %eq3A_557 : vector<1000x1xi1> to vector<1000x1xi1>
      %broadcast_in_dim3A_558 = vector.broadcast %broadcast_in_dim3A : vector<1000x1xi1> to vector<1000x256xi1>
      %broadcast_in_dim3A_559 = vector.broadcast %jit3A : f32 to vector<1000x256xf32>
      %select_n3A = arith.select %broadcast_in_dim3A_558, %concatenate3A, %broadcast_in_dim3A_559 : vector<1000x256xi1>, vector<1000x256xf32>
      %reduce_max3A = arith.constant dense<0xFF800000> : vector<256xf32>
      %reduce_max3A_560 = vector.multi_reduction <maximumf>, %select_n3A, %reduce_max3A [0] : vector<1000x256xf32> to vector<256xf32>
      %get3A_561 = arith.constant 17 : index
      %get3A_562 = arith.constant 0 : index
      %get3A_563 = vector.load %arg6[%get3A_561, %get3A_562] : memref<64x256xf32, #tpu.memory_space<vmem>>, vector<1x256xf32>
      %get3A_564 = vector.shape_cast %get3A_563 : vector<1x256xf32> to vector<256xf32>
      %max3A_565 = arith.maximumf %get3A_564, %reduce_max3A_560 : vector<256xf32>
      %swap3A = arith.constant 17 : index
      %swap3A_566 = arith.constant 0 : index
      %swap3A_567 = vector.load %arg6[%swap3A, %swap3A_566] : memref<64x256xf32, #tpu.memory_space<vmem>>, vector<1x256xf32>
      %swap3A_568 = vector.shape_cast %swap3A_567 : vector<1x256xf32> to vector<256xf32>
      %swap3A_569 = vector.shape_cast %max3A_565 : vector<256xf32> to vector<1x256xf32>
      tpu.vector_store %arg6[%swap3A, %swap3A_566], %swap3A_569 {strides = array<i32>} : memref<64x256xf32, #tpu.memory_space<vmem>>, vector<1x256xf32>,
    } else {
    }
    %le3A_187 = arith.constant 18 : i32
    %le3A_188 = arith.cmpi sle, %get3A_41, %le3A_187 : i32
    %ge3A_189 = arith.constant 18 : i32
    %ge3A_190 = arith.cmpi sge, %get3A_45, %ge3A_189 : i32
    %and3A_191 = arith.andi %le3A_188, %ge3A_190 : i1
    %convert_element_type3A_192 = arith.extui %and3A_191 : i1 to i32
    %cond3A_193 = arith.constant 0 : i32
    %cond3A_194 = arith.cmpi ne, %convert_element_type3A_192, %cond3A_193 : i32
    scf.if %cond3A_194 {
      %eq3A_555 = arith.constant 18 : i32
      %eq3A_556 = vector.broadcast %eq3A_555 : i32 to vector<1000x1xi32>
      %eq3A_557 = arith.cmpi eq, %get3A_37, %eq3A_556 : vector<1000x1xi32>
      %jit3A = arith.constant 0xFF800000 : f32
      %broadcast_in_dim3A = vector.shape_cast %eq3A_557 : vector<1000x1xi1> to vector<1000x1xi1>
      %broadcast_in_dim3A_558 = vector.broadcast %broadcast_in_dim3A : vector<1000x1xi1> to vector<1000x256xi1>
      %broadcast_in_dim3A_559 = vector.broadcast %jit3A : f32 to vector<1000x256xf32>
      %select_n3A = arith.select %broadcast_in_dim3A_558, %concatenate3A, %broadcast_in_dim3A_559 : vector<1000x256xi1>, vector<1000x256xf32>
      %reduce_max3A = arith.constant dense<0xFF800000> : vector<256xf32>
      %reduce_max3A_560 = vector.multi_reduction <maximumf>, %select_n3A, %reduce_max3A [0] : vector<1000x256xf32> to vector<256xf32>
      %get3A_561 = arith.constant 18 : index
      %get3A_562 = arith.constant 0 : index
      %get3A_563 = vector.load %arg6[%get3A_561, %get3A_562] : memref<64x256xf32, #tpu.memory_space<vmem>>, vector<1x256xf32>
      %get3A_564 = vector.shape_cast %get3A_563 : vector<1x256xf32> to vector<256xf32>
      %max3A_565 = arith.maximumf %get3A_564, %reduce_max3A_560 : vector<256xf32>
      %swap3A = arith.constant 18 : index
      %swap3A_566 = arith.constant 0 : index
      %swap3A_567 = vector.load %arg6[%swap3A, %swap3A_566] : memref<64x256xf32, #tpu.memory_space<vmem>>, vector<1x256xf32>
      %swap3A_568 = vector.shape_cast %swap3A_567 : vector<1x256xf32> to vector<256xf32>
      %swap3A_569 = vector.shape_cast %max3A_565 : vector<256xf32> to vector<1x256xf32>
      tpu.vector_store %arg6[%swap3A, %swap3A_566], %swap3A_569 {strides = array<i32>} : memref<64x256xf32, #tpu.memory_space<vmem>>, vector<1x256xf32>,
    } else {
    }
    %le3A_195 = arith.constant 19 : i32
    %le3A_196 = arith.cmpi sle, %get3A_41, %le3A_195 : i32
    %ge3A_197 = arith.constant 19 : i32
    %ge3A_198 = arith.cmpi sge, %get3A_45, %ge3A_197 : i32
    %and3A_199 = arith.andi %le3A_196, %ge3A_198 : i1
    %convert_element_type3A_200 = arith.extui %and3A_199 : i1 to i32
    %cond3A_201 = arith.constant 0 : i32
    %cond3A_202 = arith.cmpi ne, %convert_element_type3A_200, %cond3A_201 : i32
    scf.if %cond3A_202 {
      %eq3A_555 = arith.constant 19 : i32
      %eq3A_556 = vector.broadcast %eq3A_555 : i32 to vector<1000x1xi32>
      %eq3A_557 = arith.cmpi eq, %get3A_37, %eq3A_556 : vector<1000x1xi32>
      %jit3A = arith.constant 0xFF800000 : f32
      %broadcast_in_dim3A = vector.shape_cast %eq3A_557 : vector<1000x1xi1> to vector<1000x1xi1>
      %broadcast_in_dim3A_558 = vector.broadcast %broadcast_in_dim3A : vector<1000x1xi1> to vector<1000x256xi1>
      %broadcast_in_dim3A_559 = vector.broadcast %jit3A : f32 to vector<1000x256xf32>
      %select_n3A = arith.select %broadcast_in_dim3A_558, %concatenate3A, %broadcast_in_dim3A_559 : vector<1000x256xi1>, vector<1000x256xf32>
      %reduce_max3A = arith.constant dense<0xFF800000> : vector<256xf32>
      %reduce_max3A_560 = vector.multi_reduction <maximumf>, %select_n3A, %reduce_max3A [0] : vector<1000x256xf32> to vector<256xf32>
      %get3A_561 = arith.constant 19 : index
      %get3A_562 = arith.constant 0 : index
      %get3A_563 = vector.load %arg6[%get3A_561, %get3A_562] : memref<64x256xf32, #tpu.memory_space<vmem>>, vector<1x256xf32>
      %get3A_564 = vector.shape_cast %get3A_563 : vector<1x256xf32> to vector<256xf32>
      %max3A_565 = arith.maximumf %get3A_564, %reduce_max3A_560 : vector<256xf32>
      %swap3A = arith.constant 19 : index
      %swap3A_566 = arith.constant 0 : index
      %swap3A_567 = vector.load %arg6[%swap3A, %swap3A_566] : memref<64x256xf32, #tpu.memory_space<vmem>>, vector<1x256xf32>
      %swap3A_568 = vector.shape_cast %swap3A_567 : vector<1x256xf32> to vector<256xf32>
      %swap3A_569 = vector.shape_cast %max3A_565 : vector<256xf32> to vector<1x256xf32>
      tpu.vector_store %arg6[%swap3A, %swap3A_566], %swap3A_569 {strides = array<i32>} : memref<64x256xf32, #tpu.memory_space<vmem>>, vector<1x256xf32>,
    } else {
    }
    %le3A_203 = arith.constant 20 : i32
    %le3A_204 = arith.cmpi sle, %get3A_41, %le3A_203 : i32
    %ge3A_205 = arith.constant 20 : i32
    %ge3A_206 = arith.cmpi sge, %get3A_45, %ge3A_205 : i32
    %and3A_207 = arith.andi %le3A_204, %ge3A_206 : i1
    %convert_element_type3A_208 = arith.extui %and3A_207 : i1 to i32
    %cond3A_209 = arith.constant 0 : i32
    %cond3A_210 = arith.cmpi ne, %convert_element_type3A_208, %cond3A_209 : i32
    scf.if %cond3A_210 {
      %eq3A_555 = arith.constant 20 : i32
      %eq3A_556 = vector.broadcast %eq3A_555 : i32 to vector<1000x1xi32>
      %eq3A_557 = arith.cmpi eq, %get3A_37, %eq3A_556 : vector<1000x1xi32>
      %jit3A = arith.constant 0xFF800000 : f32
      %broadcast_in_dim3A = vector.shape_cast %eq3A_557 : vector<1000x1xi1> to vector<1000x1xi1>
      %broadcast_in_dim3A_558 = vector.broadcast %broadcast_in_dim3A : vector<1000x1xi1> to vector<1000x256xi1>
      %broadcast_in_dim3A_559 = vector.broadcast %jit3A : f32 to vector<1000x256xf32>
      %select_n3A = arith.select %broadcast_in_dim3A_558, %concatenate3A, %broadcast_in_dim3A_559 : vector<1000x256xi1>, vector<1000x256xf32>
      %reduce_max3A = arith.constant dense<0xFF800000> : vector<256xf32>
      %reduce_max3A_560 = vector.multi_reduction <maximumf>, %select_n3A, %reduce_max3A [0] : vector<1000x256xf32> to vector<256xf32>
      %get3A_561 = arith.constant 20 : index
      %get3A_562 = arith.constant 0 : index
      %get3A_563 = vector.load %arg6[%get3A_561, %get3A_562] : memref<64x256xf32, #tpu.memory_space<vmem>>, vector<1x256xf32>
      %get3A_564 = vector.shape_cast %get3A_563 : vector<1x256xf32> to vector<256xf32>
      %max3A_565 = arith.maximumf %get3A_564, %reduce_max3A_560 : vector<256xf32>
      %swap3A = arith.constant 20 : index
      %swap3A_566 = arith.constant 0 : index
      %swap3A_567 = vector.load %arg6[%swap3A, %swap3A_566] : memref<64x256xf32, #tpu.memory_space<vmem>>, vector<1x256xf32>
      %swap3A_568 = vector.shape_cast %swap3A_567 : vector<1x256xf32> to vector<256xf32>
      %swap3A_569 = vector.shape_cast %max3A_565 : vector<256xf32> to vector<1x256xf32>
      tpu.vector_store %arg6[%swap3A, %swap3A_566], %swap3A_569 {strides = array<i32>} : memref<64x256xf32, #tpu.memory_space<vmem>>, vector<1x256xf32>,
    } else {
    }
    %le3A_211 = arith.constant 21 : i32
    %le3A_212 = arith.cmpi sle, %get3A_41, %le3A_211 : i32
    %ge3A_213 = arith.constant 21 : i32
    %ge3A_214 = arith.cmpi sge, %get3A_45, %ge3A_213 : i32
    %and3A_215 = arith.andi %le3A_212, %ge3A_214 : i1
    %convert_element_type3A_216 = arith.extui %and3A_215 : i1 to i32
    %cond3A_217 = arith.constant 0 : i32
    %cond3A_218 = arith.cmpi ne, %convert_element_type3A_216, %cond3A_217 : i32
    scf.if %cond3A_218 {
      %eq3A_555 = arith.constant 21 : i32
      %eq3A_556 = vector.broadcast %eq3A_555 : i32 to vector<1000x1xi32>
      %eq3A_557 = arith.cmpi eq, %get3A_37, %eq3A_556 : vector<1000x1xi32>
      %jit3A = arith.constant 0xFF800000 : f32
      %broadcast_in_dim3A = vector.shape_cast %eq3A_557 : vector<1000x1xi1> to vector<1000x1xi1>
      %broadcast_in_dim3A_558 = vector.broadcast %broadcast_in_dim3A : vector<1000x1xi1> to vector<1000x256xi1>
      %broadcast_in_dim3A_559 = vector.broadcast %jit3A : f32 to vector<1000x256xf32>
      %select_n3A = arith.select %broadcast_in_dim3A_558, %concatenate3A, %broadcast_in_dim3A_559 : vector<1000x256xi1>, vector<1000x256xf32>
      %reduce_max3A = arith.constant dense<0xFF800000> : vector<256xf32>
      %reduce_max3A_560 = vector.multi_reduction <maximumf>, %select_n3A, %reduce_max3A [0] : vector<1000x256xf32> to vector<256xf32>
      %get3A_561 = arith.constant 21 : index
      %get3A_562 = arith.constant 0 : index
      %get3A_563 = vector.load %arg6[%get3A_561, %get3A_562] : memref<64x256xf32, #tpu.memory_space<vmem>>, vector<1x256xf32>
      %get3A_564 = vector.shape_cast %get3A_563 : vector<1x256xf32> to vector<256xf32>
      %max3A_565 = arith.maximumf %get3A_564, %reduce_max3A_560 : vector<256xf32>
      %swap3A = arith.constant 21 : index
      %swap3A_566 = arith.constant 0 : index
      %swap3A_567 = vector.load %arg6[%swap3A, %swap3A_566] : memref<64x256xf32, #tpu.memory_space<vmem>>, vector<1x256xf32>
      %swap3A_568 = vector.shape_cast %swap3A_567 : vector<1x256xf32> to vector<256xf32>
      %swap3A_569 = vector.shape_cast %max3A_565 : vector<256xf32> to vector<1x256xf32>
      tpu.vector_store %arg6[%swap3A, %swap3A_566], %swap3A_569 {strides = array<i32>} : memref<64x256xf32, #tpu.memory_space<vmem>>, vector<1x256xf32>,
    } else {
    }
    %le3A_219 = arith.constant 22 : i32
    %le3A_220 = arith.cmpi sle, %get3A_41, %le3A_219 : i32
    %ge3A_221 = arith.constant 22 : i32
    %ge3A_222 = arith.cmpi sge, %get3A_45, %ge3A_221 : i32
    %and3A_223 = arith.andi %le3A_220, %ge3A_222 : i1
    %convert_element_type3A_224 = arith.extui %and3A_223 : i1 to i32
    %cond3A_225 = arith.constant 0 : i32
    %cond3A_226 = arith.cmpi ne, %convert_element_type3A_224, %cond3A_225 : i32
    scf.if %cond3A_226 {
      %eq3A_555 = arith.constant 22 : i32
      %eq3A_556 = vector.broadcast %eq3A_555 : i32 to vector<1000x1xi32>
      %eq3A_557 = arith.cmpi eq, %get3A_37, %eq3A_556 : vector<1000x1xi32>
      %jit3A = arith.constant 0xFF800000 : f32
      %broadcast_in_dim3A = vector.shape_cast %eq3A_557 : vector<1000x1xi1> to vector<1000x1xi1>
      %broadcast_in_dim3A_558 = vector.broadcast %broadcast_in_dim3A : vector<1000x1xi1> to vector<1000x256xi1>
      %broadcast_in_dim3A_559 = vector.broadcast %jit3A : f32 to vector<1000x256xf32>
      %select_n3A = arith.select %broadcast_in_dim3A_558, %concatenate3A, %broadcast_in_dim3A_559 : vector<1000x256xi1>, vector<1000x256xf32>
      %reduce_max3A = arith.constant dense<0xFF800000> : vector<256xf32>
      %reduce_max3A_560 = vector.multi_reduction <maximumf>, %select_n3A, %reduce_max3A [0] : vector<1000x256xf32> to vector<256xf32>
      %get3A_561 = arith.constant 22 : index
      %get3A_562 = arith.constant 0 : index
      %get3A_563 = vector.load %arg6[%get3A_561, %get3A_562] : memref<64x256xf32, #tpu.memory_space<vmem>>, vector<1x256xf32>
      %get3A_564 = vector.shape_cast %get3A_563 : vector<1x256xf32> to vector<256xf32>
      %max3A_565 = arith.maximumf %get3A_564, %reduce_max3A_560 : vector<256xf32>
      %swap3A = arith.constant 22 : index
      %swap3A_566 = arith.constant 0 : index
      %swap3A_567 = vector.load %arg6[%swap3A, %swap3A_566] : memref<64x256xf32, #tpu.memory_space<vmem>>, vector<1x256xf32>
      %swap3A_568 = vector.shape_cast %swap3A_567 : vector<1x256xf32> to vector<256xf32>
      %swap3A_569 = vector.shape_cast %max3A_565 : vector<256xf32> to vector<1x256xf32>
      tpu.vector_store %arg6[%swap3A, %swap3A_566], %swap3A_569 {strides = array<i32>} : memref<64x256xf32, #tpu.memory_space<vmem>>, vector<1x256xf32>,
    } else {
    }
    %le3A_227 = arith.constant 23 : i32
    %le3A_228 = arith.cmpi sle, %get3A_41, %le3A_227 : i32
    %ge3A_229 = arith.constant 23 : i32
    %ge3A_230 = arith.cmpi sge, %get3A_45, %ge3A_229 : i32
    %and3A_231 = arith.andi %le3A_228, %ge3A_230 : i1
    %convert_element_type3A_232 = arith.extui %and3A_231 : i1 to i32
    %cond3A_233 = arith.constant 0 : i32
    %cond3A_234 = arith.cmpi ne, %convert_element_type3A_232, %cond3A_233 : i32
    scf.if %cond3A_234 {
      %eq3A_555 = arith.constant 23 : i32
      %eq3A_556 = vector.broadcast %eq3A_555 : i32 to vector<1000x1xi32>
      %eq3A_557 = arith.cmpi eq, %get3A_37, %eq3A_556 : vector<1000x1xi32>
      %jit3A = arith.constant 0xFF800000 : f32
      %broadcast_in_dim3A = vector.shape_cast %eq3A_557 : vector<1000x1xi1> to vector<1000x1xi1>
      %broadcast_in_dim3A_558 = vector.broadcast %broadcast_in_dim3A : vector<1000x1xi1> to vector<1000x256xi1>
      %broadcast_in_dim3A_559 = vector.broadcast %jit3A : f32 to vector<1000x256xf32>
      %select_n3A = arith.select %broadcast_in_dim3A_558, %concatenate3A, %broadcast_in_dim3A_559 : vector<1000x256xi1>, vector<1000x256xf32>
      %reduce_max3A = arith.constant dense<0xFF800000> : vector<256xf32>
      %reduce_max3A_560 = vector.multi_reduction <maximumf>, %select_n3A, %reduce_max3A [0] : vector<1000x256xf32> to vector<256xf32>
      %get3A_561 = arith.constant 23 : index
      %get3A_562 = arith.constant 0 : index
      %get3A_563 = vector.load %arg6[%get3A_561, %get3A_562] : memref<64x256xf32, #tpu.memory_space<vmem>>, vector<1x256xf32>
      %get3A_564 = vector.shape_cast %get3A_563 : vector<1x256xf32> to vector<256xf32>
      %max3A_565 = arith.maximumf %get3A_564, %reduce_max3A_560 : vector<256xf32>
      %swap3A = arith.constant 23 : index
      %swap3A_566 = arith.constant 0 : index
      %swap3A_567 = vector.load %arg6[%swap3A, %swap3A_566] : memref<64x256xf32, #tpu.memory_space<vmem>>, vector<1x256xf32>
      %swap3A_568 = vector.shape_cast %swap3A_567 : vector<1x256xf32> to vector<256xf32>
      %swap3A_569 = vector.shape_cast %max3A_565 : vector<256xf32> to vector<1x256xf32>
      tpu.vector_store %arg6[%swap3A, %swap3A_566], %swap3A_569 {strides = array<i32>} : memref<64x256xf32, #tpu.memory_space<vmem>>, vector<1x256xf32>,
    } else {
    }
    %le3A_235 = arith.constant 24 : i32
    %le3A_236 = arith.cmpi sle, %get3A_41, %le3A_235 : i32
    %ge3A_237 = arith.constant 24 : i32
    %ge3A_238 = arith.cmpi sge, %get3A_45, %ge3A_237 : i32
    %and3A_239 = arith.andi %le3A_236, %ge3A_238 : i1
    %convert_element_type3A_240 = arith.extui %and3A_239 : i1 to i32
    %cond3A_241 = arith.constant 0 : i32
    %cond3A_242 = arith.cmpi ne, %convert_element_type3A_240, %cond3A_241 : i32
    scf.if %cond3A_242 {
      %eq3A_555 = arith.constant 24 : i32
      %eq3A_556 = vector.broadcast %eq3A_555 : i32 to vector<1000x1xi32>
      %eq3A_557 = arith.cmpi eq, %get3A_37, %eq3A_556 : vector<1000x1xi32>
      %jit3A = arith.constant 0xFF800000 : f32
      %broadcast_in_dim3A = vector.shape_cast %eq3A_557 : vector<1000x1xi1> to vector<1000x1xi1>
      %broadcast_in_dim3A_558 = vector.broadcast %broadcast_in_dim3A : vector<1000x1xi1> to vector<1000x256xi1>
      %broadcast_in_dim3A_559 = vector.broadcast %jit3A : f32 to vector<1000x256xf32>
      %select_n3A = arith.select %broadcast_in_dim3A_558, %concatenate3A, %broadcast_in_dim3A_559 : vector<1000x256xi1>, vector<1000x256xf32>
      %reduce_max3A = arith.constant dense<0xFF800000> : vector<256xf32>
      %reduce_max3A_560 = vector.multi_reduction <maximumf>, %select_n3A, %reduce_max3A [0] : vector<1000x256xf32> to vector<256xf32>
      %get3A_561 = arith.constant 24 : index
      %get3A_562 = arith.constant 0 : index
      %get3A_563 = vector.load %arg6[%get3A_561, %get3A_562] : memref<64x256xf32, #tpu.memory_space<vmem>>, vector<1x256xf32>
      %get3A_564 = vector.shape_cast %get3A_563 : vector<1x256xf32> to vector<256xf32>
      %max3A_565 = arith.maximumf %get3A_564, %reduce_max3A_560 : vector<256xf32>
      %swap3A = arith.constant 24 : index
      %swap3A_566 = arith.constant 0 : index
      %swap3A_567 = vector.load %arg6[%swap3A, %swap3A_566] : memref<64x256xf32, #tpu.memory_space<vmem>>, vector<1x256xf32>
      %swap3A_568 = vector.shape_cast %swap3A_567 : vector<1x256xf32> to vector<256xf32>
      %swap3A_569 = vector.shape_cast %max3A_565 : vector<256xf32> to vector<1x256xf32>
      tpu.vector_store %arg6[%swap3A, %swap3A_566], %swap3A_569 {strides = array<i32>} : memref<64x256xf32, #tpu.memory_space<vmem>>, vector<1x256xf32>,
    } else {
    }
    %le3A_243 = arith.constant 25 : i32
    %le3A_244 = arith.cmpi sle, %get3A_41, %le3A_243 : i32
    %ge3A_245 = arith.constant 25 : i32
    %ge3A_246 = arith.cmpi sge, %get3A_45, %ge3A_245 : i32
    %and3A_247 = arith.andi %le3A_244, %ge3A_246 : i1
    %convert_element_type3A_248 = arith.extui %and3A_247 : i1 to i32
    %cond3A_249 = arith.constant 0 : i32
    %cond3A_250 = arith.cmpi ne, %convert_element_type3A_248, %cond3A_249 : i32
    scf.if %cond3A_250 {
      %eq3A_555 = arith.constant 25 : i32
      %eq3A_556 = vector.broadcast %eq3A_555 : i32 to vector<1000x1xi32>
      %eq3A_557 = arith.cmpi eq, %get3A_37, %eq3A_556 : vector<1000x1xi32>
      %jit3A = arith.constant 0xFF800000 : f32
      %broadcast_in_dim3A = vector.shape_cast %eq3A_557 : vector<1000x1xi1> to vector<1000x1xi1>
      %broadcast_in_dim3A_558 = vector.broadcast %broadcast_in_dim3A : vector<1000x1xi1> to vector<1000x256xi1>
      %broadcast_in_dim3A_559 = vector.broadcast %jit3A : f32 to vector<1000x256xf32>
      %select_n3A = arith.select %broadcast_in_dim3A_558, %concatenate3A, %broadcast_in_dim3A_559 : vector<1000x256xi1>, vector<1000x256xf32>
      %reduce_max3A = arith.constant dense<0xFF800000> : vector<256xf32>
      %reduce_max3A_560 = vector.multi_reduction <maximumf>, %select_n3A, %reduce_max3A [0] : vector<1000x256xf32> to vector<256xf32>
      %get3A_561 = arith.constant 25 : index
      %get3A_562 = arith.constant 0 : index
      %get3A_563 = vector.load %arg6[%get3A_561, %get3A_562] : memref<64x256xf32, #tpu.memory_space<vmem>>, vector<1x256xf32>
      %get3A_564 = vector.shape_cast %get3A_563 : vector<1x256xf32> to vector<256xf32>
      %max3A_565 = arith.maximumf %get3A_564, %reduce_max3A_560 : vector<256xf32>
      %swap3A = arith.constant 25 : index
      %swap3A_566 = arith.constant 0 : index
      %swap3A_567 = vector.load %arg6[%swap3A, %swap3A_566] : memref<64x256xf32, #tpu.memory_space<vmem>>, vector<1x256xf32>
      %swap3A_568 = vector.shape_cast %swap3A_567 : vector<1x256xf32> to vector<256xf32>
      %swap3A_569 = vector.shape_cast %max3A_565 : vector<256xf32> to vector<1x256xf32>
      tpu.vector_store %arg6[%swap3A, %swap3A_566], %swap3A_569 {strides = array<i32>} : memref<64x256xf32, #tpu.memory_space<vmem>>, vector<1x256xf32>,
    } else {
    }
    %le3A_251 = arith.constant 26 : i32
    %le3A_252 = arith.cmpi sle, %get3A_41, %le3A_251 : i32
    %ge3A_253 = arith.constant 26 : i32
    %ge3A_254 = arith.cmpi sge, %get3A_45, %ge3A_253 : i32
    %and3A_255 = arith.andi %le3A_252, %ge3A_254 : i1
    %convert_element_type3A_256 = arith.extui %and3A_255 : i1 to i32
    %cond3A_257 = arith.constant 0 : i32
    %cond3A_258 = arith.cmpi ne, %convert_element_type3A_256, %cond3A_257 : i32
    scf.if %cond3A_258 {
      %eq3A_555 = arith.constant 26 : i32
      %eq3A_556 = vector.broadcast %eq3A_555 : i32 to vector<1000x1xi32>
      %eq3A_557 = arith.cmpi eq, %get3A_37, %eq3A_556 : vector<1000x1xi32>
      %jit3A = arith.constant 0xFF800000 : f32
      %broadcast_in_dim3A = vector.shape_cast %eq3A_557 : vector<1000x1xi1> to vector<1000x1xi1>
      %broadcast_in_dim3A_558 = vector.broadcast %broadcast_in_dim3A : vector<1000x1xi1> to vector<1000x256xi1>
      %broadcast_in_dim3A_559 = vector.broadcast %jit3A : f32 to vector<1000x256xf32>
      %select_n3A = arith.select %broadcast_in_dim3A_558, %concatenate3A, %broadcast_in_dim3A_559 : vector<1000x256xi1>, vector<1000x256xf32>
      %reduce_max3A = arith.constant dense<0xFF800000> : vector<256xf32>
      %reduce_max3A_560 = vector.multi_reduction <maximumf>, %select_n3A, %reduce_max3A [0] : vector<1000x256xf32> to vector<256xf32>
      %get3A_561 = arith.constant 26 : index
      %get3A_562 = arith.constant 0 : index
      %get3A_563 = vector.load %arg6[%get3A_561, %get3A_562] : memref<64x256xf32, #tpu.memory_space<vmem>>, vector<1x256xf32>
      %get3A_564 = vector.shape_cast %get3A_563 : vector<1x256xf32> to vector<256xf32>
      %max3A_565 = arith.maximumf %get3A_564, %reduce_max3A_560 : vector<256xf32>
      %swap3A = arith.constant 26 : index
      %swap3A_566 = arith.constant 0 : index
      %swap3A_567 = vector.load %arg6[%swap3A, %swap3A_566] : memref<64x256xf32, #tpu.memory_space<vmem>>, vector<1x256xf32>
      %swap3A_568 = vector.shape_cast %swap3A_567 : vector<1x256xf32> to vector<256xf32>
      %swap3A_569 = vector.shape_cast %max3A_565 : vector<256xf32> to vector<1x256xf32>
      tpu.vector_store %arg6[%swap3A, %swap3A_566], %swap3A_569 {strides = array<i32>} : memref<64x256xf32, #tpu.memory_space<vmem>>, vector<1x256xf32>,
    } else {
    }
    %le3A_259 = arith.constant 27 : i32
    %le3A_260 = arith.cmpi sle, %get3A_41, %le3A_259 : i32
    %ge3A_261 = arith.constant 27 : i32
    %ge3A_262 = arith.cmpi sge, %get3A_45, %ge3A_261 : i32
    %and3A_263 = arith.andi %le3A_260, %ge3A_262 : i1
    %convert_element_type3A_264 = arith.extui %and3A_263 : i1 to i32
    %cond3A_265 = arith.constant 0 : i32
    %cond3A_266 = arith.cmpi ne, %convert_element_type3A_264, %cond3A_265 : i32
    scf.if %cond3A_266 {
      %eq3A_555 = arith.constant 27 : i32
      %eq3A_556 = vector.broadcast %eq3A_555 : i32 to vector<1000x1xi32>
      %eq3A_557 = arith.cmpi eq, %get3A_37, %eq3A_556 : vector<1000x1xi32>
      %jit3A = arith.constant 0xFF800000 : f32
      %broadcast_in_dim3A = vector.shape_cast %eq3A_557 : vector<1000x1xi1> to vector<1000x1xi1>
      %broadcast_in_dim3A_558 = vector.broadcast %broadcast_in_dim3A : vector<1000x1xi1> to vector<1000x256xi1>
      %broadcast_in_dim3A_559 = vector.broadcast %jit3A : f32 to vector<1000x256xf32>
      %select_n3A = arith.select %broadcast_in_dim3A_558, %concatenate3A, %broadcast_in_dim3A_559 : vector<1000x256xi1>, vector<1000x256xf32>
      %reduce_max3A = arith.constant dense<0xFF800000> : vector<256xf32>
      %reduce_max3A_560 = vector.multi_reduction <maximumf>, %select_n3A, %reduce_max3A [0] : vector<1000x256xf32> to vector<256xf32>
      %get3A_561 = arith.constant 27 : index
      %get3A_562 = arith.constant 0 : index
      %get3A_563 = vector.load %arg6[%get3A_561, %get3A_562] : memref<64x256xf32, #tpu.memory_space<vmem>>, vector<1x256xf32>
      %get3A_564 = vector.shape_cast %get3A_563 : vector<1x256xf32> to vector<256xf32>
      %max3A_565 = arith.maximumf %get3A_564, %reduce_max3A_560 : vector<256xf32>
      %swap3A = arith.constant 27 : index
      %swap3A_566 = arith.constant 0 : index
      %swap3A_567 = vector.load %arg6[%swap3A, %swap3A_566] : memref<64x256xf32, #tpu.memory_space<vmem>>, vector<1x256xf32>
      %swap3A_568 = vector.shape_cast %swap3A_567 : vector<1x256xf32> to vector<256xf32>
      %swap3A_569 = vector.shape_cast %max3A_565 : vector<256xf32> to vector<1x256xf32>
      tpu.vector_store %arg6[%swap3A, %swap3A_566], %swap3A_569 {strides = array<i32>} : memref<64x256xf32, #tpu.memory_space<vmem>>, vector<1x256xf32>,
    } else {
    }
    %le3A_267 = arith.constant 28 : i32
    %le3A_268 = arith.cmpi sle, %get3A_41, %le3A_267 : i32
    %ge3A_269 = arith.constant 28 : i32
    %ge3A_270 = arith.cmpi sge, %get3A_45, %ge3A_269 : i32
    %and3A_271 = arith.andi %le3A_268, %ge3A_270 : i1
    %convert_element_type3A_272 = arith.extui %and3A_271 : i1 to i32
    %cond3A_273 = arith.constant 0 : i32
    %cond3A_274 = arith.cmpi ne, %convert_element_type3A_272, %cond3A_273 : i32
    scf.if %cond3A_274 {
      %eq3A_555 = arith.constant 28 : i32
      %eq3A_556 = vector.broadcast %eq3A_555 : i32 to vector<1000x1xi32>
      %eq3A_557 = arith.cmpi eq, %get3A_37, %eq3A_556 : vector<1000x1xi32>
      %jit3A = arith.constant 0xFF800000 : f32
      %broadcast_in_dim3A = vector.shape_cast %eq3A_557 : vector<1000x1xi1> to vector<1000x1xi1>
      %broadcast_in_dim3A_558 = vector.broadcast %broadcast_in_dim3A : vector<1000x1xi1> to vector<1000x256xi1>
      %broadcast_in_dim3A_559 = vector.broadcast %jit3A : f32 to vector<1000x256xf32>
      %select_n3A = arith.select %broadcast_in_dim3A_558, %concatenate3A, %broadcast_in_dim3A_559 : vector<1000x256xi1>, vector<1000x256xf32>
      %reduce_max3A = arith.constant dense<0xFF800000> : vector<256xf32>
      %reduce_max3A_560 = vector.multi_reduction <maximumf>, %select_n3A, %reduce_max3A [0] : vector<1000x256xf32> to vector<256xf32>
      %get3A_561 = arith.constant 28 : index
      %get3A_562 = arith.constant 0 : index
      %get3A_563 = vector.load %arg6[%get3A_561, %get3A_562] : memref<64x256xf32, #tpu.memory_space<vmem>>, vector<1x256xf32>
      %get3A_564 = vector.shape_cast %get3A_563 : vector<1x256xf32> to vector<256xf32>
      %max3A_565 = arith.maximumf %get3A_564, %reduce_max3A_560 : vector<256xf32>
      %swap3A = arith.constant 28 : index
      %swap3A_566 = arith.constant 0 : index
      %swap3A_567 = vector.load %arg6[%swap3A, %swap3A_566] : memref<64x256xf32, #tpu.memory_space<vmem>>, vector<1x256xf32>
      %swap3A_568 = vector.shape_cast %swap3A_567 : vector<1x256xf32> to vector<256xf32>
      %swap3A_569 = vector.shape_cast %max3A_565 : vector<256xf32> to vector<1x256xf32>
      tpu.vector_store %arg6[%swap3A, %swap3A_566], %swap3A_569 {strides = array<i32>} : memref<64x256xf32, #tpu.memory_space<vmem>>, vector<1x256xf32>,
    } else {
    }
    %le3A_275 = arith.constant 29 : i32
    %le3A_276 = arith.cmpi sle, %get3A_41, %le3A_275 : i32
    %ge3A_277 = arith.constant 29 : i32
    %ge3A_278 = arith.cmpi sge, %get3A_45, %ge3A_277 : i32
    %and3A_279 = arith.andi %le3A_276, %ge3A_278 : i1
    %convert_element_type3A_280 = arith.extui %and3A_279 : i1 to i32
    %cond3A_281 = arith.constant 0 : i32
    %cond3A_282 = arith.cmpi ne, %convert_element_type3A_280, %cond3A_281 : i32
    scf.if %cond3A_282 {
      %eq3A_555 = arith.constant 29 : i32
      %eq3A_556 = vector.broadcast %eq3A_555 : i32 to vector<1000x1xi32>
      %eq3A_557 = arith.cmpi eq, %get3A_37, %eq3A_556 : vector<1000x1xi32>
      %jit3A = arith.constant 0xFF800000 : f32
      %broadcast_in_dim3A = vector.shape_cast %eq3A_557 : vector<1000x1xi1> to vector<1000x1xi1>
      %broadcast_in_dim3A_558 = vector.broadcast %broadcast_in_dim3A : vector<1000x1xi1> to vector<1000x256xi1>
      %broadcast_in_dim3A_559 = vector.broadcast %jit3A : f32 to vector<1000x256xf32>
      %select_n3A = arith.select %broadcast_in_dim3A_558, %concatenate3A, %broadcast_in_dim3A_559 : vector<1000x256xi1>, vector<1000x256xf32>
      %reduce_max3A = arith.constant dense<0xFF800000> : vector<256xf32>
      %reduce_max3A_560 = vector.multi_reduction <maximumf>, %select_n3A, %reduce_max3A [0] : vector<1000x256xf32> to vector<256xf32>
      %get3A_561 = arith.constant 29 : index
      %get3A_562 = arith.constant 0 : index
      %get3A_563 = vector.load %arg6[%get3A_561, %get3A_562] : memref<64x256xf32, #tpu.memory_space<vmem>>, vector<1x256xf32>
      %get3A_564 = vector.shape_cast %get3A_563 : vector<1x256xf32> to vector<256xf32>
      %max3A_565 = arith.maximumf %get3A_564, %reduce_max3A_560 : vector<256xf32>
      %swap3A = arith.constant 29 : index
      %swap3A_566 = arith.constant 0 : index
      %swap3A_567 = vector.load %arg6[%swap3A, %swap3A_566] : memref<64x256xf32, #tpu.memory_space<vmem>>, vector<1x256xf32>
      %swap3A_568 = vector.shape_cast %swap3A_567 : vector<1x256xf32> to vector<256xf32>
      %swap3A_569 = vector.shape_cast %max3A_565 : vector<256xf32> to vector<1x256xf32>
      tpu.vector_store %arg6[%swap3A, %swap3A_566], %swap3A_569 {strides = array<i32>} : memref<64x256xf32, #tpu.memory_space<vmem>>, vector<1x256xf32>,
    } else {
    }
    %le3A_283 = arith.constant 30 : i32
    %le3A_284 = arith.cmpi sle, %get3A_41, %le3A_283 : i32
    %ge3A_285 = arith.constant 30 : i32
    %ge3A_286 = arith.cmpi sge, %get3A_45, %ge3A_285 : i32
    %and3A_287 = arith.andi %le3A_284, %ge3A_286 : i1
    %convert_element_type3A_288 = arith.extui %and3A_287 : i1 to i32
    %cond3A_289 = arith.constant 0 : i32
    %cond3A_290 = arith.cmpi ne, %convert_element_type3A_288, %cond3A_289 : i32
    scf.if %cond3A_290 {
      %eq3A_555 = arith.constant 30 : i32
      %eq3A_556 = vector.broadcast %eq3A_555 : i32 to vector<1000x1xi32>
      %eq3A_557 = arith.cmpi eq, %get3A_37, %eq3A_556 : vector<1000x1xi32>
      %jit3A = arith.constant 0xFF800000 : f32
      %broadcast_in_dim3A = vector.shape_cast %eq3A_557 : vector<1000x1xi1> to vector<1000x1xi1>
      %broadcast_in_dim3A_558 = vector.broadcast %broadcast_in_dim3A : vector<1000x1xi1> to vector<1000x256xi1>
      %broadcast_in_dim3A_559 = vector.broadcast %jit3A : f32 to vector<1000x256xf32>
      %select_n3A = arith.select %broadcast_in_dim3A_558, %concatenate3A, %broadcast_in_dim3A_559 : vector<1000x256xi1>, vector<1000x256xf32>
      %reduce_max3A = arith.constant dense<0xFF800000> : vector<256xf32>
      %reduce_max3A_560 = vector.multi_reduction <maximumf>, %select_n3A, %reduce_max3A [0] : vector<1000x256xf32> to vector<256xf32>
      %get3A_561 = arith.constant 30 : index
      %get3A_562 = arith.constant 0 : index
      %get3A_563 = vector.load %arg6[%get3A_561, %get3A_562] : memref<64x256xf32, #tpu.memory_space<vmem>>, vector<1x256xf32>
      %get3A_564 = vector.shape_cast %get3A_563 : vector<1x256xf32> to vector<256xf32>
      %max3A_565 = arith.maximumf %get3A_564, %reduce_max3A_560 : vector<256xf32>
      %swap3A = arith.constant 30 : index
      %swap3A_566 = arith.constant 0 : index
      %swap3A_567 = vector.load %arg6[%swap3A, %swap3A_566] : memref<64x256xf32, #tpu.memory_space<vmem>>, vector<1x256xf32>
      %swap3A_568 = vector.shape_cast %swap3A_567 : vector<1x256xf32> to vector<256xf32>
      %swap3A_569 = vector.shape_cast %max3A_565 : vector<256xf32> to vector<1x256xf32>
      tpu.vector_store %arg6[%swap3A, %swap3A_566], %swap3A_569 {strides = array<i32>} : memref<64x256xf32, #tpu.memory_space<vmem>>, vector<1x256xf32>,
    } else {
    }
    %le3A_291 = arith.constant 31 : i32
    %le3A_292 = arith.cmpi sle, %get3A_41, %le3A_291 : i32
    %ge3A_293 = arith.constant 31 : i32
    %ge3A_294 = arith.cmpi sge, %get3A_45, %ge3A_293 : i32
    %and3A_295 = arith.andi %le3A_292, %ge3A_294 : i1
    %convert_element_type3A_296 = arith.extui %and3A_295 : i1 to i32
    %cond3A_297 = arith.constant 0 : i32
    %cond3A_298 = arith.cmpi ne, %convert_element_type3A_296, %cond3A_297 : i32
    scf.if %cond3A_298 {
      %eq3A_555 = arith.constant 31 : i32
      %eq3A_556 = vector.broadcast %eq3A_555 : i32 to vector<1000x1xi32>
      %eq3A_557 = arith.cmpi eq, %get3A_37, %eq3A_556 : vector<1000x1xi32>
      %jit3A = arith.constant 0xFF800000 : f32
      %broadcast_in_dim3A = vector.shape_cast %eq3A_557 : vector<1000x1xi1> to vector<1000x1xi1>
      %broadcast_in_dim3A_558 = vector.broadcast %broadcast_in_dim3A : vector<1000x1xi1> to vector<1000x256xi1>
      %broadcast_in_dim3A_559 = vector.broadcast %jit3A : f32 to vector<1000x256xf32>
      %select_n3A = arith.select %broadcast_in_dim3A_558, %concatenate3A, %broadcast_in_dim3A_559 : vector<1000x256xi1>, vector<1000x256xf32>
      %reduce_max3A = arith.constant dense<0xFF800000> : vector<256xf32>
      %reduce_max3A_560 = vector.multi_reduction <maximumf>, %select_n3A, %reduce_max3A [0] : vector<1000x256xf32> to vector<256xf32>
      %get3A_561 = arith.constant 31 : index
      %get3A_562 = arith.constant 0 : index
      %get3A_563 = vector.load %arg6[%get3A_561, %get3A_562] : memref<64x256xf32, #tpu.memory_space<vmem>>, vector<1x256xf32>
      %get3A_564 = vector.shape_cast %get3A_563 : vector<1x256xf32> to vector<256xf32>
      %max3A_565 = arith.maximumf %get3A_564, %reduce_max3A_560 : vector<256xf32>
      %swap3A = arith.constant 31 : index
      %swap3A_566 = arith.constant 0 : index
      %swap3A_567 = vector.load %arg6[%swap3A, %swap3A_566] : memref<64x256xf32, #tpu.memory_space<vmem>>, vector<1x256xf32>
      %swap3A_568 = vector.shape_cast %swap3A_567 : vector<1x256xf32> to vector<256xf32>
      %swap3A_569 = vector.shape_cast %max3A_565 : vector<256xf32> to vector<1x256xf32>
      tpu.vector_store %arg6[%swap3A, %swap3A_566], %swap3A_569 {strides = array<i32>} : memref<64x256xf32, #tpu.memory_space<vmem>>, vector<1x256xf32>,
    } else {
    }
    %le3A_299 = arith.constant 32 : i32
    %le3A_300 = arith.cmpi sle, %get3A_41, %le3A_299 : i32
    %ge3A_301 = arith.constant 32 : i32
    %ge3A_302 = arith.cmpi sge, %get3A_45, %ge3A_301 : i32
    %and3A_303 = arith.andi %le3A_300, %ge3A_302 : i1
    %convert_element_type3A_304 = arith.extui %and3A_303 : i1 to i32
    %cond3A_305 = arith.constant 0 : i32
    %cond3A_306 = arith.cmpi ne, %convert_element_type3A_304, %cond3A_305 : i32
    scf.if %cond3A_306 {
      %eq3A_555 = arith.constant 32 : i32
      %eq3A_556 = vector.broadcast %eq3A_555 : i32 to vector<1000x1xi32>
      %eq3A_557 = arith.cmpi eq, %get3A_37, %eq3A_556 : vector<1000x1xi32>
      %jit3A = arith.constant 0xFF800000 : f32
      %broadcast_in_dim3A = vector.shape_cast %eq3A_557 : vector<1000x1xi1> to vector<1000x1xi1>
      %broadcast_in_dim3A_558 = vector.broadcast %broadcast_in_dim3A : vector<1000x1xi1> to vector<1000x256xi1>
      %broadcast_in_dim3A_559 = vector.broadcast %jit3A : f32 to vector<1000x256xf32>
      %select_n3A = arith.select %broadcast_in_dim3A_558, %concatenate3A, %broadcast_in_dim3A_559 : vector<1000x256xi1>, vector<1000x256xf32>
      %reduce_max3A = arith.constant dense<0xFF800000> : vector<256xf32>
      %reduce_max3A_560 = vector.multi_reduction <maximumf>, %select_n3A, %reduce_max3A [0] : vector<1000x256xf32> to vector<256xf32>
      %get3A_561 = arith.constant 32 : index
      %get3A_562 = arith.constant 0 : index
      %get3A_563 = vector.load %arg6[%get3A_561, %get3A_562] : memref<64x256xf32, #tpu.memory_space<vmem>>, vector<1x256xf32>
      %get3A_564 = vector.shape_cast %get3A_563 : vector<1x256xf32> to vector<256xf32>
      %max3A_565 = arith.maximumf %get3A_564, %reduce_max3A_560 : vector<256xf32>
      %swap3A = arith.constant 32 : index
      %swap3A_566 = arith.constant 0 : index
      %swap3A_567 = vector.load %arg6[%swap3A, %swap3A_566] : memref<64x256xf32, #tpu.memory_space<vmem>>, vector<1x256xf32>
      %swap3A_568 = vector.shape_cast %swap3A_567 : vector<1x256xf32> to vector<256xf32>
      %swap3A_569 = vector.shape_cast %max3A_565 : vector<256xf32> to vector<1x256xf32>
      tpu.vector_store %arg6[%swap3A, %swap3A_566], %swap3A_569 {strides = array<i32>} : memref<64x256xf32, #tpu.memory_space<vmem>>, vector<1x256xf32>,
    } else {
    }
    %le3A_307 = arith.constant 33 : i32
    %le3A_308 = arith.cmpi sle, %get3A_41, %le3A_307 : i32
    %ge3A_309 = arith.constant 33 : i32
    %ge3A_310 = arith.cmpi sge, %get3A_45, %ge3A_309 : i32
    %and3A_311 = arith.andi %le3A_308, %ge3A_310 : i1
    %convert_element_type3A_312 = arith.extui %and3A_311 : i1 to i32
    %cond3A_313 = arith.constant 0 : i32
    %cond3A_314 = arith.cmpi ne, %convert_element_type3A_312, %cond3A_313 : i32
    scf.if %cond3A_314 {
      %eq3A_555 = arith.constant 33 : i32
      %eq3A_556 = vector.broadcast %eq3A_555 : i32 to vector<1000x1xi32>
      %eq3A_557 = arith.cmpi eq, %get3A_37, %eq3A_556 : vector<1000x1xi32>
      %jit3A = arith.constant 0xFF800000 : f32
      %broadcast_in_dim3A = vector.shape_cast %eq3A_557 : vector<1000x1xi1> to vector<1000x1xi1>
      %broadcast_in_dim3A_558 = vector.broadcast %broadcast_in_dim3A : vector<1000x1xi1> to vector<1000x256xi1>
      %broadcast_in_dim3A_559 = vector.broadcast %jit3A : f32 to vector<1000x256xf32>
      %select_n3A = arith.select %broadcast_in_dim3A_558, %concatenate3A, %broadcast_in_dim3A_559 : vector<1000x256xi1>, vector<1000x256xf32>
      %reduce_max3A = arith.constant dense<0xFF800000> : vector<256xf32>
      %reduce_max3A_560 = vector.multi_reduction <maximumf>, %select_n3A, %reduce_max3A [0] : vector<1000x256xf32> to vector<256xf32>
      %get3A_561 = arith.constant 33 : index
      %get3A_562 = arith.constant 0 : index
      %get3A_563 = vector.load %arg6[%get3A_561, %get3A_562] : memref<64x256xf32, #tpu.memory_space<vmem>>, vector<1x256xf32>
      %get3A_564 = vector.shape_cast %get3A_563 : vector<1x256xf32> to vector<256xf32>
      %max3A_565 = arith.maximumf %get3A_564, %reduce_max3A_560 : vector<256xf32>
      %swap3A = arith.constant 33 : index
      %swap3A_566 = arith.constant 0 : index
      %swap3A_567 = vector.load %arg6[%swap3A, %swap3A_566] : memref<64x256xf32, #tpu.memory_space<vmem>>, vector<1x256xf32>
      %swap3A_568 = vector.shape_cast %swap3A_567 : vector<1x256xf32> to vector<256xf32>
      %swap3A_569 = vector.shape_cast %max3A_565 : vector<256xf32> to vector<1x256xf32>
      tpu.vector_store %arg6[%swap3A, %swap3A_566], %swap3A_569 {strides = array<i32>} : memref<64x256xf32, #tpu.memory_space<vmem>>, vector<1x256xf32>,
    } else {
    }
    %le3A_315 = arith.constant 34 : i32
    %le3A_316 = arith.cmpi sle, %get3A_41, %le3A_315 : i32
    %ge3A_317 = arith.constant 34 : i32
    %ge3A_318 = arith.cmpi sge, %get3A_45, %ge3A_317 : i32
    %and3A_319 = arith.andi %le3A_316, %ge3A_318 : i1
    %convert_element_type3A_320 = arith.extui %and3A_319 : i1 to i32
    %cond3A_321 = arith.constant 0 : i32
    %cond3A_322 = arith.cmpi ne, %convert_element_type3A_320, %cond3A_321 : i32
    scf.if %cond3A_322 {
      %eq3A_555 = arith.constant 34 : i32
      %eq3A_556 = vector.broadcast %eq3A_555 : i32 to vector<1000x1xi32>
      %eq3A_557 = arith.cmpi eq, %get3A_37, %eq3A_556 : vector<1000x1xi32>
      %jit3A = arith.constant 0xFF800000 : f32
      %broadcast_in_dim3A = vector.shape_cast %eq3A_557 : vector<1000x1xi1> to vector<1000x1xi1>
      %broadcast_in_dim3A_558 = vector.broadcast %broadcast_in_dim3A : vector<1000x1xi1> to vector<1000x256xi1>
      %broadcast_in_dim3A_559 = vector.broadcast %jit3A : f32 to vector<1000x256xf32>
      %select_n3A = arith.select %broadcast_in_dim3A_558, %concatenate3A, %broadcast_in_dim3A_559 : vector<1000x256xi1>, vector<1000x256xf32>
      %reduce_max3A = arith.constant dense<0xFF800000> : vector<256xf32>
      %reduce_max3A_560 = vector.multi_reduction <maximumf>, %select_n3A, %reduce_max3A [0] : vector<1000x256xf32> to vector<256xf32>
      %get3A_561 = arith.constant 34 : index
      %get3A_562 = arith.constant 0 : index
      %get3A_563 = vector.load %arg6[%get3A_561, %get3A_562] : memref<64x256xf32, #tpu.memory_space<vmem>>, vector<1x256xf32>
      %get3A_564 = vector.shape_cast %get3A_563 : vector<1x256xf32> to vector<256xf32>
      %max3A_565 = arith.maximumf %get3A_564, %reduce_max3A_560 : vector<256xf32>
      %swap3A = arith.constant 34 : index
      %swap3A_566 = arith.constant 0 : index
      %swap3A_567 = vector.load %arg6[%swap3A, %swap3A_566] : memref<64x256xf32, #tpu.memory_space<vmem>>, vector<1x256xf32>
      %swap3A_568 = vector.shape_cast %swap3A_567 : vector<1x256xf32> to vector<256xf32>
      %swap3A_569 = vector.shape_cast %max3A_565 : vector<256xf32> to vector<1x256xf32>
      tpu.vector_store %arg6[%swap3A, %swap3A_566], %swap3A_569 {strides = array<i32>} : memref<64x256xf32, #tpu.memory_space<vmem>>, vector<1x256xf32>,
    } else {
    }
    %le3A_323 = arith.constant 35 : i32
    %le3A_324 = arith.cmpi sle, %get3A_41, %le3A_323 : i32
    %ge3A_325 = arith.constant 35 : i32
    %ge3A_326 = arith.cmpi sge, %get3A_45, %ge3A_325 : i32
    %and3A_327 = arith.andi %le3A_324, %ge3A_326 : i1
    %convert_element_type3A_328 = arith.extui %and3A_327 : i1 to i32
    %cond3A_329 = arith.constant 0 : i32
    %cond3A_330 = arith.cmpi ne, %convert_element_type3A_328, %cond3A_329 : i32
    scf.if %cond3A_330 {
      %eq3A_555 = arith.constant 35 : i32
      %eq3A_556 = vector.broadcast %eq3A_555 : i32 to vector<1000x1xi32>
      %eq3A_557 = arith.cmpi eq, %get3A_37, %eq3A_556 : vector<1000x1xi32>
      %jit3A = arith.constant 0xFF800000 : f32
      %broadcast_in_dim3A = vector.shape_cast %eq3A_557 : vector<1000x1xi1> to vector<1000x1xi1>
      %broadcast_in_dim3A_558 = vector.broadcast %broadcast_in_dim3A : vector<1000x1xi1> to vector<1000x256xi1>
      %broadcast_in_dim3A_559 = vector.broadcast %jit3A : f32 to vector<1000x256xf32>
      %select_n3A = arith.select %broadcast_in_dim3A_558, %concatenate3A, %broadcast_in_dim3A_559 : vector<1000x256xi1>, vector<1000x256xf32>
      %reduce_max3A = arith.constant dense<0xFF800000> : vector<256xf32>
      %reduce_max3A_560 = vector.multi_reduction <maximumf>, %select_n3A, %reduce_max3A [0] : vector<1000x256xf32> to vector<256xf32>
      %get3A_561 = arith.constant 35 : index
      %get3A_562 = arith.constant 0 : index
      %get3A_563 = vector.load %arg6[%get3A_561, %get3A_562] : memref<64x256xf32, #tpu.memory_space<vmem>>, vector<1x256xf32>
      %get3A_564 = vector.shape_cast %get3A_563 : vector<1x256xf32> to vector<256xf32>
      %max3A_565 = arith.maximumf %get3A_564, %reduce_max3A_560 : vector<256xf32>
      %swap3A = arith.constant 35 : index
      %swap3A_566 = arith.constant 0 : index
      %swap3A_567 = vector.load %arg6[%swap3A, %swap3A_566] : memref<64x256xf32, #tpu.memory_space<vmem>>, vector<1x256xf32>
      %swap3A_568 = vector.shape_cast %swap3A_567 : vector<1x256xf32> to vector<256xf32>
      %swap3A_569 = vector.shape_cast %max3A_565 : vector<256xf32> to vector<1x256xf32>
      tpu.vector_store %arg6[%swap3A, %swap3A_566], %swap3A_569 {strides = array<i32>} : memref<64x256xf32, #tpu.memory_space<vmem>>, vector<1x256xf32>,
    } else {
    }
    %le3A_331 = arith.constant 36 : i32
    %le3A_332 = arith.cmpi sle, %get3A_41, %le3A_331 : i32
    %ge3A_333 = arith.constant 36 : i32
    %ge3A_334 = arith.cmpi sge, %get3A_45, %ge3A_333 : i32
    %and3A_335 = arith.andi %le3A_332, %ge3A_334 : i1
    %convert_element_type3A_336 = arith.extui %and3A_335 : i1 to i32
    %cond3A_337 = arith.constant 0 : i32
    %cond3A_338 = arith.cmpi ne, %convert_element_type3A_336, %cond3A_337 : i32
    scf.if %cond3A_338 {
      %eq3A_555 = arith.constant 36 : i32
      %eq3A_556 = vector.broadcast %eq3A_555 : i32 to vector<1000x1xi32>
      %eq3A_557 = arith.cmpi eq, %get3A_37, %eq3A_556 : vector<1000x1xi32>
      %jit3A = arith.constant 0xFF800000 : f32
      %broadcast_in_dim3A = vector.shape_cast %eq3A_557 : vector<1000x1xi1> to vector<1000x1xi1>
      %broadcast_in_dim3A_558 = vector.broadcast %broadcast_in_dim3A : vector<1000x1xi1> to vector<1000x256xi1>
      %broadcast_in_dim3A_559 = vector.broadcast %jit3A : f32 to vector<1000x256xf32>
      %select_n3A = arith.select %broadcast_in_dim3A_558, %concatenate3A, %broadcast_in_dim3A_559 : vector<1000x256xi1>, vector<1000x256xf32>
      %reduce_max3A = arith.constant dense<0xFF800000> : vector<256xf32>
      %reduce_max3A_560 = vector.multi_reduction <maximumf>, %select_n3A, %reduce_max3A [0] : vector<1000x256xf32> to vector<256xf32>
      %get3A_561 = arith.constant 36 : index
      %get3A_562 = arith.constant 0 : index
      %get3A_563 = vector.load %arg6[%get3A_561, %get3A_562] : memref<64x256xf32, #tpu.memory_space<vmem>>, vector<1x256xf32>
      %get3A_564 = vector.shape_cast %get3A_563 : vector<1x256xf32> to vector<256xf32>
      %max3A_565 = arith.maximumf %get3A_564, %reduce_max3A_560 : vector<256xf32>
      %swap3A = arith.constant 36 : index
      %swap3A_566 = arith.constant 0 : index
      %swap3A_567 = vector.load %arg6[%swap3A, %swap3A_566] : memref<64x256xf32, #tpu.memory_space<vmem>>, vector<1x256xf32>
      %swap3A_568 = vector.shape_cast %swap3A_567 : vector<1x256xf32> to vector<256xf32>
      %swap3A_569 = vector.shape_cast %max3A_565 : vector<256xf32> to vector<1x256xf32>
      tpu.vector_store %arg6[%swap3A, %swap3A_566], %swap3A_569 {strides = array<i32>} : memref<64x256xf32, #tpu.memory_space<vmem>>, vector<1x256xf32>,
    } else {
    }
    %le3A_339 = arith.constant 37 : i32
    %le3A_340 = arith.cmpi sle, %get3A_41, %le3A_339 : i32
    %ge3A_341 = arith.constant 37 : i32
    %ge3A_342 = arith.cmpi sge, %get3A_45, %ge3A_341 : i32
    %and3A_343 = arith.andi %le3A_340, %ge3A_342 : i1
    %convert_element_type3A_344 = arith.extui %and3A_343 : i1 to i32
    %cond3A_345 = arith.constant 0 : i32
    %cond3A_346 = arith.cmpi ne, %convert_element_type3A_344, %cond3A_345 : i32
    scf.if %cond3A_346 {
      %eq3A_555 = arith.constant 37 : i32
      %eq3A_556 = vector.broadcast %eq3A_555 : i32 to vector<1000x1xi32>
      %eq3A_557 = arith.cmpi eq, %get3A_37, %eq3A_556 : vector<1000x1xi32>
      %jit3A = arith.constant 0xFF800000 : f32
      %broadcast_in_dim3A = vector.shape_cast %eq3A_557 : vector<1000x1xi1> to vector<1000x1xi1>
      %broadcast_in_dim3A_558 = vector.broadcast %broadcast_in_dim3A : vector<1000x1xi1> to vector<1000x256xi1>
      %broadcast_in_dim3A_559 = vector.broadcast %jit3A : f32 to vector<1000x256xf32>
      %select_n3A = arith.select %broadcast_in_dim3A_558, %concatenate3A, %broadcast_in_dim3A_559 : vector<1000x256xi1>, vector<1000x256xf32>
      %reduce_max3A = arith.constant dense<0xFF800000> : vector<256xf32>
      %reduce_max3A_560 = vector.multi_reduction <maximumf>, %select_n3A, %reduce_max3A [0] : vector<1000x256xf32> to vector<256xf32>
      %get3A_561 = arith.constant 37 : index
      %get3A_562 = arith.constant 0 : index
      %get3A_563 = vector.load %arg6[%get3A_561, %get3A_562] : memref<64x256xf32, #tpu.memory_space<vmem>>, vector<1x256xf32>
      %get3A_564 = vector.shape_cast %get3A_563 : vector<1x256xf32> to vector<256xf32>
      %max3A_565 = arith.maximumf %get3A_564, %reduce_max3A_560 : vector<256xf32>
      %swap3A = arith.constant 37 : index
      %swap3A_566 = arith.constant 0 : index
      %swap3A_567 = vector.load %arg6[%swap3A, %swap3A_566] : memref<64x256xf32, #tpu.memory_space<vmem>>, vector<1x256xf32>
      %swap3A_568 = vector.shape_cast %swap3A_567 : vector<1x256xf32> to vector<256xf32>
      %swap3A_569 = vector.shape_cast %max3A_565 : vector<256xf32> to vector<1x256xf32>
      tpu.vector_store %arg6[%swap3A, %swap3A_566], %swap3A_569 {strides = array<i32>} : memref<64x256xf32, #tpu.memory_space<vmem>>, vector<1x256xf32>,
    } else {
    }
    %le3A_347 = arith.constant 38 : i32
    %le3A_348 = arith.cmpi sle, %get3A_41, %le3A_347 : i32
    %ge3A_349 = arith.constant 38 : i32
    %ge3A_350 = arith.cmpi sge, %get3A_45, %ge3A_349 : i32
    %and3A_351 = arith.andi %le3A_348, %ge3A_350 : i1
    %convert_element_type3A_352 = arith.extui %and3A_351 : i1 to i32
    %cond3A_353 = arith.constant 0 : i32
    %cond3A_354 = arith.cmpi ne, %convert_element_type3A_352, %cond3A_353 : i32
    scf.if %cond3A_354 {
      %eq3A_555 = arith.constant 38 : i32
      %eq3A_556 = vector.broadcast %eq3A_555 : i32 to vector<1000x1xi32>
      %eq3A_557 = arith.cmpi eq, %get3A_37, %eq3A_556 : vector<1000x1xi32>
      %jit3A = arith.constant 0xFF800000 : f32
      %broadcast_in_dim3A = vector.shape_cast %eq3A_557 : vector<1000x1xi1> to vector<1000x1xi1>
      %broadcast_in_dim3A_558 = vector.broadcast %broadcast_in_dim3A : vector<1000x1xi1> to vector<1000x256xi1>
      %broadcast_in_dim3A_559 = vector.broadcast %jit3A : f32 to vector<1000x256xf32>
      %select_n3A = arith.select %broadcast_in_dim3A_558, %concatenate3A, %broadcast_in_dim3A_559 : vector<1000x256xi1>, vector<1000x256xf32>
      %reduce_max3A = arith.constant dense<0xFF800000> : vector<256xf32>
      %reduce_max3A_560 = vector.multi_reduction <maximumf>, %select_n3A, %reduce_max3A [0] : vector<1000x256xf32> to vector<256xf32>
      %get3A_561 = arith.constant 38 : index
      %get3A_562 = arith.constant 0 : index
      %get3A_563 = vector.load %arg6[%get3A_561, %get3A_562] : memref<64x256xf32, #tpu.memory_space<vmem>>, vector<1x256xf32>
      %get3A_564 = vector.shape_cast %get3A_563 : vector<1x256xf32> to vector<256xf32>
      %max3A_565 = arith.maximumf %get3A_564, %reduce_max3A_560 : vector<256xf32>
      %swap3A = arith.constant 38 : index
      %swap3A_566 = arith.constant 0 : index
      %swap3A_567 = vector.load %arg6[%swap3A, %swap3A_566] : memref<64x256xf32, #tpu.memory_space<vmem>>, vector<1x256xf32>
      %swap3A_568 = vector.shape_cast %swap3A_567 : vector<1x256xf32> to vector<256xf32>
      %swap3A_569 = vector.shape_cast %max3A_565 : vector<256xf32> to vector<1x256xf32>
      tpu.vector_store %arg6[%swap3A, %swap3A_566], %swap3A_569 {strides = array<i32>} : memref<64x256xf32, #tpu.memory_space<vmem>>, vector<1x256xf32>,
    } else {
    }
    %le3A_355 = arith.constant 39 : i32
    %le3A_356 = arith.cmpi sle, %get3A_41, %le3A_355 : i32
    %ge3A_357 = arith.constant 39 : i32
    %ge3A_358 = arith.cmpi sge, %get3A_45, %ge3A_357 : i32
    %and3A_359 = arith.andi %le3A_356, %ge3A_358 : i1
    %convert_element_type3A_360 = arith.extui %and3A_359 : i1 to i32
    %cond3A_361 = arith.constant 0 : i32
    %cond3A_362 = arith.cmpi ne, %convert_element_type3A_360, %cond3A_361 : i32
    scf.if %cond3A_362 {
      %eq3A_555 = arith.constant 39 : i32
      %eq3A_556 = vector.broadcast %eq3A_555 : i32 to vector<1000x1xi32>
      %eq3A_557 = arith.cmpi eq, %get3A_37, %eq3A_556 : vector<1000x1xi32>
      %jit3A = arith.constant 0xFF800000 : f32
      %broadcast_in_dim3A = vector.shape_cast %eq3A_557 : vector<1000x1xi1> to vector<1000x1xi1>
      %broadcast_in_dim3A_558 = vector.broadcast %broadcast_in_dim3A : vector<1000x1xi1> to vector<1000x256xi1>
      %broadcast_in_dim3A_559 = vector.broadcast %jit3A : f32 to vector<1000x256xf32>
      %select_n3A = arith.select %broadcast_in_dim3A_558, %concatenate3A, %broadcast_in_dim3A_559 : vector<1000x256xi1>, vector<1000x256xf32>
      %reduce_max3A = arith.constant dense<0xFF800000> : vector<256xf32>
      %reduce_max3A_560 = vector.multi_reduction <maximumf>, %select_n3A, %reduce_max3A [0] : vector<1000x256xf32> to vector<256xf32>
      %get3A_561 = arith.constant 39 : index
      %get3A_562 = arith.constant 0 : index
      %get3A_563 = vector.load %arg6[%get3A_561, %get3A_562] : memref<64x256xf32, #tpu.memory_space<vmem>>, vector<1x256xf32>
      %get3A_564 = vector.shape_cast %get3A_563 : vector<1x256xf32> to vector<256xf32>
      %max3A_565 = arith.maximumf %get3A_564, %reduce_max3A_560 : vector<256xf32>
      %swap3A = arith.constant 39 : index
      %swap3A_566 = arith.constant 0 : index
      %swap3A_567 = vector.load %arg6[%swap3A, %swap3A_566] : memref<64x256xf32, #tpu.memory_space<vmem>>, vector<1x256xf32>
      %swap3A_568 = vector.shape_cast %swap3A_567 : vector<1x256xf32> to vector<256xf32>
      %swap3A_569 = vector.shape_cast %max3A_565 : vector<256xf32> to vector<1x256xf32>
      tpu.vector_store %arg6[%swap3A, %swap3A_566], %swap3A_569 {strides = array<i32>} : memref<64x256xf32, #tpu.memory_space<vmem>>, vector<1x256xf32>,
    } else {
    }
    %le3A_363 = arith.constant 40 : i32
    %le3A_364 = arith.cmpi sle, %get3A_41, %le3A_363 : i32
    %ge3A_365 = arith.constant 40 : i32
    %ge3A_366 = arith.cmpi sge, %get3A_45, %ge3A_365 : i32
    %and3A_367 = arith.andi %le3A_364, %ge3A_366 : i1
    %convert_element_type3A_368 = arith.extui %and3A_367 : i1 to i32
    %cond3A_369 = arith.constant 0 : i32
    %cond3A_370 = arith.cmpi ne, %convert_element_type3A_368, %cond3A_369 : i32
    scf.if %cond3A_370 {
      %eq3A_555 = arith.constant 40 : i32
      %eq3A_556 = vector.broadcast %eq3A_555 : i32 to vector<1000x1xi32>
      %eq3A_557 = arith.cmpi eq, %get3A_37, %eq3A_556 : vector<1000x1xi32>
      %jit3A = arith.constant 0xFF800000 : f32
      %broadcast_in_dim3A = vector.shape_cast %eq3A_557 : vector<1000x1xi1> to vector<1000x1xi1>
      %broadcast_in_dim3A_558 = vector.broadcast %broadcast_in_dim3A : vector<1000x1xi1> to vector<1000x256xi1>
      %broadcast_in_dim3A_559 = vector.broadcast %jit3A : f32 to vector<1000x256xf32>
      %select_n3A = arith.select %broadcast_in_dim3A_558, %concatenate3A, %broadcast_in_dim3A_559 : vector<1000x256xi1>, vector<1000x256xf32>
      %reduce_max3A = arith.constant dense<0xFF800000> : vector<256xf32>
      %reduce_max3A_560 = vector.multi_reduction <maximumf>, %select_n3A, %reduce_max3A [0] : vector<1000x256xf32> to vector<256xf32>
      %get3A_561 = arith.constant 40 : index
      %get3A_562 = arith.constant 0 : index
      %get3A_563 = vector.load %arg6[%get3A_561, %get3A_562] : memref<64x256xf32, #tpu.memory_space<vmem>>, vector<1x256xf32>
      %get3A_564 = vector.shape_cast %get3A_563 : vector<1x256xf32> to vector<256xf32>
      %max3A_565 = arith.maximumf %get3A_564, %reduce_max3A_560 : vector<256xf32>
      %swap3A = arith.constant 40 : index
      %swap3A_566 = arith.constant 0 : index
      %swap3A_567 = vector.load %arg6[%swap3A, %swap3A_566] : memref<64x256xf32, #tpu.memory_space<vmem>>, vector<1x256xf32>
      %swap3A_568 = vector.shape_cast %swap3A_567 : vector<1x256xf32> to vector<256xf32>
      %swap3A_569 = vector.shape_cast %max3A_565 : vector<256xf32> to vector<1x256xf32>
      tpu.vector_store %arg6[%swap3A, %swap3A_566], %swap3A_569 {strides = array<i32>} : memref<64x256xf32, #tpu.memory_space<vmem>>, vector<1x256xf32>,
    } else {
    }
    %le3A_371 = arith.constant 41 : i32
    %le3A_372 = arith.cmpi sle, %get3A_41, %le3A_371 : i32
    %ge3A_373 = arith.constant 41 : i32
    %ge3A_374 = arith.cmpi sge, %get3A_45, %ge3A_373 : i32
    %and3A_375 = arith.andi %le3A_372, %ge3A_374 : i1
    %convert_element_type3A_376 = arith.extui %and3A_375 : i1 to i32
    %cond3A_377 = arith.constant 0 : i32
    %cond3A_378 = arith.cmpi ne, %convert_element_type3A_376, %cond3A_377 : i32
    scf.if %cond3A_378 {
      %eq3A_555 = arith.constant 41 : i32
      %eq3A_556 = vector.broadcast %eq3A_555 : i32 to vector<1000x1xi32>
      %eq3A_557 = arith.cmpi eq, %get3A_37, %eq3A_556 : vector<1000x1xi32>
      %jit3A = arith.constant 0xFF800000 : f32
      %broadcast_in_dim3A = vector.shape_cast %eq3A_557 : vector<1000x1xi1> to vector<1000x1xi1>
      %broadcast_in_dim3A_558 = vector.broadcast %broadcast_in_dim3A : vector<1000x1xi1> to vector<1000x256xi1>
      %broadcast_in_dim3A_559 = vector.broadcast %jit3A : f32 to vector<1000x256xf32>
      %select_n3A = arith.select %broadcast_in_dim3A_558, %concatenate3A, %broadcast_in_dim3A_559 : vector<1000x256xi1>, vector<1000x256xf32>
      %reduce_max3A = arith.constant dense<0xFF800000> : vector<256xf32>
      %reduce_max3A_560 = vector.multi_reduction <maximumf>, %select_n3A, %reduce_max3A [0] : vector<1000x256xf32> to vector<256xf32>
      %get3A_561 = arith.constant 41 : index
      %get3A_562 = arith.constant 0 : index
      %get3A_563 = vector.load %arg6[%get3A_561, %get3A_562] : memref<64x256xf32, #tpu.memory_space<vmem>>, vector<1x256xf32>
      %get3A_564 = vector.shape_cast %get3A_563 : vector<1x256xf32> to vector<256xf32>
      %max3A_565 = arith.maximumf %get3A_564, %reduce_max3A_560 : vector<256xf32>
      %swap3A = arith.constant 41 : index
      %swap3A_566 = arith.constant 0 : index
      %swap3A_567 = vector.load %arg6[%swap3A, %swap3A_566] : memref<64x256xf32, #tpu.memory_space<vmem>>, vector<1x256xf32>
      %swap3A_568 = vector.shape_cast %swap3A_567 : vector<1x256xf32> to vector<256xf32>
      %swap3A_569 = vector.shape_cast %max3A_565 : vector<256xf32> to vector<1x256xf32>
      tpu.vector_store %arg6[%swap3A, %swap3A_566], %swap3A_569 {strides = array<i32>} : memref<64x256xf32, #tpu.memory_space<vmem>>, vector<1x256xf32>,
    } else {
    }
    %le3A_379 = arith.constant 42 : i32
    %le3A_380 = arith.cmpi sle, %get3A_41, %le3A_379 : i32
    %ge3A_381 = arith.constant 42 : i32
    %ge3A_382 = arith.cmpi sge, %get3A_45, %ge3A_381 : i32
    %and3A_383 = arith.andi %le3A_380, %ge3A_382 : i1
    %convert_element_type3A_384 = arith.extui %and3A_383 : i1 to i32
    %cond3A_385 = arith.constant 0 : i32
    %cond3A_386 = arith.cmpi ne, %convert_element_type3A_384, %cond3A_385 : i32
    scf.if %cond3A_386 {
      %eq3A_555 = arith.constant 42 : i32
      %eq3A_556 = vector.broadcast %eq3A_555 : i32 to vector<1000x1xi32>
      %eq3A_557 = arith.cmpi eq, %get3A_37, %eq3A_556 : vector<1000x1xi32>
      %jit3A = arith.constant 0xFF800000 : f32
      %broadcast_in_dim3A = vector.shape_cast %eq3A_557 : vector<1000x1xi1> to vector<1000x1xi1>
      %broadcast_in_dim3A_558 = vector.broadcast %broadcast_in_dim3A : vector<1000x1xi1> to vector<1000x256xi1>
      %broadcast_in_dim3A_559 = vector.broadcast %jit3A : f32 to vector<1000x256xf32>
      %select_n3A = arith.select %broadcast_in_dim3A_558, %concatenate3A, %broadcast_in_dim3A_559 : vector<1000x256xi1>, vector<1000x256xf32>
      %reduce_max3A = arith.constant dense<0xFF800000> : vector<256xf32>
      %reduce_max3A_560 = vector.multi_reduction <maximumf>, %select_n3A, %reduce_max3A [0] : vector<1000x256xf32> to vector<256xf32>
      %get3A_561 = arith.constant 42 : index
      %get3A_562 = arith.constant 0 : index
      %get3A_563 = vector.load %arg6[%get3A_561, %get3A_562] : memref<64x256xf32, #tpu.memory_space<vmem>>, vector<1x256xf32>
      %get3A_564 = vector.shape_cast %get3A_563 : vector<1x256xf32> to vector<256xf32>
      %max3A_565 = arith.maximumf %get3A_564, %reduce_max3A_560 : vector<256xf32>
      %swap3A = arith.constant 42 : index
      %swap3A_566 = arith.constant 0 : index
      %swap3A_567 = vector.load %arg6[%swap3A, %swap3A_566] : memref<64x256xf32, #tpu.memory_space<vmem>>, vector<1x256xf32>
      %swap3A_568 = vector.shape_cast %swap3A_567 : vector<1x256xf32> to vector<256xf32>
      %swap3A_569 = vector.shape_cast %max3A_565 : vector<256xf32> to vector<1x256xf32>
      tpu.vector_store %arg6[%swap3A, %swap3A_566], %swap3A_569 {strides = array<i32>} : memref<64x256xf32, #tpu.memory_space<vmem>>, vector<1x256xf32>,
    } else {
    }
    %le3A_387 = arith.constant 43 : i32
    %le3A_388 = arith.cmpi sle, %get3A_41, %le3A_387 : i32
    %ge3A_389 = arith.constant 43 : i32
    %ge3A_390 = arith.cmpi sge, %get3A_45, %ge3A_389 : i32
    %and3A_391 = arith.andi %le3A_388, %ge3A_390 : i1
    %convert_element_type3A_392 = arith.extui %and3A_391 : i1 to i32
    %cond3A_393 = arith.constant 0 : i32
    %cond3A_394 = arith.cmpi ne, %convert_element_type3A_392, %cond3A_393 : i32
    scf.if %cond3A_394 {
      %eq3A_555 = arith.constant 43 : i32
      %eq3A_556 = vector.broadcast %eq3A_555 : i32 to vector<1000x1xi32>
      %eq3A_557 = arith.cmpi eq, %get3A_37, %eq3A_556 : vector<1000x1xi32>
      %jit3A = arith.constant 0xFF800000 : f32
      %broadcast_in_dim3A = vector.shape_cast %eq3A_557 : vector<1000x1xi1> to vector<1000x1xi1>
      %broadcast_in_dim3A_558 = vector.broadcast %broadcast_in_dim3A : vector<1000x1xi1> to vector<1000x256xi1>
      %broadcast_in_dim3A_559 = vector.broadcast %jit3A : f32 to vector<1000x256xf32>
      %select_n3A = arith.select %broadcast_in_dim3A_558, %concatenate3A, %broadcast_in_dim3A_559 : vector<1000x256xi1>, vector<1000x256xf32>
      %reduce_max3A = arith.constant dense<0xFF800000> : vector<256xf32>
      %reduce_max3A_560 = vector.multi_reduction <maximumf>, %select_n3A, %reduce_max3A [0] : vector<1000x256xf32> to vector<256xf32>
      %get3A_561 = arith.constant 43 : index
      %get3A_562 = arith.constant 0 : index
      %get3A_563 = vector.load %arg6[%get3A_561, %get3A_562] : memref<64x256xf32, #tpu.memory_space<vmem>>, vector<1x256xf32>
      %get3A_564 = vector.shape_cast %get3A_563 : vector<1x256xf32> to vector<256xf32>
      %max3A_565 = arith.maximumf %get3A_564, %reduce_max3A_560 : vector<256xf32>
      %swap3A = arith.constant 43 : index
      %swap3A_566 = arith.constant 0 : index
      %swap3A_567 = vector.load %arg6[%swap3A, %swap3A_566] : memref<64x256xf32, #tpu.memory_space<vmem>>, vector<1x256xf32>
      %swap3A_568 = vector.shape_cast %swap3A_567 : vector<1x256xf32> to vector<256xf32>
      %swap3A_569 = vector.shape_cast %max3A_565 : vector<256xf32> to vector<1x256xf32>
      tpu.vector_store %arg6[%swap3A, %swap3A_566], %swap3A_569 {strides = array<i32>} : memref<64x256xf32, #tpu.memory_space<vmem>>, vector<1x256xf32>,
    } else {
    }
    %le3A_395 = arith.constant 44 : i32
    %le3A_396 = arith.cmpi sle, %get3A_41, %le3A_395 : i32
    %ge3A_397 = arith.constant 44 : i32
    %ge3A_398 = arith.cmpi sge, %get3A_45, %ge3A_397 : i32
    %and3A_399 = arith.andi %le3A_396, %ge3A_398 : i1
    %convert_element_type3A_400 = arith.extui %and3A_399 : i1 to i32
    %cond3A_401 = arith.constant 0 : i32
    %cond3A_402 = arith.cmpi ne, %convert_element_type3A_400, %cond3A_401 : i32
    scf.if %cond3A_402 {
      %eq3A_555 = arith.constant 44 : i32
      %eq3A_556 = vector.broadcast %eq3A_555 : i32 to vector<1000x1xi32>
      %eq3A_557 = arith.cmpi eq, %get3A_37, %eq3A_556 : vector<1000x1xi32>
      %jit3A = arith.constant 0xFF800000 : f32
      %broadcast_in_dim3A = vector.shape_cast %eq3A_557 : vector<1000x1xi1> to vector<1000x1xi1>
      %broadcast_in_dim3A_558 = vector.broadcast %broadcast_in_dim3A : vector<1000x1xi1> to vector<1000x256xi1>
      %broadcast_in_dim3A_559 = vector.broadcast %jit3A : f32 to vector<1000x256xf32>
      %select_n3A = arith.select %broadcast_in_dim3A_558, %concatenate3A, %broadcast_in_dim3A_559 : vector<1000x256xi1>, vector<1000x256xf32>
      %reduce_max3A = arith.constant dense<0xFF800000> : vector<256xf32>
      %reduce_max3A_560 = vector.multi_reduction <maximumf>, %select_n3A, %reduce_max3A [0] : vector<1000x256xf32> to vector<256xf32>
      %get3A_561 = arith.constant 44 : index
      %get3A_562 = arith.constant 0 : index
      %get3A_563 = vector.load %arg6[%get3A_561, %get3A_562] : memref<64x256xf32, #tpu.memory_space<vmem>>, vector<1x256xf32>
      %get3A_564 = vector.shape_cast %get3A_563 : vector<1x256xf32> to vector<256xf32>
      %max3A_565 = arith.maximumf %get3A_564, %reduce_max3A_560 : vector<256xf32>
      %swap3A = arith.constant 44 : index
      %swap3A_566 = arith.constant 0 : index
      %swap3A_567 = vector.load %arg6[%swap3A, %swap3A_566] : memref<64x256xf32, #tpu.memory_space<vmem>>, vector<1x256xf32>
      %swap3A_568 = vector.shape_cast %swap3A_567 : vector<1x256xf32> to vector<256xf32>
      %swap3A_569 = vector.shape_cast %max3A_565 : vector<256xf32> to vector<1x256xf32>
      tpu.vector_store %arg6[%swap3A, %swap3A_566], %swap3A_569 {strides = array<i32>} : memref<64x256xf32, #tpu.memory_space<vmem>>, vector<1x256xf32>,
    } else {
    }
    %le3A_403 = arith.constant 45 : i32
    %le3A_404 = arith.cmpi sle, %get3A_41, %le3A_403 : i32
    %ge3A_405 = arith.constant 45 : i32
    %ge3A_406 = arith.cmpi sge, %get3A_45, %ge3A_405 : i32
    %and3A_407 = arith.andi %le3A_404, %ge3A_406 : i1
    %convert_element_type3A_408 = arith.extui %and3A_407 : i1 to i32
    %cond3A_409 = arith.constant 0 : i32
    %cond3A_410 = arith.cmpi ne, %convert_element_type3A_408, %cond3A_409 : i32
    scf.if %cond3A_410 {
      %eq3A_555 = arith.constant 45 : i32
      %eq3A_556 = vector.broadcast %eq3A_555 : i32 to vector<1000x1xi32>
      %eq3A_557 = arith.cmpi eq, %get3A_37, %eq3A_556 : vector<1000x1xi32>
      %jit3A = arith.constant 0xFF800000 : f32
      %broadcast_in_dim3A = vector.shape_cast %eq3A_557 : vector<1000x1xi1> to vector<1000x1xi1>
      %broadcast_in_dim3A_558 = vector.broadcast %broadcast_in_dim3A : vector<1000x1xi1> to vector<1000x256xi1>
      %broadcast_in_dim3A_559 = vector.broadcast %jit3A : f32 to vector<1000x256xf32>
      %select_n3A = arith.select %broadcast_in_dim3A_558, %concatenate3A, %broadcast_in_dim3A_559 : vector<1000x256xi1>, vector<1000x256xf32>
      %reduce_max3A = arith.constant dense<0xFF800000> : vector<256xf32>
      %reduce_max3A_560 = vector.multi_reduction <maximumf>, %select_n3A, %reduce_max3A [0] : vector<1000x256xf32> to vector<256xf32>
      %get3A_561 = arith.constant 45 : index
      %get3A_562 = arith.constant 0 : index
      %get3A_563 = vector.load %arg6[%get3A_561, %get3A_562] : memref<64x256xf32, #tpu.memory_space<vmem>>, vector<1x256xf32>
      %get3A_564 = vector.shape_cast %get3A_563 : vector<1x256xf32> to vector<256xf32>
      %max3A_565 = arith.maximumf %get3A_564, %reduce_max3A_560 : vector<256xf32>
      %swap3A = arith.constant 45 : index
      %swap3A_566 = arith.constant 0 : index
      %swap3A_567 = vector.load %arg6[%swap3A, %swap3A_566] : memref<64x256xf32, #tpu.memory_space<vmem>>, vector<1x256xf32>
      %swap3A_568 = vector.shape_cast %swap3A_567 : vector<1x256xf32> to vector<256xf32>
      %swap3A_569 = vector.shape_cast %max3A_565 : vector<256xf32> to vector<1x256xf32>
      tpu.vector_store %arg6[%swap3A, %swap3A_566], %swap3A_569 {strides = array<i32>} : memref<64x256xf32, #tpu.memory_space<vmem>>, vector<1x256xf32>,
    } else {
    }
    %le3A_411 = arith.constant 46 : i32
    %le3A_412 = arith.cmpi sle, %get3A_41, %le3A_411 : i32
    %ge3A_413 = arith.constant 46 : i32
    %ge3A_414 = arith.cmpi sge, %get3A_45, %ge3A_413 : i32
    %and3A_415 = arith.andi %le3A_412, %ge3A_414 : i1
    %convert_element_type3A_416 = arith.extui %and3A_415 : i1 to i32
    %cond3A_417 = arith.constant 0 : i32
    %cond3A_418 = arith.cmpi ne, %convert_element_type3A_416, %cond3A_417 : i32
    scf.if %cond3A_418 {
      %eq3A_555 = arith.constant 46 : i32
      %eq3A_556 = vector.broadcast %eq3A_555 : i32 to vector<1000x1xi32>
      %eq3A_557 = arith.cmpi eq, %get3A_37, %eq3A_556 : vector<1000x1xi32>
      %jit3A = arith.constant 0xFF800000 : f32
      %broadcast_in_dim3A = vector.shape_cast %eq3A_557 : vector<1000x1xi1> to vector<1000x1xi1>
      %broadcast_in_dim3A_558 = vector.broadcast %broadcast_in_dim3A : vector<1000x1xi1> to vector<1000x256xi1>
      %broadcast_in_dim3A_559 = vector.broadcast %jit3A : f32 to vector<1000x256xf32>
      %select_n3A = arith.select %broadcast_in_dim3A_558, %concatenate3A, %broadcast_in_dim3A_559 : vector<1000x256xi1>, vector<1000x256xf32>
      %reduce_max3A = arith.constant dense<0xFF800000> : vector<256xf32>
      %reduce_max3A_560 = vector.multi_reduction <maximumf>, %select_n3A, %reduce_max3A [0] : vector<1000x256xf32> to vector<256xf32>
      %get3A_561 = arith.constant 46 : index
      %get3A_562 = arith.constant 0 : index
      %get3A_563 = vector.load %arg6[%get3A_561, %get3A_562] : memref<64x256xf32, #tpu.memory_space<vmem>>, vector<1x256xf32>
      %get3A_564 = vector.shape_cast %get3A_563 : vector<1x256xf32> to vector<256xf32>
      %max3A_565 = arith.maximumf %get3A_564, %reduce_max3A_560 : vector<256xf32>
      %swap3A = arith.constant 46 : index
      %swap3A_566 = arith.constant 0 : index
      %swap3A_567 = vector.load %arg6[%swap3A, %swap3A_566] : memref<64x256xf32, #tpu.memory_space<vmem>>, vector<1x256xf32>
      %swap3A_568 = vector.shape_cast %swap3A_567 : vector<1x256xf32> to vector<256xf32>
      %swap3A_569 = vector.shape_cast %max3A_565 : vector<256xf32> to vector<1x256xf32>
      tpu.vector_store %arg6[%swap3A, %swap3A_566], %swap3A_569 {strides = array<i32>} : memref<64x256xf32, #tpu.memory_space<vmem>>, vector<1x256xf32>,
    } else {
    }
    %le3A_419 = arith.constant 47 : i32
    %le3A_420 = arith.cmpi sle, %get3A_41, %le3A_419 : i32
    %ge3A_421 = arith.constant 47 : i32
    %ge3A_422 = arith.cmpi sge, %get3A_45, %ge3A_421 : i32
    %and3A_423 = arith.andi %le3A_420, %ge3A_422 : i1
    %convert_element_type3A_424 = arith.extui %and3A_423 : i1 to i32
    %cond3A_425 = arith.constant 0 : i32
    %cond3A_426 = arith.cmpi ne, %convert_element_type3A_424, %cond3A_425 : i32
    scf.if %cond3A_426 {
      %eq3A_555 = arith.constant 47 : i32
      %eq3A_556 = vector.broadcast %eq3A_555 : i32 to vector<1000x1xi32>
      %eq3A_557 = arith.cmpi eq, %get3A_37, %eq3A_556 : vector<1000x1xi32>
      %jit3A = arith.constant 0xFF800000 : f32
      %broadcast_in_dim3A = vector.shape_cast %eq3A_557 : vector<1000x1xi1> to vector<1000x1xi1>
      %broadcast_in_dim3A_558 = vector.broadcast %broadcast_in_dim3A : vector<1000x1xi1> to vector<1000x256xi1>
      %broadcast_in_dim3A_559 = vector.broadcast %jit3A : f32 to vector<1000x256xf32>
      %select_n3A = arith.select %broadcast_in_dim3A_558, %concatenate3A, %broadcast_in_dim3A_559 : vector<1000x256xi1>, vector<1000x256xf32>
      %reduce_max3A = arith.constant dense<0xFF800000> : vector<256xf32>
      %reduce_max3A_560 = vector.multi_reduction <maximumf>, %select_n3A, %reduce_max3A [0] : vector<1000x256xf32> to vector<256xf32>
      %get3A_561 = arith.constant 47 : index
      %get3A_562 = arith.constant 0 : index
      %get3A_563 = vector.load %arg6[%get3A_561, %get3A_562] : memref<64x256xf32, #tpu.memory_space<vmem>>, vector<1x256xf32>
      %get3A_564 = vector.shape_cast %get3A_563 : vector<1x256xf32> to vector<256xf32>
      %max3A_565 = arith.maximumf %get3A_564, %reduce_max3A_560 : vector<256xf32>
      %swap3A = arith.constant 47 : index
      %swap3A_566 = arith.constant 0 : index
      %swap3A_567 = vector.load %arg6[%swap3A, %swap3A_566] : memref<64x256xf32, #tpu.memory_space<vmem>>, vector<1x256xf32>
      %swap3A_568 = vector.shape_cast %swap3A_567 : vector<1x256xf32> to vector<256xf32>
      %swap3A_569 = vector.shape_cast %max3A_565 : vector<256xf32> to vector<1x256xf32>
      tpu.vector_store %arg6[%swap3A, %swap3A_566], %swap3A_569 {strides = array<i32>} : memref<64x256xf32, #tpu.memory_space<vmem>>, vector<1x256xf32>,
    } else {
    }
    %le3A_427 = arith.constant 48 : i32
    %le3A_428 = arith.cmpi sle, %get3A_41, %le3A_427 : i32
    %ge3A_429 = arith.constant 48 : i32
    %ge3A_430 = arith.cmpi sge, %get3A_45, %ge3A_429 : i32
    %and3A_431 = arith.andi %le3A_428, %ge3A_430 : i1
    %convert_element_type3A_432 = arith.extui %and3A_431 : i1 to i32
    %cond3A_433 = arith.constant 0 : i32
    %cond3A_434 = arith.cmpi ne, %convert_element_type3A_432, %cond3A_433 : i32
    scf.if %cond3A_434 {
      %eq3A_555 = arith.constant 48 : i32
      %eq3A_556 = vector.broadcast %eq3A_555 : i32 to vector<1000x1xi32>
      %eq3A_557 = arith.cmpi eq, %get3A_37, %eq3A_556 : vector<1000x1xi32>
      %jit3A = arith.constant 0xFF800000 : f32
      %broadcast_in_dim3A = vector.shape_cast %eq3A_557 : vector<1000x1xi1> to vector<1000x1xi1>
      %broadcast_in_dim3A_558 = vector.broadcast %broadcast_in_dim3A : vector<1000x1xi1> to vector<1000x256xi1>
      %broadcast_in_dim3A_559 = vector.broadcast %jit3A : f32 to vector<1000x256xf32>
      %select_n3A = arith.select %broadcast_in_dim3A_558, %concatenate3A, %broadcast_in_dim3A_559 : vector<1000x256xi1>, vector<1000x256xf32>
      %reduce_max3A = arith.constant dense<0xFF800000> : vector<256xf32>
      %reduce_max3A_560 = vector.multi_reduction <maximumf>, %select_n3A, %reduce_max3A [0] : vector<1000x256xf32> to vector<256xf32>
      %get3A_561 = arith.constant 48 : index
      %get3A_562 = arith.constant 0 : index
      %get3A_563 = vector.load %arg6[%get3A_561, %get3A_562] : memref<64x256xf32, #tpu.memory_space<vmem>>, vector<1x256xf32>
      %get3A_564 = vector.shape_cast %get3A_563 : vector<1x256xf32> to vector<256xf32>
      %max3A_565 = arith.maximumf %get3A_564, %reduce_max3A_560 : vector<256xf32>
      %swap3A = arith.constant 48 : index
      %swap3A_566 = arith.constant 0 : index
      %swap3A_567 = vector.load %arg6[%swap3A, %swap3A_566] : memref<64x256xf32, #tpu.memory_space<vmem>>, vector<1x256xf32>
      %swap3A_568 = vector.shape_cast %swap3A_567 : vector<1x256xf32> to vector<256xf32>
      %swap3A_569 = vector.shape_cast %max3A_565 : vector<256xf32> to vector<1x256xf32>
      tpu.vector_store %arg6[%swap3A, %swap3A_566], %swap3A_569 {strides = array<i32>} : memref<64x256xf32, #tpu.memory_space<vmem>>, vector<1x256xf32>,
    } else {
    }
    %le3A_435 = arith.constant 49 : i32
    %le3A_436 = arith.cmpi sle, %get3A_41, %le3A_435 : i32
    %ge3A_437 = arith.constant 49 : i32
    %ge3A_438 = arith.cmpi sge, %get3A_45, %ge3A_437 : i32
    %and3A_439 = arith.andi %le3A_436, %ge3A_438 : i1
    %convert_element_type3A_440 = arith.extui %and3A_439 : i1 to i32
    %cond3A_441 = arith.constant 0 : i32
    %cond3A_442 = arith.cmpi ne, %convert_element_type3A_440, %cond3A_441 : i32
    scf.if %cond3A_442 {
      %eq3A_555 = arith.constant 49 : i32
      %eq3A_556 = vector.broadcast %eq3A_555 : i32 to vector<1000x1xi32>
      %eq3A_557 = arith.cmpi eq, %get3A_37, %eq3A_556 : vector<1000x1xi32>
      %jit3A = arith.constant 0xFF800000 : f32
      %broadcast_in_dim3A = vector.shape_cast %eq3A_557 : vector<1000x1xi1> to vector<1000x1xi1>
      %broadcast_in_dim3A_558 = vector.broadcast %broadcast_in_dim3A : vector<1000x1xi1> to vector<1000x256xi1>
      %broadcast_in_dim3A_559 = vector.broadcast %jit3A : f32 to vector<1000x256xf32>
      %select_n3A = arith.select %broadcast_in_dim3A_558, %concatenate3A, %broadcast_in_dim3A_559 : vector<1000x256xi1>, vector<1000x256xf32>
      %reduce_max3A = arith.constant dense<0xFF800000> : vector<256xf32>
      %reduce_max3A_560 = vector.multi_reduction <maximumf>, %select_n3A, %reduce_max3A [0] : vector<1000x256xf32> to vector<256xf32>
      %get3A_561 = arith.constant 49 : index
      %get3A_562 = arith.constant 0 : index
      %get3A_563 = vector.load %arg6[%get3A_561, %get3A_562] : memref<64x256xf32, #tpu.memory_space<vmem>>, vector<1x256xf32>
      %get3A_564 = vector.shape_cast %get3A_563 : vector<1x256xf32> to vector<256xf32>
      %max3A_565 = arith.maximumf %get3A_564, %reduce_max3A_560 : vector<256xf32>
      %swap3A = arith.constant 49 : index
      %swap3A_566 = arith.constant 0 : index
      %swap3A_567 = vector.load %arg6[%swap3A, %swap3A_566] : memref<64x256xf32, #tpu.memory_space<vmem>>, vector<1x256xf32>
      %swap3A_568 = vector.shape_cast %swap3A_567 : vector<1x256xf32> to vector<256xf32>
      %swap3A_569 = vector.shape_cast %max3A_565 : vector<256xf32> to vector<1x256xf32>
      tpu.vector_store %arg6[%swap3A, %swap3A_566], %swap3A_569 {strides = array<i32>} : memref<64x256xf32, #tpu.memory_space<vmem>>, vector<1x256xf32>,
    } else {
    }
    %le3A_443 = arith.constant 50 : i32
    %le3A_444 = arith.cmpi sle, %get3A_41, %le3A_443 : i32
    %ge3A_445 = arith.constant 50 : i32
    %ge3A_446 = arith.cmpi sge, %get3A_45, %ge3A_445 : i32
    %and3A_447 = arith.andi %le3A_444, %ge3A_446 : i1
    %convert_element_type3A_448 = arith.extui %and3A_447 : i1 to i32
    %cond3A_449 = arith.constant 0 : i32
    %cond3A_450 = arith.cmpi ne, %convert_element_type3A_448, %cond3A_449 : i32
    scf.if %cond3A_450 {
      %eq3A_555 = arith.constant 50 : i32
      %eq3A_556 = vector.broadcast %eq3A_555 : i32 to vector<1000x1xi32>
      %eq3A_557 = arith.cmpi eq, %get3A_37, %eq3A_556 : vector<1000x1xi32>
      %jit3A = arith.constant 0xFF800000 : f32
      %broadcast_in_dim3A = vector.shape_cast %eq3A_557 : vector<1000x1xi1> to vector<1000x1xi1>
      %broadcast_in_dim3A_558 = vector.broadcast %broadcast_in_dim3A : vector<1000x1xi1> to vector<1000x256xi1>
      %broadcast_in_dim3A_559 = vector.broadcast %jit3A : f32 to vector<1000x256xf32>
      %select_n3A = arith.select %broadcast_in_dim3A_558, %concatenate3A, %broadcast_in_dim3A_559 : vector<1000x256xi1>, vector<1000x256xf32>
      %reduce_max3A = arith.constant dense<0xFF800000> : vector<256xf32>
      %reduce_max3A_560 = vector.multi_reduction <maximumf>, %select_n3A, %reduce_max3A [0] : vector<1000x256xf32> to vector<256xf32>
      %get3A_561 = arith.constant 50 : index
      %get3A_562 = arith.constant 0 : index
      %get3A_563 = vector.load %arg6[%get3A_561, %get3A_562] : memref<64x256xf32, #tpu.memory_space<vmem>>, vector<1x256xf32>
      %get3A_564 = vector.shape_cast %get3A_563 : vector<1x256xf32> to vector<256xf32>
      %max3A_565 = arith.maximumf %get3A_564, %reduce_max3A_560 : vector<256xf32>
      %swap3A = arith.constant 50 : index
      %swap3A_566 = arith.constant 0 : index
      %swap3A_567 = vector.load %arg6[%swap3A, %swap3A_566] : memref<64x256xf32, #tpu.memory_space<vmem>>, vector<1x256xf32>
      %swap3A_568 = vector.shape_cast %swap3A_567 : vector<1x256xf32> to vector<256xf32>
      %swap3A_569 = vector.shape_cast %max3A_565 : vector<256xf32> to vector<1x256xf32>
      tpu.vector_store %arg6[%swap3A, %swap3A_566], %swap3A_569 {strides = array<i32>} : memref<64x256xf32, #tpu.memory_space<vmem>>, vector<1x256xf32>,
    } else {
    }
    %le3A_451 = arith.constant 51 : i32
    %le3A_452 = arith.cmpi sle, %get3A_41, %le3A_451 : i32
    %ge3A_453 = arith.constant 51 : i32
    %ge3A_454 = arith.cmpi sge, %get3A_45, %ge3A_453 : i32
    %and3A_455 = arith.andi %le3A_452, %ge3A_454 : i1
    %convert_element_type3A_456 = arith.extui %and3A_455 : i1 to i32
    %cond3A_457 = arith.constant 0 : i32
    %cond3A_458 = arith.cmpi ne, %convert_element_type3A_456, %cond3A_457 : i32
    scf.if %cond3A_458 {
      %eq3A_555 = arith.constant 51 : i32
      %eq3A_556 = vector.broadcast %eq3A_555 : i32 to vector<1000x1xi32>
      %eq3A_557 = arith.cmpi eq, %get3A_37, %eq3A_556 : vector<1000x1xi32>
      %jit3A = arith.constant 0xFF800000 : f32
      %broadcast_in_dim3A = vector.shape_cast %eq3A_557 : vector<1000x1xi1> to vector<1000x1xi1>
      %broadcast_in_dim3A_558 = vector.broadcast %broadcast_in_dim3A : vector<1000x1xi1> to vector<1000x256xi1>
      %broadcast_in_dim3A_559 = vector.broadcast %jit3A : f32 to vector<1000x256xf32>
      %select_n3A = arith.select %broadcast_in_dim3A_558, %concatenate3A, %broadcast_in_dim3A_559 : vector<1000x256xi1>, vector<1000x256xf32>
      %reduce_max3A = arith.constant dense<0xFF800000> : vector<256xf32>
      %reduce_max3A_560 = vector.multi_reduction <maximumf>, %select_n3A, %reduce_max3A [0] : vector<1000x256xf32> to vector<256xf32>
      %get3A_561 = arith.constant 51 : index
      %get3A_562 = arith.constant 0 : index
      %get3A_563 = vector.load %arg6[%get3A_561, %get3A_562] : memref<64x256xf32, #tpu.memory_space<vmem>>, vector<1x256xf32>
      %get3A_564 = vector.shape_cast %get3A_563 : vector<1x256xf32> to vector<256xf32>
      %max3A_565 = arith.maximumf %get3A_564, %reduce_max3A_560 : vector<256xf32>
      %swap3A = arith.constant 51 : index
      %swap3A_566 = arith.constant 0 : index
      %swap3A_567 = vector.load %arg6[%swap3A, %swap3A_566] : memref<64x256xf32, #tpu.memory_space<vmem>>, vector<1x256xf32>
      %swap3A_568 = vector.shape_cast %swap3A_567 : vector<1x256xf32> to vector<256xf32>
      %swap3A_569 = vector.shape_cast %max3A_565 : vector<256xf32> to vector<1x256xf32>
      tpu.vector_store %arg6[%swap3A, %swap3A_566], %swap3A_569 {strides = array<i32>} : memref<64x256xf32, #tpu.memory_space<vmem>>, vector<1x256xf32>,
    } else {
    }
    %le3A_459 = arith.constant 52 : i32
    %le3A_460 = arith.cmpi sle, %get3A_41, %le3A_459 : i32
    %ge3A_461 = arith.constant 52 : i32
    %ge3A_462 = arith.cmpi sge, %get3A_45, %ge3A_461 : i32
    %and3A_463 = arith.andi %le3A_460, %ge3A_462 : i1
    %convert_element_type3A_464 = arith.extui %and3A_463 : i1 to i32
    %cond3A_465 = arith.constant 0 : i32
    %cond3A_466 = arith.cmpi ne, %convert_element_type3A_464, %cond3A_465 : i32
    scf.if %cond3A_466 {
      %eq3A_555 = arith.constant 52 : i32
      %eq3A_556 = vector.broadcast %eq3A_555 : i32 to vector<1000x1xi32>
      %eq3A_557 = arith.cmpi eq, %get3A_37, %eq3A_556 : vector<1000x1xi32>
      %jit3A = arith.constant 0xFF800000 : f32
      %broadcast_in_dim3A = vector.shape_cast %eq3A_557 : vector<1000x1xi1> to vector<1000x1xi1>
      %broadcast_in_dim3A_558 = vector.broadcast %broadcast_in_dim3A : vector<1000x1xi1> to vector<1000x256xi1>
      %broadcast_in_dim3A_559 = vector.broadcast %jit3A : f32 to vector<1000x256xf32>
      %select_n3A = arith.select %broadcast_in_dim3A_558, %concatenate3A, %broadcast_in_dim3A_559 : vector<1000x256xi1>, vector<1000x256xf32>
      %reduce_max3A = arith.constant dense<0xFF800000> : vector<256xf32>
      %reduce_max3A_560 = vector.multi_reduction <maximumf>, %select_n3A, %reduce_max3A [0] : vector<1000x256xf32> to vector<256xf32>
      %get3A_561 = arith.constant 52 : index
      %get3A_562 = arith.constant 0 : index
      %get3A_563 = vector.load %arg6[%get3A_561, %get3A_562] : memref<64x256xf32, #tpu.memory_space<vmem>>, vector<1x256xf32>
      %get3A_564 = vector.shape_cast %get3A_563 : vector<1x256xf32> to vector<256xf32>
      %max3A_565 = arith.maximumf %get3A_564, %reduce_max3A_560 : vector<256xf32>
      %swap3A = arith.constant 52 : index
      %swap3A_566 = arith.constant 0 : index
      %swap3A_567 = vector.load %arg6[%swap3A, %swap3A_566] : memref<64x256xf32, #tpu.memory_space<vmem>>, vector<1x256xf32>
      %swap3A_568 = vector.shape_cast %swap3A_567 : vector<1x256xf32> to vector<256xf32>
      %swap3A_569 = vector.shape_cast %max3A_565 : vector<256xf32> to vector<1x256xf32>
      tpu.vector_store %arg6[%swap3A, %swap3A_566], %swap3A_569 {strides = array<i32>} : memref<64x256xf32, #tpu.memory_space<vmem>>, vector<1x256xf32>,
    } else {
    }
    %le3A_467 = arith.constant 53 : i32
    %le3A_468 = arith.cmpi sle, %get3A_41, %le3A_467 : i32
    %ge3A_469 = arith.constant 53 : i32
    %ge3A_470 = arith.cmpi sge, %get3A_45, %ge3A_469 : i32
    %and3A_471 = arith.andi %le3A_468, %ge3A_470 : i1
    %convert_element_type3A_472 = arith.extui %and3A_471 : i1 to i32
    %cond3A_473 = arith.constant 0 : i32
    %cond3A_474 = arith.cmpi ne, %convert_element_type3A_472, %cond3A_473 : i32
    scf.if %cond3A_474 {
      %eq3A_555 = arith.constant 53 : i32
      %eq3A_556 = vector.broadcast %eq3A_555 : i32 to vector<1000x1xi32>
      %eq3A_557 = arith.cmpi eq, %get3A_37, %eq3A_556 : vector<1000x1xi32>
      %jit3A = arith.constant 0xFF800000 : f32
      %broadcast_in_dim3A = vector.shape_cast %eq3A_557 : vector<1000x1xi1> to vector<1000x1xi1>
      %broadcast_in_dim3A_558 = vector.broadcast %broadcast_in_dim3A : vector<1000x1xi1> to vector<1000x256xi1>
      %broadcast_in_dim3A_559 = vector.broadcast %jit3A : f32 to vector<1000x256xf32>
      %select_n3A = arith.select %broadcast_in_dim3A_558, %concatenate3A, %broadcast_in_dim3A_559 : vector<1000x256xi1>, vector<1000x256xf32>
      %reduce_max3A = arith.constant dense<0xFF800000> : vector<256xf32>
      %reduce_max3A_560 = vector.multi_reduction <maximumf>, %select_n3A, %reduce_max3A [0] : vector<1000x256xf32> to vector<256xf32>
      %get3A_561 = arith.constant 53 : index
      %get3A_562 = arith.constant 0 : index
      %get3A_563 = vector.load %arg6[%get3A_561, %get3A_562] : memref<64x256xf32, #tpu.memory_space<vmem>>, vector<1x256xf32>
      %get3A_564 = vector.shape_cast %get3A_563 : vector<1x256xf32> to vector<256xf32>
      %max3A_565 = arith.maximumf %get3A_564, %reduce_max3A_560 : vector<256xf32>
      %swap3A = arith.constant 53 : index
      %swap3A_566 = arith.constant 0 : index
      %swap3A_567 = vector.load %arg6[%swap3A, %swap3A_566] : memref<64x256xf32, #tpu.memory_space<vmem>>, vector<1x256xf32>
      %swap3A_568 = vector.shape_cast %swap3A_567 : vector<1x256xf32> to vector<256xf32>
      %swap3A_569 = vector.shape_cast %max3A_565 : vector<256xf32> to vector<1x256xf32>
      tpu.vector_store %arg6[%swap3A, %swap3A_566], %swap3A_569 {strides = array<i32>} : memref<64x256xf32, #tpu.memory_space<vmem>>, vector<1x256xf32>,
    } else {
    }
    %le3A_475 = arith.constant 54 : i32
    %le3A_476 = arith.cmpi sle, %get3A_41, %le3A_475 : i32
    %ge3A_477 = arith.constant 54 : i32
    %ge3A_478 = arith.cmpi sge, %get3A_45, %ge3A_477 : i32
    %and3A_479 = arith.andi %le3A_476, %ge3A_478 : i1
    %convert_element_type3A_480 = arith.extui %and3A_479 : i1 to i32
    %cond3A_481 = arith.constant 0 : i32
    %cond3A_482 = arith.cmpi ne, %convert_element_type3A_480, %cond3A_481 : i32
    scf.if %cond3A_482 {
      %eq3A_555 = arith.constant 54 : i32
      %eq3A_556 = vector.broadcast %eq3A_555 : i32 to vector<1000x1xi32>
      %eq3A_557 = arith.cmpi eq, %get3A_37, %eq3A_556 : vector<1000x1xi32>
      %jit3A = arith.constant 0xFF800000 : f32
      %broadcast_in_dim3A = vector.shape_cast %eq3A_557 : vector<1000x1xi1> to vector<1000x1xi1>
      %broadcast_in_dim3A_558 = vector.broadcast %broadcast_in_dim3A : vector<1000x1xi1> to vector<1000x256xi1>
      %broadcast_in_dim3A_559 = vector.broadcast %jit3A : f32 to vector<1000x256xf32>
      %select_n3A = arith.select %broadcast_in_dim3A_558, %concatenate3A, %broadcast_in_dim3A_559 : vector<1000x256xi1>, vector<1000x256xf32>
      %reduce_max3A = arith.constant dense<0xFF800000> : vector<256xf32>
      %reduce_max3A_560 = vector.multi_reduction <maximumf>, %select_n3A, %reduce_max3A [0] : vector<1000x256xf32> to vector<256xf32>
      %get3A_561 = arith.constant 54 : index
      %get3A_562 = arith.constant 0 : index
      %get3A_563 = vector.load %arg6[%get3A_561, %get3A_562] : memref<64x256xf32, #tpu.memory_space<vmem>>, vector<1x256xf32>
      %get3A_564 = vector.shape_cast %get3A_563 : vector<1x256xf32> to vector<256xf32>
      %max3A_565 = arith.maximumf %get3A_564, %reduce_max3A_560 : vector<256xf32>
      %swap3A = arith.constant 54 : index
      %swap3A_566 = arith.constant 0 : index
      %swap3A_567 = vector.load %arg6[%swap3A, %swap3A_566] : memref<64x256xf32, #tpu.memory_space<vmem>>, vector<1x256xf32>
      %swap3A_568 = vector.shape_cast %swap3A_567 : vector<1x256xf32> to vector<256xf32>
      %swap3A_569 = vector.shape_cast %max3A_565 : vector<256xf32> to vector<1x256xf32>
      tpu.vector_store %arg6[%swap3A, %swap3A_566], %swap3A_569 {strides = array<i32>} : memref<64x256xf32, #tpu.memory_space<vmem>>, vector<1x256xf32>,
    } else {
    }
    %le3A_483 = arith.constant 55 : i32
    %le3A_484 = arith.cmpi sle, %get3A_41, %le3A_483 : i32
    %ge3A_485 = arith.constant 55 : i32
    %ge3A_486 = arith.cmpi sge, %get3A_45, %ge3A_485 : i32
    %and3A_487 = arith.andi %le3A_484, %ge3A_486 : i1
    %convert_element_type3A_488 = arith.extui %and3A_487 : i1 to i32
    %cond3A_489 = arith.constant 0 : i32
    %cond3A_490 = arith.cmpi ne, %convert_element_type3A_488, %cond3A_489 : i32
    scf.if %cond3A_490 {
      %eq3A_555 = arith.constant 55 : i32
      %eq3A_556 = vector.broadcast %eq3A_555 : i32 to vector<1000x1xi32>
      %eq3A_557 = arith.cmpi eq, %get3A_37, %eq3A_556 : vector<1000x1xi32>
      %jit3A = arith.constant 0xFF800000 : f32
      %broadcast_in_dim3A = vector.shape_cast %eq3A_557 : vector<1000x1xi1> to vector<1000x1xi1>
      %broadcast_in_dim3A_558 = vector.broadcast %broadcast_in_dim3A : vector<1000x1xi1> to vector<1000x256xi1>
      %broadcast_in_dim3A_559 = vector.broadcast %jit3A : f32 to vector<1000x256xf32>
      %select_n3A = arith.select %broadcast_in_dim3A_558, %concatenate3A, %broadcast_in_dim3A_559 : vector<1000x256xi1>, vector<1000x256xf32>
      %reduce_max3A = arith.constant dense<0xFF800000> : vector<256xf32>
      %reduce_max3A_560 = vector.multi_reduction <maximumf>, %select_n3A, %reduce_max3A [0] : vector<1000x256xf32> to vector<256xf32>
      %get3A_561 = arith.constant 55 : index
      %get3A_562 = arith.constant 0 : index
      %get3A_563 = vector.load %arg6[%get3A_561, %get3A_562] : memref<64x256xf32, #tpu.memory_space<vmem>>, vector<1x256xf32>
      %get3A_564 = vector.shape_cast %get3A_563 : vector<1x256xf32> to vector<256xf32>
      %max3A_565 = arith.maximumf %get3A_564, %reduce_max3A_560 : vector<256xf32>
      %swap3A = arith.constant 55 : index
      %swap3A_566 = arith.constant 0 : index
      %swap3A_567 = vector.load %arg6[%swap3A, %swap3A_566] : memref<64x256xf32, #tpu.memory_space<vmem>>, vector<1x256xf32>
      %swap3A_568 = vector.shape_cast %swap3A_567 : vector<1x256xf32> to vector<256xf32>
      %swap3A_569 = vector.shape_cast %max3A_565 : vector<256xf32> to vector<1x256xf32>
      tpu.vector_store %arg6[%swap3A, %swap3A_566], %swap3A_569 {strides = array<i32>} : memref<64x256xf32, #tpu.memory_space<vmem>>, vector<1x256xf32>,
    } else {
    }
    %le3A_491 = arith.constant 56 : i32
    %le3A_492 = arith.cmpi sle, %get3A_41, %le3A_491 : i32
    %ge3A_493 = arith.constant 56 : i32
    %ge3A_494 = arith.cmpi sge, %get3A_45, %ge3A_493 : i32
    %and3A_495 = arith.andi %le3A_492, %ge3A_494 : i1
    %convert_element_type3A_496 = arith.extui %and3A_495 : i1 to i32
    %cond3A_497 = arith.constant 0 : i32
    %cond3A_498 = arith.cmpi ne, %convert_element_type3A_496, %cond3A_497 : i32
    scf.if %cond3A_498 {
      %eq3A_555 = arith.constant 56 : i32
      %eq3A_556 = vector.broadcast %eq3A_555 : i32 to vector<1000x1xi32>
      %eq3A_557 = arith.cmpi eq, %get3A_37, %eq3A_556 : vector<1000x1xi32>
      %jit3A = arith.constant 0xFF800000 : f32
      %broadcast_in_dim3A = vector.shape_cast %eq3A_557 : vector<1000x1xi1> to vector<1000x1xi1>
      %broadcast_in_dim3A_558 = vector.broadcast %broadcast_in_dim3A : vector<1000x1xi1> to vector<1000x256xi1>
      %broadcast_in_dim3A_559 = vector.broadcast %jit3A : f32 to vector<1000x256xf32>
      %select_n3A = arith.select %broadcast_in_dim3A_558, %concatenate3A, %broadcast_in_dim3A_559 : vector<1000x256xi1>, vector<1000x256xf32>
      %reduce_max3A = arith.constant dense<0xFF800000> : vector<256xf32>
      %reduce_max3A_560 = vector.multi_reduction <maximumf>, %select_n3A, %reduce_max3A [0] : vector<1000x256xf32> to vector<256xf32>
      %get3A_561 = arith.constant 56 : index
      %get3A_562 = arith.constant 0 : index
      %get3A_563 = vector.load %arg6[%get3A_561, %get3A_562] : memref<64x256xf32, #tpu.memory_space<vmem>>, vector<1x256xf32>
      %get3A_564 = vector.shape_cast %get3A_563 : vector<1x256xf32> to vector<256xf32>
      %max3A_565 = arith.maximumf %get3A_564, %reduce_max3A_560 : vector<256xf32>
      %swap3A = arith.constant 56 : index
      %swap3A_566 = arith.constant 0 : index
      %swap3A_567 = vector.load %arg6[%swap3A, %swap3A_566] : memref<64x256xf32, #tpu.memory_space<vmem>>, vector<1x256xf32>
      %swap3A_568 = vector.shape_cast %swap3A_567 : vector<1x256xf32> to vector<256xf32>
      %swap3A_569 = vector.shape_cast %max3A_565 : vector<256xf32> to vector<1x256xf32>
      tpu.vector_store %arg6[%swap3A, %swap3A_566], %swap3A_569 {strides = array<i32>} : memref<64x256xf32, #tpu.memory_space<vmem>>, vector<1x256xf32>,
    } else {
    }
    %le3A_499 = arith.constant 57 : i32
    %le3A_500 = arith.cmpi sle, %get3A_41, %le3A_499 : i32
    %ge3A_501 = arith.constant 57 : i32
    %ge3A_502 = arith.cmpi sge, %get3A_45, %ge3A_501 : i32
    %and3A_503 = arith.andi %le3A_500, %ge3A_502 : i1
    %convert_element_type3A_504 = arith.extui %and3A_503 : i1 to i32
    %cond3A_505 = arith.constant 0 : i32
    %cond3A_506 = arith.cmpi ne, %convert_element_type3A_504, %cond3A_505 : i32
    scf.if %cond3A_506 {
      %eq3A_555 = arith.constant 57 : i32
      %eq3A_556 = vector.broadcast %eq3A_555 : i32 to vector<1000x1xi32>
      %eq3A_557 = arith.cmpi eq, %get3A_37, %eq3A_556 : vector<1000x1xi32>
      %jit3A = arith.constant 0xFF800000 : f32
      %broadcast_in_dim3A = vector.shape_cast %eq3A_557 : vector<1000x1xi1> to vector<1000x1xi1>
      %broadcast_in_dim3A_558 = vector.broadcast %broadcast_in_dim3A : vector<1000x1xi1> to vector<1000x256xi1>
      %broadcast_in_dim3A_559 = vector.broadcast %jit3A : f32 to vector<1000x256xf32>
      %select_n3A = arith.select %broadcast_in_dim3A_558, %concatenate3A, %broadcast_in_dim3A_559 : vector<1000x256xi1>, vector<1000x256xf32>
      %reduce_max3A = arith.constant dense<0xFF800000> : vector<256xf32>
      %reduce_max3A_560 = vector.multi_reduction <maximumf>, %select_n3A, %reduce_max3A [0] : vector<1000x256xf32> to vector<256xf32>
      %get3A_561 = arith.constant 57 : index
      %get3A_562 = arith.constant 0 : index
      %get3A_563 = vector.load %arg6[%get3A_561, %get3A_562] : memref<64x256xf32, #tpu.memory_space<vmem>>, vector<1x256xf32>
      %get3A_564 = vector.shape_cast %get3A_563 : vector<1x256xf32> to vector<256xf32>
      %max3A_565 = arith.maximumf %get3A_564, %reduce_max3A_560 : vector<256xf32>
      %swap3A = arith.constant 57 : index
      %swap3A_566 = arith.constant 0 : index
      %swap3A_567 = vector.load %arg6[%swap3A, %swap3A_566] : memref<64x256xf32, #tpu.memory_space<vmem>>, vector<1x256xf32>
      %swap3A_568 = vector.shape_cast %swap3A_567 : vector<1x256xf32> to vector<256xf32>
      %swap3A_569 = vector.shape_cast %max3A_565 : vector<256xf32> to vector<1x256xf32>
      tpu.vector_store %arg6[%swap3A, %swap3A_566], %swap3A_569 {strides = array<i32>} : memref<64x256xf32, #tpu.memory_space<vmem>>, vector<1x256xf32>,
    } else {
    }
    %le3A_507 = arith.constant 58 : i32
    %le3A_508 = arith.cmpi sle, %get3A_41, %le3A_507 : i32
    %ge3A_509 = arith.constant 58 : i32
    %ge3A_510 = arith.cmpi sge, %get3A_45, %ge3A_509 : i32
    %and3A_511 = arith.andi %le3A_508, %ge3A_510 : i1
    %convert_element_type3A_512 = arith.extui %and3A_511 : i1 to i32
    %cond3A_513 = arith.constant 0 : i32
    %cond3A_514 = arith.cmpi ne, %convert_element_type3A_512, %cond3A_513 : i32
    scf.if %cond3A_514 {
      %eq3A_555 = arith.constant 58 : i32
      %eq3A_556 = vector.broadcast %eq3A_555 : i32 to vector<1000x1xi32>
      %eq3A_557 = arith.cmpi eq, %get3A_37, %eq3A_556 : vector<1000x1xi32>
      %jit3A = arith.constant 0xFF800000 : f32
      %broadcast_in_dim3A = vector.shape_cast %eq3A_557 : vector<1000x1xi1> to vector<1000x1xi1>
      %broadcast_in_dim3A_558 = vector.broadcast %broadcast_in_dim3A : vector<1000x1xi1> to vector<1000x256xi1>
      %broadcast_in_dim3A_559 = vector.broadcast %jit3A : f32 to vector<1000x256xf32>
      %select_n3A = arith.select %broadcast_in_dim3A_558, %concatenate3A, %broadcast_in_dim3A_559 : vector<1000x256xi1>, vector<1000x256xf32>
      %reduce_max3A = arith.constant dense<0xFF800000> : vector<256xf32>
      %reduce_max3A_560 = vector.multi_reduction <maximumf>, %select_n3A, %reduce_max3A [0] : vector<1000x256xf32> to vector<256xf32>
      %get3A_561 = arith.constant 58 : index
      %get3A_562 = arith.constant 0 : index
      %get3A_563 = vector.load %arg6[%get3A_561, %get3A_562] : memref<64x256xf32, #tpu.memory_space<vmem>>, vector<1x256xf32>
      %get3A_564 = vector.shape_cast %get3A_563 : vector<1x256xf32> to vector<256xf32>
      %max3A_565 = arith.maximumf %get3A_564, %reduce_max3A_560 : vector<256xf32>
      %swap3A = arith.constant 58 : index
      %swap3A_566 = arith.constant 0 : index
      %swap3A_567 = vector.load %arg6[%swap3A, %swap3A_566] : memref<64x256xf32, #tpu.memory_space<vmem>>, vector<1x256xf32>
      %swap3A_568 = vector.shape_cast %swap3A_567 : vector<1x256xf32> to vector<256xf32>
      %swap3A_569 = vector.shape_cast %max3A_565 : vector<256xf32> to vector<1x256xf32>
      tpu.vector_store %arg6[%swap3A, %swap3A_566], %swap3A_569 {strides = array<i32>} : memref<64x256xf32, #tpu.memory_space<vmem>>, vector<1x256xf32>,
    } else {
    }
    %le3A_515 = arith.constant 59 : i32
    %le3A_516 = arith.cmpi sle, %get3A_41, %le3A_515 : i32
    %ge3A_517 = arith.constant 59 : i32
    %ge3A_518 = arith.cmpi sge, %get3A_45, %ge3A_517 : i32
    %and3A_519 = arith.andi %le3A_516, %ge3A_518 : i1
    %convert_element_type3A_520 = arith.extui %and3A_519 : i1 to i32
    %cond3A_521 = arith.constant 0 : i32
    %cond3A_522 = arith.cmpi ne, %convert_element_type3A_520, %cond3A_521 : i32
    scf.if %cond3A_522 {
      %eq3A_555 = arith.constant 59 : i32
      %eq3A_556 = vector.broadcast %eq3A_555 : i32 to vector<1000x1xi32>
      %eq3A_557 = arith.cmpi eq, %get3A_37, %eq3A_556 : vector<1000x1xi32>
      %jit3A = arith.constant 0xFF800000 : f32
      %broadcast_in_dim3A = vector.shape_cast %eq3A_557 : vector<1000x1xi1> to vector<1000x1xi1>
      %broadcast_in_dim3A_558 = vector.broadcast %broadcast_in_dim3A : vector<1000x1xi1> to vector<1000x256xi1>
      %broadcast_in_dim3A_559 = vector.broadcast %jit3A : f32 to vector<1000x256xf32>
      %select_n3A = arith.select %broadcast_in_dim3A_558, %concatenate3A, %broadcast_in_dim3A_559 : vector<1000x256xi1>, vector<1000x256xf32>
      %reduce_max3A = arith.constant dense<0xFF800000> : vector<256xf32>
      %reduce_max3A_560 = vector.multi_reduction <maximumf>, %select_n3A, %reduce_max3A [0] : vector<1000x256xf32> to vector<256xf32>
      %get3A_561 = arith.constant 59 : index
      %get3A_562 = arith.constant 0 : index
      %get3A_563 = vector.load %arg6[%get3A_561, %get3A_562] : memref<64x256xf32, #tpu.memory_space<vmem>>, vector<1x256xf32>
      %get3A_564 = vector.shape_cast %get3A_563 : vector<1x256xf32> to vector<256xf32>
      %max3A_565 = arith.maximumf %get3A_564, %reduce_max3A_560 : vector<256xf32>
      %swap3A = arith.constant 59 : index
      %swap3A_566 = arith.constant 0 : index
      %swap3A_567 = vector.load %arg6[%swap3A, %swap3A_566] : memref<64x256xf32, #tpu.memory_space<vmem>>, vector<1x256xf32>
      %swap3A_568 = vector.shape_cast %swap3A_567 : vector<1x256xf32> to vector<256xf32>
      %swap3A_569 = vector.shape_cast %max3A_565 : vector<256xf32> to vector<1x256xf32>
      tpu.vector_store %arg6[%swap3A, %swap3A_566], %swap3A_569 {strides = array<i32>} : memref<64x256xf32, #tpu.memory_space<vmem>>, vector<1x256xf32>,
    } else {
    }
    %le3A_523 = arith.constant 60 : i32
    %le3A_524 = arith.cmpi sle, %get3A_41, %le3A_523 : i32
    %ge3A_525 = arith.constant 60 : i32
    %ge3A_526 = arith.cmpi sge, %get3A_45, %ge3A_525 : i32
    %and3A_527 = arith.andi %le3A_524, %ge3A_526 : i1
    %convert_element_type3A_528 = arith.extui %and3A_527 : i1 to i32
    %cond3A_529 = arith.constant 0 : i32
    %cond3A_530 = arith.cmpi ne, %convert_element_type3A_528, %cond3A_529 : i32
    scf.if %cond3A_530 {
      %eq3A_555 = arith.constant 60 : i32
      %eq3A_556 = vector.broadcast %eq3A_555 : i32 to vector<1000x1xi32>
      %eq3A_557 = arith.cmpi eq, %get3A_37, %eq3A_556 : vector<1000x1xi32>
      %jit3A = arith.constant 0xFF800000 : f32
      %broadcast_in_dim3A = vector.shape_cast %eq3A_557 : vector<1000x1xi1> to vector<1000x1xi1>
      %broadcast_in_dim3A_558 = vector.broadcast %broadcast_in_dim3A : vector<1000x1xi1> to vector<1000x256xi1>
      %broadcast_in_dim3A_559 = vector.broadcast %jit3A : f32 to vector<1000x256xf32>
      %select_n3A = arith.select %broadcast_in_dim3A_558, %concatenate3A, %broadcast_in_dim3A_559 : vector<1000x256xi1>, vector<1000x256xf32>
      %reduce_max3A = arith.constant dense<0xFF800000> : vector<256xf32>
      %reduce_max3A_560 = vector.multi_reduction <maximumf>, %select_n3A, %reduce_max3A [0] : vector<1000x256xf32> to vector<256xf32>
      %get3A_561 = arith.constant 60 : index
      %get3A_562 = arith.constant 0 : index
      %get3A_563 = vector.load %arg6[%get3A_561, %get3A_562] : memref<64x256xf32, #tpu.memory_space<vmem>>, vector<1x256xf32>
      %get3A_564 = vector.shape_cast %get3A_563 : vector<1x256xf32> to vector<256xf32>
      %max3A_565 = arith.maximumf %get3A_564, %reduce_max3A_560 : vector<256xf32>
      %swap3A = arith.constant 60 : index
      %swap3A_566 = arith.constant 0 : index
      %swap3A_567 = vector.load %arg6[%swap3A, %swap3A_566] : memref<64x256xf32, #tpu.memory_space<vmem>>, vector<1x256xf32>
      %swap3A_568 = vector.shape_cast %swap3A_567 : vector<1x256xf32> to vector<256xf32>
      %swap3A_569 = vector.shape_cast %max3A_565 : vector<256xf32> to vector<1x256xf32>
      tpu.vector_store %arg6[%swap3A, %swap3A_566], %swap3A_569 {strides = array<i32>} : memref<64x256xf32, #tpu.memory_space<vmem>>, vector<1x256xf32>,
    } else {
    }
    %le3A_531 = arith.constant 61 : i32
    %le3A_532 = arith.cmpi sle, %get3A_41, %le3A_531 : i32
    %ge3A_533 = arith.constant 61 : i32
    %ge3A_534 = arith.cmpi sge, %get3A_45, %ge3A_533 : i32
    %and3A_535 = arith.andi %le3A_532, %ge3A_534 : i1
    %convert_element_type3A_536 = arith.extui %and3A_535 : i1 to i32
    %cond3A_537 = arith.constant 0 : i32
    %cond3A_538 = arith.cmpi ne, %convert_element_type3A_536, %cond3A_537 : i32
    scf.if %cond3A_538 {
      %eq3A_555 = arith.constant 61 : i32
      %eq3A_556 = vector.broadcast %eq3A_555 : i32 to vector<1000x1xi32>
      %eq3A_557 = arith.cmpi eq, %get3A_37, %eq3A_556 : vector<1000x1xi32>
      %jit3A = arith.constant 0xFF800000 : f32
      %broadcast_in_dim3A = vector.shape_cast %eq3A_557 : vector<1000x1xi1> to vector<1000x1xi1>
      %broadcast_in_dim3A_558 = vector.broadcast %broadcast_in_dim3A : vector<1000x1xi1> to vector<1000x256xi1>
      %broadcast_in_dim3A_559 = vector.broadcast %jit3A : f32 to vector<1000x256xf32>
      %select_n3A = arith.select %broadcast_in_dim3A_558, %concatenate3A, %broadcast_in_dim3A_559 : vector<1000x256xi1>, vector<1000x256xf32>
      %reduce_max3A = arith.constant dense<0xFF800000> : vector<256xf32>
      %reduce_max3A_560 = vector.multi_reduction <maximumf>, %select_n3A, %reduce_max3A [0] : vector<1000x256xf32> to vector<256xf32>
      %get3A_561 = arith.constant 61 : index
      %get3A_562 = arith.constant 0 : index
      %get3A_563 = vector.load %arg6[%get3A_561, %get3A_562] : memref<64x256xf32, #tpu.memory_space<vmem>>, vector<1x256xf32>
      %get3A_564 = vector.shape_cast %get3A_563 : vector<1x256xf32> to vector<256xf32>
      %max3A_565 = arith.maximumf %get3A_564, %reduce_max3A_560 : vector<256xf32>
      %swap3A = arith.constant 61 : index
      %swap3A_566 = arith.constant 0 : index
      %swap3A_567 = vector.load %arg6[%swap3A, %swap3A_566] : memref<64x256xf32, #tpu.memory_space<vmem>>, vector<1x256xf32>
      %swap3A_568 = vector.shape_cast %swap3A_567 : vector<1x256xf32> to vector<256xf32>
      %swap3A_569 = vector.shape_cast %max3A_565 : vector<256xf32> to vector<1x256xf32>
      tpu.vector_store %arg6[%swap3A, %swap3A_566], %swap3A_569 {strides = array<i32>} : memref<64x256xf32, #tpu.memory_space<vmem>>, vector<1x256xf32>,
    } else {
    }
    %le3A_539 = arith.constant 62 : i32
    %le3A_540 = arith.cmpi sle, %get3A_41, %le3A_539 : i32
    %ge3A_541 = arith.constant 62 : i32
    %ge3A_542 = arith.cmpi sge, %get3A_45, %ge3A_541 : i32
    %and3A_543 = arith.andi %le3A_540, %ge3A_542 : i1
    %convert_element_type3A_544 = arith.extui %and3A_543 : i1 to i32
    %cond3A_545 = arith.constant 0 : i32
    %cond3A_546 = arith.cmpi ne, %convert_element_type3A_544, %cond3A_545 : i32
    scf.if %cond3A_546 {
      %eq3A_555 = arith.constant 62 : i32
      %eq3A_556 = vector.broadcast %eq3A_555 : i32 to vector<1000x1xi32>
      %eq3A_557 = arith.cmpi eq, %get3A_37, %eq3A_556 : vector<1000x1xi32>
      %jit3A = arith.constant 0xFF800000 : f32
      %broadcast_in_dim3A = vector.shape_cast %eq3A_557 : vector<1000x1xi1> to vector<1000x1xi1>
      %broadcast_in_dim3A_558 = vector.broadcast %broadcast_in_dim3A : vector<1000x1xi1> to vector<1000x256xi1>
      %broadcast_in_dim3A_559 = vector.broadcast %jit3A : f32 to vector<1000x256xf32>
      %select_n3A = arith.select %broadcast_in_dim3A_558, %concatenate3A, %broadcast_in_dim3A_559 : vector<1000x256xi1>, vector<1000x256xf32>
      %reduce_max3A = arith.constant dense<0xFF800000> : vector<256xf32>
      %reduce_max3A_560 = vector.multi_reduction <maximumf>, %select_n3A, %reduce_max3A [0] : vector<1000x256xf32> to vector<256xf32>
      %get3A_561 = arith.constant 62 : index
      %get3A_562 = arith.constant 0 : index
      %get3A_563 = vector.load %arg6[%get3A_561, %get3A_562] : memref<64x256xf32, #tpu.memory_space<vmem>>, vector<1x256xf32>
      %get3A_564 = vector.shape_cast %get3A_563 : vector<1x256xf32> to vector<256xf32>
      %max3A_565 = arith.maximumf %get3A_564, %reduce_max3A_560 : vector<256xf32>
      %swap3A = arith.constant 62 : index
      %swap3A_566 = arith.constant 0 : index
      %swap3A_567 = vector.load %arg6[%swap3A, %swap3A_566] : memref<64x256xf32, #tpu.memory_space<vmem>>, vector<1x256xf32>
      %swap3A_568 = vector.shape_cast %swap3A_567 : vector<1x256xf32> to vector<256xf32>
      %swap3A_569 = vector.shape_cast %max3A_565 : vector<256xf32> to vector<1x256xf32>
      tpu.vector_store %arg6[%swap3A, %swap3A_566], %swap3A_569 {strides = array<i32>} : memref<64x256xf32, #tpu.memory_space<vmem>>, vector<1x256xf32>,
    } else {
    }
    %le3A_547 = arith.constant 63 : i32
    %le3A_548 = arith.cmpi sle, %get3A_41, %le3A_547 : i32
    %ge3A_549 = arith.constant 63 : i32
    %ge3A_550 = arith.cmpi sge, %get3A_45, %ge3A_549 : i32
    %and3A_551 = arith.andi %le3A_548, %ge3A_550 : i1
    %convert_element_type3A_552 = arith.extui %and3A_551 : i1 to i32
    %cond3A_553 = arith.constant 0 : i32
    %cond3A_554 = arith.cmpi ne, %convert_element_type3A_552, %cond3A_553 : i32
    scf.if %cond3A_554 {
      %eq3A_555 = arith.constant 63 : i32
      %eq3A_556 = vector.broadcast %eq3A_555 : i32 to vector<1000x1xi32>
      %eq3A_557 = arith.cmpi eq, %get3A_37, %eq3A_556 : vector<1000x1xi32>
      %jit3A = arith.constant 0xFF800000 : f32
      %broadcast_in_dim3A = vector.shape_cast %eq3A_557 : vector<1000x1xi1> to vector<1000x1xi1>
      %broadcast_in_dim3A_558 = vector.broadcast %broadcast_in_dim3A : vector<1000x1xi1> to vector<1000x256xi1>
      %broadcast_in_dim3A_559 = vector.broadcast %jit3A : f32 to vector<1000x256xf32>
      %select_n3A = arith.select %broadcast_in_dim3A_558, %concatenate3A, %broadcast_in_dim3A_559 : vector<1000x256xi1>, vector<1000x256xf32>
      %reduce_max3A = arith.constant dense<0xFF800000> : vector<256xf32>
      %reduce_max3A_560 = vector.multi_reduction <maximumf>, %select_n3A, %reduce_max3A [0] : vector<1000x256xf32> to vector<256xf32>
      %get3A_561 = arith.constant 63 : index
      %get3A_562 = arith.constant 0 : index
      %get3A_563 = vector.load %arg6[%get3A_561, %get3A_562] : memref<64x256xf32, #tpu.memory_space<vmem>>, vector<1x256xf32>
      %get3A_564 = vector.shape_cast %get3A_563 : vector<1x256xf32> to vector<256xf32>
      %max3A_565 = arith.maximumf %get3A_564, %reduce_max3A_560 : vector<256xf32>
      %swap3A = arith.constant 63 : index
      %swap3A_566 = arith.constant 0 : index
      %swap3A_567 = vector.load %arg6[%swap3A, %swap3A_566] : memref<64x256xf32, #tpu.memory_space<vmem>>, vector<1x256xf32>
      %swap3A_568 = vector.shape_cast %swap3A_567 : vector<1x256xf32> to vector<256xf32>
      %swap3A_569 = vector.shape_cast %max3A_565 : vector<256xf32> to vector<1x256xf32>
      tpu.vector_store %arg6[%swap3A, %swap3A_566], %swap3A_569 {strides = array<i32>} : memref<64x256xf32, #tpu.memory_space<vmem>>, vector<1x256xf32>,
    } else {
    }
    return
  }
  func.func @transform_0(%arg0: i32) -> (i32, i32, i32) {
    %c0_i32 = arith.constant 0 : i32
    %c0_i32_0 = arith.constant 0 : i32
    %c0_i32_1 = arith.constant 0 : i32
    return %c0_i32, %arg0, %c0_i32_0 : i32, i32, i32
  }
  func.func @transform_1(%arg0: i32) -> (i32, i32, i32) {
    %c0_i32 = arith.constant 0 : i32
    %c0_i32_0 = arith.constant 0 : i32
    %c0_i32_1 = arith.constant 0 : i32
    return %c0_i32, %arg0, %c0_i32_0 : i32, i32, i32
  }
  func.func @transform_2(%arg0: i32) -> (i32, i32) {
    %c0_i32 = arith.constant 0 : i32
    %c0_i32_0 = arith.constant 0 : i32
    return %arg0, %c0_i32 : i32, i32
  }
  func.func @transform_3(%arg0: i32) -> (i32, i32) {
    %c0_i32 = arith.constant 0 : i32
    %c0_i32_0 = arith.constant 0 : i32
    return %arg0, %c0_i32 : i32, i32
  }
  func.func @transform_4(%arg0: i32) -> (i32, i32) {
    %c0_i32 = arith.constant 0 : i32
    %c0_i32_0 = arith.constant 0 : i32
    return %arg0, %c0_i32 : i32, i32
  }
  func.func @transform_5(%arg0: i32) -> (i32, i32) {
    %c0_i32 = arith.constant 0 : i32
    %c0_i32_0 = arith.constant 0 : i32
    %c0_i32_1 = arith.constant 0 : i32
    return %c0_i32, %c0_i32_0 : i32, i32
  }
}

</mosaic_0001>

<sc_bundles>
// kernel: kernel.11.cloned.1.call-start
scs
__scs_entry_jumppad:
0x0: {  	(pc) =	sbr.rel $0x88, $3  }
0x1: {  	(tag) =	ssettag $0x0;
	lr =	simm.s32 $0x1  }
0x2: {  	[smem:$0x3F9A] =	sst lr;
	_ =	strace $0xD0000000  }
0x3: {  	_ = 	snop  }
0x4: {  	_ = 	snop  }
0x5: {  	_ = 	snop  }
0x6: {  	_ = 	snop  }
0x7: {  	_ = 	snop  }
__scs_overlays_trampoline_lowered:
0x8: {  	[smem:$0x3FA9] =	sst s0  }
0x9: {  	[smem:$0x3FAA] =	sst s1  }
0xa: {  	[smem:$0x3FAB] =	sst s2  }
0xb: {  	[smem:$0x3FAC] =	sst s3  }
0xc: {  	[smem:$0x3FAD] =	sst s4  }
0xd: {  	[smem:$0x3FAE] =	sst s5  }
0xe: {  	[smem:$0x3FAF] =	sst s6  }
0xf: {  	[smem:$0x3FB0] =	sst s7  }
0x10: {  	[smem:$0x3FB1] =	sst s8  }
0x11: {  	[smem:$0x3FB2] =	sst s9;
	s0 =	simm.s32 @!p0 $0x0  }
0x12: {  	s1 =	sld [smem:$0x3F98];
	s0 =	simm.s32 @p0 $0x1  }
0x13: {  	[smem:$0x3FB3] =	sst s0;
	s0 =	simm.s32 @!p1 $0x0  }
0x14: {  	s2 =	sld [smem:$0x3F97];
	s0 =	simm.s32 @p1 $0x1  }
0x15: {  	[smem:$0x3FB4] =	sst s0;
	s0 =	simm.s32 @!p2 $0x0  }
0x16: {  	s3 =	sld [smem:$0x3FDB];
	s0 =	simm.s32 @p2 $0x1  }
0x17: {  	s4 =	simm.s32 $0x1BF5;
	[smem:$0x3FB6] =	sst s0  }
0x18: {  	s0 =	sld [smem:$0x3F99];
	_ =	swait.ge [sflag:s4], $0x0  }
0x19: {  	s7 =	sld [smem:$0x3F9A]  }
0x1a: {  	s8 =	sadd.s32 $0xFFFFE003, lr  }
0x1b: {  	s9 =	sadd.s32 $0xFFFFFEF7, lr;
	s5 =	simm.s32 $0xFFFFFFFF;
	p2 =	slt.u32 s8, $0xFFFFF086  }
0x1c: {  	p1 =	slt.u32 s9, $0xF7A;
	s5 =	simm.s32 @!p2 $0x0  }
0x1d: {  	s5 =	simm.s32 @p1 $0x1;
	p0 =	seq.s32 s7, s2  }
0x1e: {  	s7 =	smul.u32 @!p0 $0xF7A, s2;
	p2 =	seq.s32 @!p0 s5, $0x0  }
0x1f: {  	s9 =	smul.u32 $0xF7A, s1;
	s8 =	simm.s32 @!p0 $0x1BF5;
	p2 =	por !p2, p0  }
0x20: {  	[sflag:s8] =	ssyncset.s32 @!p0 $0xFFFFF086;
	s6 =	sadd.s32 @!p0 s3, s7;
	s7 =	simm.s32 @!p0 $0x108  }
0x21: {  	s3 =	sadd.s32 s3, s9;
	s6 =	sadd.s32 @!p0 $0x88, s6;
	s7 =	simm.s32 @p2 $0x1082  }
0x22: {  	[simem:s7], [sflag:s8] =	dma.local @!p0 [hbm:s6], $0xF7A  }
0x23: {  	s9 =	sor.u32 $0xD0000000, s2;
	s6 =	simm.s32 $0x108;
	_ =	swait.ge @!p0 [sflag:s8], $0x0  }
0x24: {  	s3 =	sadd.s32 $0x88, s3;
	s6 =	simm.s32 @!p1 $0x1082;
	[sflag:s4] =	ssyncset.s32 $0xFFFFF086  }
0x25: {  	[simem:s6], [sflag:s4] =	dma.local [hbm:s3], $0xF7A  }
0x26: {  	[smem:$0x3F9A] =	sst s1;
	(tag) =	ssettag s2;
	_ =	strace s9  }
0x27: {  	s1 =	sld [smem:$0x3FAA]  }
0x28: {  	s2 =	sld [smem:$0x3FAB]  }
0x29: {  	s4 =	sld [smem:$0x3FAD]  }
0x2a: {  	p0 =	seq.s32 s5, $0x0;
	s5 =	sld [smem:$0x3FAE]  }
0x2b: {  	s6 =	sld [smem:$0x3FAF]  }
0x2c: {  	s7 =	sld [smem:$0x3FB0]  }
0x2d: {  	s3 =	simm.s32 $0x108;
	s8 =	sld [smem:$0x3FB1]  }
0x2e: {  	s3 =	simm.s32 @!p0 $0x1082;
	s9 =	sld [smem:$0x3FB2]  }
0x2f: {  	lr =	sadd.s32 s0, s3;
	s0 =	sld [smem:$0x3FA9]  }
0x30: {  	s3 =	sld [smem:$0x3FAC]  }
0x31: {  	[smem:$0x3FB5] =	sst s10  }
0x32: {  	s10 =	sld [smem:$0x3FB3];
	_ =	sdelay $0x3  }
0x33: {  	p0 =	seq.s32 s10, $0x1;
	s10 =	sld [smem:$0x3FB5];
	_ =	sdelay $0x3  }
0x34: {  	[smem:$0x3FB5] =	sst s10  }
0x35: {  	s10 =	sld [smem:$0x3FB4];
	_ =	sdelay $0x3  }
0x36: {  	p1 =	seq.s32 s10, $0x1;
	s10 =	sld [smem:$0x3FB5];
	_ =	sdelay $0x3  }
0x37: {  	[smem:$0x3FB5] =	sst s10  }
0x38: {  	s10 =	sld [smem:$0x3FB6]  }
0x39: {  	_ = 	snop;
	(pc) =	sbr.ind lr, $3  }
0x3a: {  	_ = 	snop  }
0x3b: {  	_ = 	snop  }
0x3c: {  	p2 =	seq.s32 s10, $0x1;
	s10 =	sld [smem:$0x3FB5]  }
0x3d: {  	_ =	shalt  }
0x3e: {  	_ =	shalt  }
0x3f: {  	_ =	shalt  }
0x40: {  	_ =	shalt  }
0x41: {  	_ =	shalt  }
0x42: {  	_ =	shalt  }
0x43: {  	_ =	shalt  }
0x44: {  	_ =	shalt  }
0x45: {  	_ =	shalt  }
0x46: {  	_ =	shalt  }
0x47: {  	_ =	shalt  }
0x48: {  	_ =	shalt  }
0x49: {  	_ =	shalt  }
0x4a: {  	_ =	shalt  }
0x4b: {  	_ =	shalt  }
0x4c: {  	_ =	shalt  }
0x4d: {  	_ =	shalt  }
0x4e: {  	_ =	shalt  }
0x4f: {  	_ =	shalt  }
0x50: {  	_ =	shalt  }
0x51: {  	_ =	shalt  }
0x52: {  	_ =	shalt  }
0x53: {  	_ =	shalt  }
0x54: {  	_ =	shalt  }
0x55: {  	_ =	shalt  }
0x56: {  	_ =	shalt  }
0x57: {  	_ =	shalt  }
0x58: {  	_ =	shalt  }
0x59: {  	_ =	shalt  }
0x5a: {  	_ =	shalt  }
0x5b: {  	_ =	shalt  }
0x5c: {  	_ =	shalt  }
0x5d: {  	_ =	shalt  }
0x5e: {  	_ =	shalt  }
0x5f: {  	_ =	shalt  }
0x60: {  	_ =	shalt  }
0x61: {  	_ =	shalt  }
0x62: {  	_ =	shalt  }
0x63: {  	_ =	shalt  }
0x64: {  	_ =	shalt  }
0x65: {  	_ =	shalt  }
0x66: {  	_ =	shalt  }
0x67: {  	_ =	shalt  }
0x68: {  	_ =	shalt  }
0x69: {  	_ =	shalt  }
0x6a: {  	_ =	shalt  }
0x6b: {  	_ =	shalt  }
0x6c: {  	_ =	shalt  }
0x6d: {  	_ =	shalt  }
0x6e: {  	_ =	shalt  }
0x6f: {  	_ =	shalt  }
0x70: {  	_ =	shalt  }
0x71: {  	_ =	shalt  }
0x72: {  	_ =	shalt  }
0x73: {  	_ =	shalt  }
0x74: {  	_ =	shalt  }
0x75: {  	_ =	shalt  }
0x76: {  	_ =	shalt  }
0x77: {  	_ =	shalt  }
0x78: {  	_ =	shalt  }
0x79: {  	_ =	shalt  }
0x7a: {  	_ =	shalt  }
0x7b: {  	_ =	shalt  }
0x7c: {  	_ =	shalt  }
0x7d: {  	_ =	shalt  }
0x7e: {  	_ =	shalt  }
0x7f: {  	_ =	shalt  }
0x80: {  	_ =	shalt  }
0x81: {  	_ =	shalt  }
0x82: {  	_ =	shalt  }
0x83: {  	_ =	shalt  }
0x84: {  	_ =	shalt  }
0x85: {  	_ =	shalt  }
0x86: {  	_ =	shalt  }
0x87: {  	_ =	shalt  }
.Lfunc_end0:
.L_simem_size_0:
called_computation.1_lowered:
.L_overlay_start_0:
0x88: {  	s2 =	sld [smem:$0x3FD9]  }
0x89: {  	s3 =	sld [smem:$0x3FFE];
	_ =	sdelay $0x1  }
0x8a: {  	s1 =	srdreg.scid  }
0x8b: {  	s0 =	sand.u32 $0x1, s1  }
0x8c: {  	s17 =	sshll.u32 s0, $0xA;
	s2 =	sadd.s32 s3, s2  }
0x8d: {  	s2 =	sadd.s32 s2, s17  }
0x8e: {  	[smem:$0x3FC1] =	sst s2  }
0x8f: {  	_ = 	snop  }
0x90: {  	(tm) =	ssettm $0x1  }
0x91: {  	s18 =	sld [smem:$0x3FFB];
	_ =	sdelay $0x3  }
0x92: {  	_ =	strace s18  }
0x93: {  	s2 =	sld [smem:$0x3FFC];
	_ =	sdelay $0x3  }
0x94: {  	_ =	strace s2  }
0x95: {  	s2 =	sld [smem:$0x3FFD];
	_ =	sdelay $0x3  }
0x96: {  	_ =	strace s2  }
0x97: {  	_ =	strace $0x8FFFFFFF  }
0x98: {  	s19 =	sld [smem:$0x3FDB];
	_ =	sdelay $0x1  }
0x99: {  	s20 =	simm.s32 $_scs_section_size  }
0x9a: {  	s4 =	simm.s32 $_size__tile_overlayer_lowered;
	s5 =	simm.s32 $_tile_overlayer_lowered  }
0x9b: {  	s6 =	simm.s32 $0x1BFF;
	s21 =	sshll.u32 s5, $0x1;
	s3 =	sadd.s32 s20, s19  }
0x9c: {  	s22 =	simm.s32 $0x0;
	s4 =	sshll.u32 s4, $0x1;
	s5 =	sadd.s32 s21, s3  }
0x9d: {  	[timem:s22], [sflag:s6] =	dma.local [hbm:s5], s4  }
0x9e: {  	_ =	swait.ge [sflag:s6], s4  }
0x9f: {  	s4 =	ssub.s32 $0x0, s4;
	[sflag:s6] =	ssyncset.done $0x0  }
0xa0: {  	[sflag:s6] =	ssyncadd.s32 s4;
	_ =	sdelay $0x1  }
0xa1: {  	s23 =	simm.s32 $0x1B8B  }
0xa2: {  	_ =	swait.ge [sflag:s23], $0x1  }
0xa3: {  	[sflag:s23] =	ssyncset.done $0x0  }
0xa4: {  	[sflag:s23] =	ssyncadd.s32 $0xFFFFFFFF  }
0xa5: {  	s4 =	sld [smem:$0x0]  }
0xa6: {  	s5 =	sand.u32 $0xFFFFFFFE, s1  }
0xa7: {  	p0 =	sne.s32 s1, s5  }
0xa8: {  	s5 =	sshll.u32 @p0 s5, $0xE  }
0xa9: {  	s5 =	sadd.s32 @p0 $0x11B8D, s5;
	s6 =	sshll.u32 @p0 s4, $0x11  }
0xaa: {  	s5 =	sor.u32 @p0 s6, s5  }
0xab: {  	[sflag:s5] =	ssyncadd.remote.s32 @p0 $0x1;
	_ =	sdelay $0x1  }
0xac: {  	s5 =	simm.s32 @p0 $0x1B8D  }
0xad: {  	_ =	swait.eq @p0 [sflag:s5], $0x1  }
0xae: {  	[sflag:s5] =	ssyncadd.s32 @p0 $0xFFFFFFFF  }
0xaf: {  	s6 =	sshll.u32 @!p0 s1, $0xE  }
0xb0: {  	s6 =	sor.u32 @!p0 $0x4000, s6;
	s5 =	simm.s32 @!p0 $0x1B8D  }
0xb1: {  	s4 =	sshll.u32 @!p0 s4, $0x11;
	s6 =	sadd.s32 @!p0 $0x11B8D, s6;
	_ =	swait.eq @!p0 [sflag:s5], $0x1  }
0xb2: {  	s4 =	sor.u32 @!p0 s4, s6;
	[sflag:s5] =	ssyncadd.s32 @!p0 $0xFFFFFFFF  }
0xb3: {  	s25 =	simm.s32 $0x1B8E;
	s24 =	sld [smem:$0x3FFE];
	[sflag:s4] =	ssyncadd.remote.s32 @!p0 $0x1  }
0xb4: {  	s26 =	simm.s32 $execute0_lowered;
	[smem:$0x3FD2] =	sst s25  }
0xb5: {  	s5 =	sshll.u32 s26, $0x1;
	_ =	strace $0x80000049;
	[dreg:$0x1] =	wrdreg $0xFFFFFFFF  }
0xb6: {  	s28 =	simm.s32 $_size_execute0_lowered;
	s3 =	sadd.s32 s3, s5;
	[dreg:$0x0] =	wrdreg $0x0  }
0xb7: {  	s5 =	sshll.u32 s28, $0x1;
	[dreg:$0x2] =	wrdreg s3  }
0xb8: {  	[dreg:$0x3] =	wrdreg s5  }
0xb9: {  	[dreg:$0x4] =	wrdreg $0xC0  }
0xba: {  	_ =	task [dreg:s22], $0x5FFFF  }
0xbb: {  	[dreg:$0x1] =	wrdreg $0xFFFFFFFF  }
0xbc: {  	[dreg:$0x0] =	wrdreg $0x60  }
0xbd: {  	[dreg:$0x2] =	wrdreg s24  }
0xbe: {  	[dreg:$0x3] =	wrdreg $0x2C800  }
0xbf: {  	[dreg:$0x4] =	wrdreg $0xA  }
0xc0: {  	_ =	task.clear_ibuf [dreg:s22], $0x5FFFF;
	_ =	strace $0x90000049  }
0xc1: {  	s29 =	simm.s32 $0xA;
	_ =	strace $0x8000004B  }
0xc2: {  	_ =	swait.ge [sflag:s29], $0x1  }
0xc3: {  	[sflag:s29] =	ssyncadd.s32 $0xFFFFFFFF  }
0xc4: {  	_ =	strace $0x9000004B  }
0xc5: {  	_ =	sfence  }
0xc6: {  	s30 =	sld [smem:$0x0];
	_ =	sdelay $0x2  }
0xc7: {  	s31 =	sshll.u32 s1, $0xD;
	s1 =	sshrl.u32 s1, $0x2  }
0xc8: {  	s4 =	sand.u32 $0x4000, s31;
	s1 =	sadd.s32 s1, s30  }
0xc9: {  	s0 =	sor.u32 s4, s0;
	s1 =	sshll.u32 s1, $0x11  }
0xca: {  	s0 =	sor.u32 s1, s0  }
0xcb: {  	s0 =	sadd.s32 $0x8F2B, s0  }
0xcc: {  	[sflag:s0] =	ssyncadd.remote.s32 $0x1  }
0xcd: {  	_ =	sfence.sel $0xFFFF  }
0xce: {  	[dreg:$0x0] =	wrdreg $0xFFFFFFFF;
	(pc) =	sbr.abs _section_cstart, $3  }
0xcf: {  	[dreg:$0x1] =	wrdreg $0xFFFFFFFF  }
0xd0: {  	_ =	task.clear_ibuf [dreg:s22], $0x2FFFF;
	_ =	strace $0x9FFFFFFF  }
0xd1: {  	(tm) =	ssettm $0x7FFFFFFF  }
tec
execute0_lowered:
.L_overlay_start_1:
0x0: {  	(tag) =	ssettag $0x1  }
0x1: {  	s4 =	rddreg [dreg:$0x0]  }
0x2: {  	s1 =	srdreg.scid;
	s0 =	stileid.u32  }
0x3: {  	s2 =	rddreg [dreg:$0x1];
	s6 =	smul.u32 $0x4E20, s0  }
0x4: {  	s3 =	simm.s32 $0x0;
	s11 =	simm.s32 $0x80;
	s8 =	smul.u32 $0x2780, s0  }
0x5: {  	s5 =	sand.u32 $0x1, s1;
	s1 =	rddreg [dreg:$0x2];
	s9 =	smul.u32 $0x4F000, s0  }
0x6: {  	s14 =	simm.s32 $0x0;
	[smem:$0x7FF] =	sst s3;
	s7 =	smul.u32 $0x2710, s5  }
0x7: {  	s12 =	sshll.u32 s0, $0x6;
	s28 =	smul.u32 $0x27800, s5;
	s5 =	ssub.s32 $0x2, s5  }
0x8: {  	_ =	strace $0x8000004A;
	s12 =	sor.u32 $0x1C01, s12;
	s30 =	sshrl.u32 s5, $0x1  }
0x9: {  	s31 =	sshrl.u32 s9, $0x2;
	s9 =	simm.s32 $0x1;
	s6 =	sadd.s32 s7, s6  }
0xa: {  	s29 =	sadd.s32 s8, s28;
	s7 =	ssub.s32 s5, s30;
	s6 =	sshrl.u32 s6, $0x3  }
0xb: {  	s8 =	simm.s32 $0x2880;
	s10 =	sadd.s32 s6, s4;
	s6 =	sadd.s32 s29, s4  }
0xc: {  	s4 =	sadd.s32 s31, s2;
	s5 =	sadd.s32 $0x8B600, s6;
	s6 =	smax.u32 s7, $0x1  }
0xd: {  	v0 =	vimm.f32 $0.0e+00;
	v1 =	vimm.f32 $1.000000000e+00;
	s7 =	sadd.s32 $0x1800, s10;
	s10 =	simm.s32 $0x50;
	s13 =	sshrl.u32 s4, $0x3  }
.LBB2_1:
0xe: {  	[tilespmem:$0x2880] =	vst v0  }
0xf: {  	[tilespmem:$0x2890] =	vst v0  }
0x10: {  	[tilespmem:$0x28A0] =	vst v0  }
0x11: {  	[tilespmem:$0x28B0] =	vst v0  }
0x12: {  	[tilespmem:$0x28C0] =	vst v0  }
0x13: {  	[tilespmem:$0x28D0] =	vst v0  }
0x14: {  	[tilespmem:$0x28E0] =	vst v0  }
0x15: {  	[tilespmem:$0x28F0] =	vst v0  }
0x16: {  	[tilespmem:$0x2900] =	vst v0  }
0x17: {  	[tilespmem:$0x2910] =	vst v0  }
0x18: {  	[tilespmem:$0x2920] =	vst v0  }
0x19: {  	[tilespmem:$0x2930] =	vst v0  }
0x1a: {  	[tilespmem:$0x2940] =	vst v0  }
0x1b: {  	[tilespmem:$0x2950] =	vst v0  }
0x1c: {  	[tilespmem:$0x2960] =	vst v0  }
0x1d: {  	[tilespmem:$0x2970] =	vst v0  }
0x1e: {  	[tilespmem:$0x2980] =	vst v0  }
0x1f: {  	[tilespmem:$0x2990] =	vst v0  }
0x20: {  	[tilespmem:$0x29A0] =	vst v0  }
0x21: {  	[tilespmem:$0x29B0] =	vst v0  }
0x22: {  	[tilespmem:$0x29C0] =	vst v0  }
0x23: {  	[tilespmem:$0x29D0] =	vst v0  }
0x24: {  	[tilespmem:$0x29E0] =	vst v0  }
0x25: {  	[tilespmem:$0x29F0] =	vst v0  }
0x26: {  	[tilespmem:$0x2A00] =	vst v0  }
0x27: {  	[tilespmem:$0x2A10] =	vst v0  }
0x28: {  	[tilespmem:$0x2A20] =	vst v0  }
0x29: {  	[tilespmem:$0x2A30] =	vst v0  }
0x2a: {  	[tilespmem:$0x2A40] =	vst v0  }
0x2b: {  	[tilespmem:$0x2A50] =	vst v0  }
0x2c: {  	[tilespmem:$0x2A60] =	vst v0  }
0x2d: {  	[tilespmem:$0x2A70] =	vst v0  }
0x2e: {  	[tilespmem:$0x2A80] =	vst v0  }
0x2f: {  	[tilespmem:$0x2A90] =	vst v0  }
0x30: {  	[tilespmem:$0x2AA0] =	vst v0  }
0x31: {  	[tilespmem:$0x2AB0] =	vst v0  }
0x32: {  	[tilespmem:$0x2AC0] =	vst v0  }
0x33: {  	[tilespmem:$0x2AD0] =	vst v0  }
0x34: {  	[tilespmem:$0x2AE0] =	vst v0  }
0x35: {  	[tilespmem:$0x2AF0] =	vst v0  }
0x36: {  	[tilespmem:$0x2B00] =	vst v0  }
0x37: {  	[tilespmem:$0x2B10] =	vst v0  }
0x38: {  	[tilespmem:$0x2B20] =	vst v0  }
0x39: {  	[tilespmem:$0x2B30] =	vst v0  }
0x3a: {  	[tilespmem:$0x2B40] =	vst v0  }
0x3b: {  	[tilespmem:$0x2B50] =	vst v0  }
0x3c: {  	[tilespmem:$0x2B60] =	vst v0  }
0x3d: {  	[tilespmem:$0x2B70] =	vst v0  }
0x3e: {  	[tilespmem:$0x2B80] =	vst v0  }
0x3f: {  	[tilespmem:$0x2B90] =	vst v0  }
0x40: {  	[tilespmem:$0x2BA0] =	vst v0  }
0x41: {  	[tilespmem:$0x2BB0] =	vst v0  }
0x42: {  	[tilespmem:$0x2BC0] =	vst v0  }
0x43: {  	[tilespmem:$0x2BD0] =	vst v0  }
0x44: {  	[tilespmem:$0x2BE0] =	vst v0  }
0x45: {  	[tilespmem:$0x2BF0] =	vst v0  }
0x46: {  	[tilespmem:$0x2C00] =	vst v0  }
0x47: {  	[tilespmem:$0x2C10] =	vst v0  }
0x48: {  	[tilespmem:$0x2C20] =	vst v0  }
0x49: {  	[tilespmem:$0x2C30] =	vst v0  }
0x4a: {  	[tilespmem:$0x2C40] =	vst v0  }
0x4b: {  	[tilespmem:$0x2C50] =	vst v0  }
0x4c: {  	[tilespmem:$0x2C60] =	vst v0  }
0x4d: {  	[tilespmem:$0x2C70] =	vst v0;
	s15 =	simm.s32 $0x0;
	s16 =	simm.s32 $0x200  }
.LBB2_2:
0x4e: {  	p0 =	sne.s32 s16, $0x9E00;
	[tilespmem:s15+$0xF0] =	vst v1  }
0x4f: {  	[tilespmem:s15+$0x80] =	vst v1  }
0x50: {  	[tilespmem:s15+$0x90] =	vst v1  }
.Ltmp0:
0x51: {  	[tilespmem:s15+$0xA0] =	vst v1;
	(pc) =	sbr.rel @p0 .LBB2_2-.Ltmp0, $4  }
0x52: {  	[tilespmem:s15+$0xB0] =	vst v1  }
0x53: {  	[tilespmem:s15+$0xC0] =	vst v1  }
0x54: {  	[tilespmem:s15+$0xD0] =	vst v1  }
0x55: {  	[tilespmem:s15+$0xE0] =	vst v1;
	s15 =	sshra.s32 s16, $0x2;
	s16 =	sadd.s32 $0x200, s16  }
0x56: {  	[tilespmem:s15+$0xF0] =	vst v1  }
0x57: {  	[tilespmem:s15+$0x80] =	vst v1  }
0x58: {  	[tilespmem:s15+$0x90] =	vst v1  }
0x59: {  	[tilespmem:s15+$0xA0] =	vst v1  }
0x5a: {  	[tilespmem:s15+$0xB0] =	vst v1  }
0x5b: {  	[tilespmem:s15+$0xC0] =	vst v1  }
0x5c: {  	[tilespmem:s15+$0xD0] =	vst v1  }
0x5d: {  	[tilespmem:s15+$0xE0] =	vst v1;
	s31 =	sadd.s32 $0x0, s4  }
0x5e: {  	[spmem:s31] =	stream.linear.scatter [tilespmem:s8], [sflag:$0x1], $0x400, $0x38;
	[tilespmem:$0x16880] =	vst v63  }
0x5f: {  	s15 =	simm.s32 $0x1000;
	_ =	swait.ge [sflag:s9], $0x400  }
.LBB2_4:
0x60: {  	s16 =	sshra.s32 s15, $0x2;
	[sflag:s9] =	ssyncset.done $0x0;
	p0 =	sne.s32 s15, $0x4E000  }
.Ltmp1:
0x61: {  	s16 =	sadd.s32 s16, s4;
	[sflag:s9] =	ssyncadd.s32 $0xFFFFFC00;
	(pc) =	sbr.rel @p0 .LBB2_4-.Ltmp1, $3  }
0x62: {  	[spmem:s16] =	stream.linear.scatter [tilespmem:s8], [sflag:$0x1], $0x400, $0x38;
	[tilespmem:$0x16880] =	vst v63  }
0x63: {  	s15 =	sadd.s32 $0x1000, s15;
	_ =	sdelay $0x1  }
0x64: {  	_ =	swait.ge [sflag:s9], $0x400  }
0x65: {  	[sflag:s9] =	ssyncset.done $0x0  }
0x66: {  	[sflag:s9] =	ssyncadd.s32 $0xFFFFFC00  }
0x67: {  	s15 =	sadd.s32 $0x0, s7;
	[bflag:$0x0] =	sbarrier.arrive $0xFFFF  }
0x68: {  	[tilespmem:s3], [sflag:$0x1] =	stream.linear.gather [hbm4b:s15+s3], $0x50, $0x38;
	[tilespmem:$0x16880] =	vst v63  }
0x69: {  	_ =	swait.ge [sflag:s9], $0x50  }
0x6a: {  	[sflag:s9] =	ssyncset.done $0x0  }
0x6b: {  	[sflag:s9] =	ssyncadd.s32 $0xFFFFFFB0  }
0x6c: {  	[spmem:s2] =	stream.indirect.scatter.add.f32 [tilespmem:s11], [sflag:$0x1], $0x80, s3, s10, $0xb8;
	[tilespmem:$0x16880] =	vst v63  }
0x6d: {  	_ =	swait.ge [sflag:s9], $0x2800  }
0x6e: {  	s16 =	simm.s32 $0x14;
	s15 =	simm.s32 $0xA;
	[sflag:s9] =	ssyncset.done $0x0  }
.LBB2_6:
0x6f: {  	s17 =	sadd.s32 s15, s7  }
0x70: {  	[sflag:s9] =	ssyncadd.s32 $0xFFFFD800;
	s15 =	smov.u32 s16;
	s18 =	sadd.s32 $0xA, s16  }
0x71: {  	[tilespmem:s3], [sflag:$0x1] =	stream.linear.gather [hbm4b:s17+s3], $0x50, $0x38;
	[tilespmem:$0x16880] =	vst v63  }
0x72: {  	p0 =	sne.s32 s16, $0x4D8;
	_ =	swait.ge [sflag:s9], $0x50  }
.Ltmp2:
0x73: {  	[sflag:s9] =	ssyncset.done $0x0;
	(pc) =	sbr.rel @p0 .LBB2_6-.Ltmp2, $4  }
0x74: {  	[sflag:s9] =	ssyncadd.s32 $0xFFFFFFB0  }
0x75: {  	[spmem:s2] =	stream.indirect.scatter.add.f32 [tilespmem:s11], [sflag:$0x1], $0x80, s3, s10, $0xb8;
	[tilespmem:$0x16880] =	vst v63  }
0x76: {  	_ =	swait.ge [sflag:s9], $0x2800  }
0x77: {  	s16 =	smov.u32 s18;
	[sflag:s9] =	ssyncset.done $0x0  }
0x78: {  	s15 =	sadd.s32 s15, s7;
	[sflag:s9] =	ssyncadd.s32 $0xFFFFD800  }
0x79: {  	[tilespmem:s3], [sflag:$0x1] =	stream.linear.gather [hbm4b:s15+s3], $0x50, $0x38;
	[tilespmem:$0x16880] =	vst v63  }
0x7a: {  	_ =	swait.ge [sflag:s9], $0x50  }
0x7b: {  	[sflag:s9] =	ssyncset.done $0x0  }
0x7c: {  	[sflag:s9] =	ssyncadd.s32 $0xFFFFFFB0  }
0x7d: {  	[spmem:s2] =	stream.indirect.scatter.add.f32 [tilespmem:s11], [sflag:$0x1], $0x80, s3, s10, $0xb8;
	[tilespmem:$0x16880] =	vst v63  }
0x7e: {  	_ =	swait.ge [sflag:s9], $0x2800  }
0x7f: {  	s14 =	sadd.s32 $0x1, s14;
	[sflag:s9] =	ssyncset.done $0x0  }
0x80: {  	p0 =	sne.s32 s14, s6;
	[sflag:s9] =	ssyncadd.s32 $0xFFFFD800  }
.Ltmp3:
0x81: {  	[bflag:$0x0] =	sbarrier.arrive $0xFFFF;
	(pc) =	sbr.rel @p0 .LBB2_1-.Ltmp3, $4  }
0x82: {  	[hbm:s5], [sflag:s12] =	dma.local [spmem:s13], $0x2780  }
0x83: {  	_ =	swait.ge [sflag:s9], $0x2780  }
0x84: {  	[sflag:s9] =	ssyncset.done $0x0  }
0x85: {  	[sflag:s9] =	ssyncadd.s32 $0xFFFFD880  }
0x86: {  	_ =	sfence.sel $0x180000  }
0x87: {  	[bflag:$0x0] =	sbarrier.arrive $0xFFFF  }
0x88: {  	p0 =	sne.s32 s0, $0x0;
	_ =	strace $0x9000004A  }
0x89: {  	s0 =	sadd.s32 @!p0 $0x100000, s1;
	[bflag:$0x2] =	sbarrier.arrive $0xFFFF  }
0x8a: {  	[sflag:s0] =	ssyncadd.tile.s32 @!p0 $0x1;
	_ =	shalt  }
.Lfunc_end2:
_tile_overlayer_lowered:
.L_overlay_start_2:
0x8b: {  	(tag) =	ssettag $0x2  }
0x8c: {  	s0 =	rddreg [dreg:$0x0];
	s2 =	stileid.u32  }
0x8d: {  	s1 =	rddreg [dreg:$0x1];
	p0 =	sne.s32 s2, $0x0  }
0x8e: {  	s3 =	rddreg [dreg:$0x2];
	[bflag:$0x3] =	sbarrier.arrive $0xFFFF;
	s2 =	simm.s32 @!p0 $0x1C01  }
0x8f: {  	[timem:s3], [sflag:s2] =	dma.local @!p0 [hbm:s0], s1  }
0x90: {  	s0 =	simm.s32 @!p0 $0x1  }
0x91: {  	_ =	swait.ge @!p0 [sflag:s0], s1  }
0x92: {  	s1 =	ssub.s32 @!p0 $0x0, s1;
	[sflag:s0] =	ssyncset.done @!p0 $0x0  }
0x93: {  	[sflag:s0] =	ssyncadd.s32 @!p0 s1  }
0x94: {  	[bflag:$0x3] =	sbarrier.arrive $0xFFFF  }
0x95: {  	_ =	shalt  }

// kernel: kernel.14.cloned.1.call-start
scs
__scs_entry_jumppad:
0x0: {  	(pc) =	sbr.rel $0x88, $3  }
0x1: {  	(tag) =	ssettag $0x0;
	lr =	simm.s32 $0x1  }
0x2: {  	[smem:$0x3F9A] =	sst lr;
	_ =	strace $0xD0000000  }
0x3: {  	_ = 	snop  }
0x4: {  	_ = 	snop  }
0x5: {  	_ = 	snop  }
0x6: {  	_ = 	snop  }
0x7: {  	_ = 	snop  }
__scs_overlays_trampoline_lowered:
0x8: {  	[smem:$0x3FA9] =	sst s0  }
0x9: {  	[smem:$0x3FAA] =	sst s1  }
0xa: {  	[smem:$0x3FAB] =	sst s2  }
0xb: {  	[smem:$0x3FAC] =	sst s3  }
0xc: {  	[smem:$0x3FAD] =	sst s4  }
0xd: {  	[smem:$0x3FAE] =	sst s5  }
0xe: {  	[smem:$0x3FAF] =	sst s6  }
0xf: {  	[smem:$0x3FB0] =	sst s7  }
0x10: {  	[smem:$0x3FB1] =	sst s8  }
0x11: {  	[smem:$0x3FB2] =	sst s9;
	s0 =	simm.s32 @!p0 $0x0  }
0x12: {  	s1 =	sld [smem:$0x3F98];
	s0 =	simm.s32 @p0 $0x1  }
0x13: {  	[smem:$0x3FB3] =	sst s0;
	s0 =	simm.s32 @!p1 $0x0  }
0x14: {  	s2 =	sld [smem:$0x3F97];
	s0 =	simm.s32 @p1 $0x1  }
0x15: {  	[smem:$0x3FB4] =	sst s0;
	s0 =	simm.s32 @!p2 $0x0  }
0x16: {  	s3 =	sld [smem:$0x3FDB];
	s0 =	simm.s32 @p2 $0x1  }
0x17: {  	s4 =	simm.s32 $0x1BF5;
	[smem:$0x3FB6] =	sst s0  }
0x18: {  	s0 =	sld [smem:$0x3F99];
	_ =	swait.ge [sflag:s4], $0x0  }
0x19: {  	s7 =	sld [smem:$0x3F9A]  }
0x1a: {  	s8 =	sadd.s32 $0xFFFFE003, lr  }
0x1b: {  	s9 =	sadd.s32 $0xFFFFFEF7, lr;
	s5 =	simm.s32 $0xFFFFFFFF;
	p2 =	slt.u32 s8, $0xFFFFF086  }
0x1c: {  	p1 =	slt.u32 s9, $0xF7A;
	s5 =	simm.s32 @!p2 $0x0  }
0x1d: {  	s5 =	simm.s32 @p1 $0x1;
	p0 =	seq.s32 s7, s2  }
0x1e: {  	s7 =	smul.u32 @!p0 $0xF7A, s2;
	p2 =	seq.s32 @!p0 s5, $0x0  }
0x1f: {  	s9 =	smul.u32 $0xF7A, s1;
	s8 =	simm.s32 @!p0 $0x1BF5;
	p2 =	por !p2, p0  }
0x20: {  	[sflag:s8] =	ssyncset.s32 @!p0 $0xFFFFF086;
	s6 =	sadd.s32 @!p0 s3, s7;
	s7 =	simm.s32 @!p0 $0x108  }
0x21: {  	s3 =	sadd.s32 s3, s9;
	s6 =	sadd.s32 @!p0 $0x88, s6;
	s7 =	simm.s32 @p2 $0x1082  }
0x22: {  	[simem:s7], [sflag:s8] =	dma.local @!p0 [hbm:s6], $0xF7A  }
0x23: {  	s9 =	sor.u32 $0xD0000000, s2;
	s6 =	simm.s32 $0x108;
	_ =	swait.ge @!p0 [sflag:s8], $0x0  }
0x24: {  	s3 =	sadd.s32 $0x88, s3;
	s6 =	simm.s32 @!p1 $0x1082;
	[sflag:s4] =	ssyncset.s32 $0xFFFFF086  }
0x25: {  	[simem:s6], [sflag:s4] =	dma.local [hbm:s3], $0xF7A  }
0x26: {  	[smem:$0x3F9A] =	sst s1;
	(tag) =	ssettag s2;
	_ =	strace s9  }
0x27: {  	s1 =	sld [smem:$0x3FAA]  }
0x28: {  	s2 =	sld [smem:$0x3FAB]  }
0x29: {  	s4 =	sld [smem:$0x3FAD]  }
0x2a: {  	p0 =	seq.s32 s5, $0x0;
	s5 =	sld [smem:$0x3FAE]  }
0x2b: {  	s6 =	sld [smem:$0x3FAF]  }
0x2c: {  	s7 =	sld [smem:$0x3FB0]  }
0x2d: {  	s3 =	simm.s32 $0x108;
	s8 =	sld [smem:$0x3FB1]  }
0x2e: {  	s3 =	simm.s32 @!p0 $0x1082;
	s9 =	sld [smem:$0x3FB2]  }
0x2f: {  	lr =	sadd.s32 s0, s3;
	s0 =	sld [smem:$0x3FA9]  }
0x30: {  	s3 =	sld [smem:$0x3FAC]  }
0x31: {  	[smem:$0x3FB5] =	sst s10  }
0x32: {  	s10 =	sld [smem:$0x3FB3];
	_ =	sdelay $0x3  }
0x33: {  	p0 =	seq.s32 s10, $0x1;
	s10 =	sld [smem:$0x3FB5];
	_ =	sdelay $0x3  }
0x34: {  	[smem:$0x3FB5] =	sst s10  }
0x35: {  	s10 =	sld [smem:$0x3FB4];
	_ =	sdelay $0x3  }
0x36: {  	p1 =	seq.s32 s10, $0x1;
	s10 =	sld [smem:$0x3FB5];
	_ =	sdelay $0x3  }
0x37: {  	[smem:$0x3FB5] =	sst s10  }
0x38: {  	s10 =	sld [smem:$0x3FB6]  }
0x39: {  	_ = 	snop;
	(pc) =	sbr.ind lr, $3  }
0x3a: {  	_ = 	snop  }
0x3b: {  	_ = 	snop  }
0x3c: {  	p2 =	seq.s32 s10, $0x1;
	s10 =	sld [smem:$0x3FB5]  }
0x3d: {  	_ =	shalt  }
0x3e: {  	_ =	shalt  }
0x3f: {  	_ =	shalt  }
0x40: {  	_ =	shalt  }
0x41: {  	_ =	shalt  }
0x42: {  	_ =	shalt  }
0x43: {  	_ =	shalt  }
0x44: {  	_ =	shalt  }
0x45: {  	_ =	shalt  }
0x46: {  	_ =	shalt  }
0x47: {  	_ =	shalt  }
0x48: {  	_ =	shalt  }
0x49: {  	_ =	shalt  }
0x4a: {  	_ =	shalt  }
0x4b: {  	_ =	shalt  }
0x4c: {  	_ =	shalt  }
0x4d: {  	_ =	shalt  }
0x4e: {  	_ =	shalt  }
0x4f: {  	_ =	shalt  }
0x50: {  	_ =	shalt  }
0x51: {  	_ =	shalt  }
0x52: {  	_ =	shalt  }
0x53: {  	_ =	shalt  }
0x54: {  	_ =	shalt  }
0x55: {  	_ =	shalt  }
0x56: {  	_ =	shalt  }
0x57: {  	_ =	shalt  }
0x58: {  	_ =	shalt  }
0x59: {  	_ =	shalt  }
0x5a: {  	_ =	shalt  }
0x5b: {  	_ =	shalt  }
0x5c: {  	_ =	shalt  }
0x5d: {  	_ =	shalt  }
0x5e: {  	_ =	shalt  }
0x5f: {  	_ =	shalt  }
0x60: {  	_ =	shalt  }
0x61: {  	_ =	shalt  }
0x62: {  	_ =	shalt  }
0x63: {  	_ =	shalt  }
0x64: {  	_ =	shalt  }
0x65: {  	_ =	shalt  }
0x66: {  	_ =	shalt  }
0x67: {  	_ =	shalt  }
0x68: {  	_ =	shalt  }
0x69: {  	_ =	shalt  }
0x6a: {  	_ =	shalt  }
0x6b: {  	_ =	shalt  }
0x6c: {  	_ =	shalt  }
0x6d: {  	_ =	shalt  }
0x6e: {  	_ =	shalt  }
0x6f: {  	_ =	shalt  }
0x70: {  	_ =	shalt  }
0x71: {  	_ =	shalt  }
0x72: {  	_ =	shalt  }
0x73: {  	_ =	shalt  }
0x74: {  	_ =	shalt  }
0x75: {  	_ =	shalt  }
0x76: {  	_ =	shalt  }
0x77: {  	_ =	shalt  }
0x78: {  	_ =	shalt  }
0x79: {  	_ =	shalt  }
0x7a: {  	_ =	shalt  }
0x7b: {  	_ =	shalt  }
0x7c: {  	_ =	shalt  }
0x7d: {  	_ =	shalt  }
0x7e: {  	_ =	shalt  }
0x7f: {  	_ =	shalt  }
0x80: {  	_ =	shalt  }
0x81: {  	_ =	shalt  }
0x82: {  	_ =	shalt  }
0x83: {  	_ =	shalt  }
0x84: {  	_ =	shalt  }
0x85: {  	_ =	shalt  }
0x86: {  	_ =	shalt  }
0x87: {  	_ =	shalt  }
.Lfunc_end0:
.L_simem_size_0:
called_computation.2_lowered:
.L_overlay_start_0:
0x88: {  	s2 =	sld [smem:$0x3FD9]  }
0x89: {  	s3 =	sld [smem:$0x3FFE];
	_ =	sdelay $0x1  }
0x8a: {  	s1 =	srdreg.scid  }
0x8b: {  	s0 =	sand.u32 $0x1, s1  }
0x8c: {  	s16 =	sshll.u32 s0, $0xA;
	s2 =	sadd.s32 s3, s2  }
0x8d: {  	s2 =	sadd.s32 s2, s16  }
0x8e: {  	[smem:$0x3FC1] =	sst s2  }
0x8f: {  	_ = 	snop  }
0x90: {  	(tm) =	ssettm $0x1  }
0x91: {  	s17 =	sld [smem:$0x3FFB];
	_ =	sdelay $0x3  }
0x92: {  	_ =	strace s17  }
0x93: {  	s2 =	sld [smem:$0x3FFC];
	_ =	sdelay $0x3  }
0x94: {  	_ =	strace s2  }
0x95: {  	s2 =	sld [smem:$0x3FFD];
	_ =	sdelay $0x3  }
0x96: {  	_ =	strace s2  }
0x97: {  	_ =	strace $0x8FFFFFFF  }
0x98: {  	s18 =	sld [smem:$0x3FDB];
	_ =	sdelay $0x1  }
0x99: {  	s19 =	simm.s32 $_scs_section_size  }
0x9a: {  	s4 =	simm.s32 $_size__tile_overlayer_lowered;
	s5 =	simm.s32 $_tile_overlayer_lowered  }
0x9b: {  	s22 =	simm.s32 $0x1BFF;
	s21 =	sshll.u32 s5, $0x1;
	s2 =	sadd.s32 s19, s18  }
0x9c: {  	s6 =	simm.s32 $0x0;
	s20 =	sshll.u32 s4, $0x1;
	s4 =	sadd.s32 s21, s2  }
0x9d: {  	[timem:s6], [sflag:s22] =	dma.local [hbm:s4], s20  }
0x9e: {  	_ =	swait.ge [sflag:s22], s20  }
0x9f: {  	s3 =	ssub.s32 $0x0, s20;
	[sflag:s22] =	ssyncset.done $0x0  }
0xa0: {  	[sflag:s22] =	ssyncadd.s32 s3;
	_ =	sdelay $0x1  }
0xa1: {  	s23 =	simm.s32 $0x1B8B  }
0xa2: {  	_ =	swait.ge [sflag:s23], $0x1  }
0xa3: {  	[sflag:s23] =	ssyncset.done $0x0  }
0xa4: {  	s25 =	simm.s32 $0x1B8E;
	s24 =	sld [smem:$0x3FFE];
	[sflag:s23] =	ssyncadd.s32 $0xFFFFFFFF  }
0xa5: {  	s26 =	simm.s32 $execute0_lowered;
	[smem:$0x3FD2] =	sst s25  }
0xa6: {  	s4 =	sshll.u32 s26, $0x1;
	_ =	strace $0x8000004C;
	[dreg:$0x1] =	wrdreg $0xFFFFFFFF  }
0xa7: {  	s28 =	simm.s32 $_size_execute0_lowered;
	s2 =	sadd.s32 s2, s4;
	[dreg:$0x0] =	wrdreg $0x0  }
0xa8: {  	s4 =	sshll.u32 s28, $0x1;
	[dreg:$0x2] =	wrdreg s2  }
0xa9: {  	[dreg:$0x3] =	wrdreg s4  }
0xaa: {  	[dreg:$0x4] =	wrdreg $0xC0  }
0xab: {  	_ =	task [dreg:s6], $0x5FFFF  }
0xac: {  	[dreg:$0x1] =	wrdreg $0xFFFFFFFF  }
0xad: {  	[dreg:$0x0] =	wrdreg $0x60  }
0xae: {  	[dreg:$0x2] =	wrdreg s24  }
0xaf: {  	[dreg:$0x3] =	wrdreg $0x2D000  }
0xb0: {  	[dreg:$0x4] =	wrdreg $0x9  }
0xb1: {  	_ =	task.clear_ibuf [dreg:s6], $0x5FFFF;
	_ =	strace $0x9000004C  }
0xb2: {  	s29 =	simm.s32 $0x9;
	_ =	strace $0x8000004E  }
0xb3: {  	_ =	swait.ge [sflag:s29], $0x1  }
0xb4: {  	[sflag:s29] =	ssyncadd.s32 $0xFFFFFFFF  }
0xb5: {  	_ =	strace $0x9000004E  }
0xb6: {  	_ =	sfence  }
0xb7: {  	s30 =	sld [smem:$0x0];
	_ =	sdelay $0x2  }
0xb8: {  	s31 =	sshll.u32 s1, $0xD;
	s1 =	sshrl.u32 s1, $0x2  }
0xb9: {  	s3 =	sand.u32 $0x4000, s31;
	s1 =	sadd.s32 s1, s30  }
0xba: {  	s0 =	sor.u32 s3, s0;
	s1 =	sshll.u32 s1, $0x11  }
0xbb: {  	s0 =	sor.u32 s1, s0  }
0xbc: {  	s0 =	sadd.s32 $0x8F2B, s0  }
0xbd: {  	[sflag:s0] =	ssyncadd.remote.s32 $0x1  }
0xbe: {  	_ =	sfence.sel $0xFFFF  }
0xbf: {  	[dreg:$0x0] =	wrdreg $0xFFFFFFFF;
	(pc) =	sbr.abs _section_cstart, $3  }
0xc0: {  	[dreg:$0x1] =	wrdreg $0xFFFFFFFF  }
0xc1: {  	_ =	task.clear_ibuf [dreg:s6], $0x2FFFF;
	_ =	strace $0x9FFFFFFF  }
0xc2: {  	(tm) =	ssettm $0x7FFFFFFF  }
0xc3: {  	_ =	shalt  }
tec
execute0_lowered:
.L_overlay_start_1:
0x0: {  	(tag) =	ssettag $0x1  }
0x1: {  	s5 =	rddreg [dreg:$0x0]  }
0x2: {  	s2 =	rddreg [dreg:$0x1]  }
0x3: {  	s0 =	rddreg [dreg:$0x2]  }
0x4: {  	s4 =	srdreg.scid;
	s1 =	stileid.u32;
	s3 =	simm.s32 $0x0  }
0x5: {  	s12 =	simm.s32 $0x80;
	s13 =	simm.s32 $0x50;
	s7 =	smul.u32 $0x4E20, s1  }
0x6: {  	s14 =	simm.s32 $0x100;
	s15 =	simm.s32 $0x1;
	s9 =	smul.u32 $0x2780, s1  }
0x7: {  	s18 =	simm.s32 $0x0;
	s6 =	sand.u32 $0x1, s4;
	s10 =	smul.u32 $0x4F000, s1  }
0x8: {  	[smem:$0x7FF] =	sst s3;
	s4 =	sadd.s32 $0x15400, s5;
	s8 =	smul.u32 $0x2710, s6  }
0x9: {  	s16 =	sshll.u32 s1, $0x6;
	s28 =	smul.u32 $0x27800, s6;
	s6 =	ssub.s32 $0x2, s6  }
0xa: {  	_ =	strace $0x8000004D;
	s16 =	sor.u32 $0x1C02, s16;
	s30 =	sshrl.u32 s6, $0x1  }
0xb: {  	s31 =	sshrl.u32 s10, $0x2;
	s10 =	simm.s32 $0x2900;
	s7 =	sadd.s32 s8, s7  }
0xc: {  	s29 =	sadd.s32 s9, s28;
	s8 =	ssub.s32 s6, s30;
	s7 =	sshrl.u32 s7, $0x3  }
0xd: {  	s11 =	sadd.s32 s7, s5;
	s7 =	sadd.s32 s29, s5;
	s5 =	sadd.s32 s31, s2  }
0xe: {  	s6 =	sadd.s32 $0x3C600, s7;
	s7 =	smax.u32 s8, $0x1;
	s8 =	sadd.s32 $0x1800, s11  }
0xf: {  	v0 =	vimm.f32 $0.0e+00;
	s9 =	sadd.s32 $0xB600, s11;
	s11 =	simm.s32 $0x2;
	s17 =	sshrl.u32 s5, $0x3  }
.LBB2_1:
0x10: {  	[tilespmem:$0x2900] =	vst v0  }
0x11: {  	[tilespmem:$0x2910] =	vst v0  }
0x12: {  	[tilespmem:$0x2920] =	vst v0  }
0x13: {  	[tilespmem:$0x2930] =	vst v0  }
0x14: {  	[tilespmem:$0x2940] =	vst v0  }
0x15: {  	[tilespmem:$0x2950] =	vst v0  }
0x16: {  	[tilespmem:$0x2960] =	vst v0  }
0x17: {  	[tilespmem:$0x2970] =	vst v0  }
0x18: {  	[tilespmem:$0x2980] =	vst v0  }
0x19: {  	[tilespmem:$0x2990] =	vst v0  }
0x1a: {  	[tilespmem:$0x29A0] =	vst v0  }
0x1b: {  	[tilespmem:$0x29B0] =	vst v0  }
0x1c: {  	[tilespmem:$0x29C0] =	vst v0  }
0x1d: {  	[tilespmem:$0x29D0] =	vst v0  }
0x1e: {  	[tilespmem:$0x29E0] =	vst v0  }
0x1f: {  	[tilespmem:$0x29F0] =	vst v0  }
0x20: {  	[tilespmem:$0x2A00] =	vst v0  }
0x21: {  	[tilespmem:$0x2A10] =	vst v0  }
0x22: {  	[tilespmem:$0x2A20] =	vst v0  }
0x23: {  	[tilespmem:$0x2A30] =	vst v0  }
0x24: {  	[tilespmem:$0x2A40] =	vst v0  }
0x25: {  	[tilespmem:$0x2A50] =	vst v0  }
0x26: {  	[tilespmem:$0x2A60] =	vst v0  }
0x27: {  	[tilespmem:$0x2A70] =	vst v0  }
0x28: {  	[tilespmem:$0x2A80] =	vst v0  }
0x29: {  	[tilespmem:$0x2A90] =	vst v0  }
0x2a: {  	[tilespmem:$0x2AA0] =	vst v0  }
0x2b: {  	[tilespmem:$0x2AB0] =	vst v0  }
0x2c: {  	[tilespmem:$0x2AC0] =	vst v0  }
0x2d: {  	[tilespmem:$0x2AD0] =	vst v0  }
0x2e: {  	[tilespmem:$0x2AE0] =	vst v0  }
0x2f: {  	[tilespmem:$0x2AF0] =	vst v0  }
0x30: {  	[tilespmem:$0x2B00] =	vst v0  }
0x31: {  	[tilespmem:$0x2B10] =	vst v0  }
0x32: {  	[tilespmem:$0x2B20] =	vst v0  }
0x33: {  	[tilespmem:$0x2B30] =	vst v0  }
0x34: {  	[tilespmem:$0x2B40] =	vst v0  }
0x35: {  	[tilespmem:$0x2B50] =	vst v0  }
0x36: {  	[tilespmem:$0x2B60] =	vst v0  }
0x37: {  	[tilespmem:$0x2B70] =	vst v0  }
0x38: {  	[tilespmem:$0x2B80] =	vst v0  }
0x39: {  	[tilespmem:$0x2B90] =	vst v0  }
0x3a: {  	[tilespmem:$0x2BA0] =	vst v0  }
0x3b: {  	[tilespmem:$0x2BB0] =	vst v0  }
0x3c: {  	[tilespmem:$0x2BC0] =	vst v0  }
0x3d: {  	[tilespmem:$0x2BD0] =	vst v0  }
0x3e: {  	[tilespmem:$0x2BE0] =	vst v0  }
0x3f: {  	[tilespmem:$0x2BF0] =	vst v0  }
0x40: {  	[tilespmem:$0x2C00] =	vst v0  }
0x41: {  	[tilespmem:$0x2C10] =	vst v0  }
0x42: {  	[tilespmem:$0x2C20] =	vst v0  }
0x43: {  	[tilespmem:$0x2C30] =	vst v0  }
0x44: {  	[tilespmem:$0x2C40] =	vst v0  }
0x45: {  	[tilespmem:$0x2C50] =	vst v0  }
0x46: {  	[tilespmem:$0x2C60] =	vst v0  }
0x47: {  	[tilespmem:$0x2C70] =	vst v0  }
0x48: {  	[tilespmem:$0x2C80] =	vst v0  }
0x49: {  	[tilespmem:$0x2C90] =	vst v0  }
0x4a: {  	[tilespmem:$0x2CA0] =	vst v0  }
0x4b: {  	[tilespmem:$0x2CB0] =	vst v0  }
0x4c: {  	[tilespmem:$0x2CC0] =	vst v0  }
0x4d: {  	[tilespmem:$0x2CD0] =	vst v0  }
0x4e: {  	[tilespmem:$0x2CE0] =	vst v0  }
0x4f: {  	[tilespmem:$0x2CF0] =	vst v0;
	s19 =	sadd.s32 $0x0, s5  }
0x50: {  	[spmem:s19] =	stream.linear.scatter [tilespmem:s10], [sflag:$0x2], $0x400, $0x38;
	[tilespmem:$0x16900] =	vst v63  }
0x51: {  	s19 =	simm.s32 $0x1000;
	_ =	swait.ge [sflag:s11], $0x400  }
.LBB2_2:
0x52: {  	s20 =	sshra.s32 s19, $0x2;
	[sflag:s11] =	ssyncset.done $0x0;
	p0 =	sne.s32 s19, $0x4E000  }
.Ltmp0:
0x53: {  	s20 =	sadd.s32 s20, s5;
	[sflag:s11] =	ssyncadd.s32 $0xFFFFFC00;
	(pc) =	sbr.rel @p0 .LBB2_2-.Ltmp0, $3  }
0x54: {  	[spmem:s20] =	stream.linear.scatter [tilespmem:s10], [sflag:$0x2], $0x400, $0x38;
	[tilespmem:$0x16900] =	vst v63  }
0x55: {  	s19 =	sadd.s32 $0x1000, s19;
	_ =	sdelay $0x1  }
0x56: {  	_ =	swait.ge [sflag:s11], $0x400  }
0x57: {  	[sflag:s11] =	ssyncset.done $0x0  }
0x58: {  	[sflag:s11] =	ssyncadd.s32 $0xFFFFFC00  }
0x59: {  	s19 =	sadd.s32 $0x0, s9;
	[bflag:$0x0] =	sbarrier.arrive $0xFFFF  }
0x5a: {  	[tilespmem:s3], [sflag:$0x2] =	stream.linear.gather [hbm4b:s19+s3], $0x50, $0x38;
	[tilespmem:$0x16900] =	vst v63  }
0x5b: {  	_ =	swait.ge [sflag:s11], $0x50  }
0x5c: {  	[sflag:s11] =	ssyncset.done $0x0  }
0x5d: {  	s31 =	sadd.s32 $0x0, s8;
	[sflag:s11] =	ssyncadd.s32 $0xFFFFFFB0  }
0x5e: {  	[tilespmem:s12], [sflag:$0x2] =	stream.linear.gather [hbm4b:s31+s3], $0x50, $0x38;
	[tilespmem:$0x16900] =	vst v63  }
0x5f: {  	_ =	swait.ge [sflag:s11], $0x50  }
0x60: {  	[sflag:s11] =	ssyncset.done $0x0  }
0x61: {  	[sflag:s11] =	ssyncadd.s32 $0xFFFFFFB0  }
0x62: {  	[tilespmem:s14], [sflag:$0x1] =	stream.indirect.gather [hbm4b:s4+s13], $0x80, s3, s13, $0xb8;
	[tilespmem:$0x16900] =	vst v63  }
0x63: {  	_ =	swait.ge [sflag:s15], $0x2800  }
0x64: {  	[sflag:s15] =	ssyncset.done $0x0  }
0x65: {  	[sflag:s15] =	ssyncadd.s32 $0xFFFFD800  }
0x66: {  	[spmem:s2] =	stream.indirect.scatter.add.f32 [tilespmem:s14], [sflag:$0x2], $0x80, s12, s13, $0xb8;
	[tilespmem:$0x16900] =	vst v63  }
0x67: {  	_ =	swait.ge [sflag:s11], $0x2800  }
0x68: {  	s20 =	simm.s32 $0x14;
	s19 =	simm.s32 $0xA;
	[sflag:s11] =	ssyncset.done $0x0  }
.LBB2_4:
0x69: {  	s21 =	sadd.s32 s19, s9  }
0x6a: {  	[sflag:s11] =	ssyncadd.s32 $0xFFFFD800;
	s22 =	smov.u32 s20;
	s23 =	sadd.s32 $0xA, s20  }
0x6b: {  	[tilespmem:s3], [sflag:$0x2] =	stream.linear.gather [hbm4b:s21+s3], $0x50, $0x38;
	[tilespmem:$0x16900] =	vst v63  }
0x6c: {  	p0 =	sne.s32 s20, $0x4D8;
	_ =	swait.ge [sflag:s11], $0x50  }
0x6d: {  	[sflag:s11] =	ssyncset.done $0x0  }
0x6e: {  	s20 =	sadd.s32 s19, s8;
	s19 =	smov.u32 s22;
	[sflag:s11] =	ssyncadd.s32 $0xFFFFFFB0  }
0x6f: {  	[tilespmem:s12], [sflag:$0x2] =	stream.linear.gather [hbm4b:s20+s3], $0x50, $0x38;
	[tilespmem:$0x16900] =	vst v63  }
0x70: {  	_ =	swait.ge [sflag:s11], $0x50  }
0x71: {  	[sflag:s11] =	ssyncset.done $0x0  }
0x72: {  	[sflag:s11] =	ssyncadd.s32 $0xFFFFFFB0  }
0x73: {  	[tilespmem:s14], [sflag:$0x1] =	stream.indirect.gather [hbm4b:s4+s13], $0x80, s3, s13, $0xb8;
	[tilespmem:$0x16900] =	vst v63  }
0x74: {  	_ =	swait.ge [sflag:s15], $0x2800  }
.Ltmp1:
0x75: {  	[sflag:s15] =	ssyncset.done $0x0;
	(pc) =	sbr.rel @p0 .LBB2_4-.Ltmp1, $4  }
0x76: {  	[sflag:s15] =	ssyncadd.s32 $0xFFFFD800  }
0x77: {  	[spmem:s2] =	stream.indirect.scatter.add.f32 [tilespmem:s14], [sflag:$0x2], $0x80, s12, s13, $0xb8;
	[tilespmem:$0x16900] =	vst v63  }
0x78: {  	_ =	swait.ge [sflag:s11], $0x2800  }
0x79: {  	s20 =	smov.u32 s23;
	[sflag:s11] =	ssyncset.done $0x0  }
0x7a: {  	s20 =	sadd.s32 s19, s9;
	[sflag:s11] =	ssyncadd.s32 $0xFFFFD800  }
0x7b: {  	[tilespmem:s3], [sflag:$0x2] =	stream.linear.gather [hbm4b:s20+s3], $0x50, $0x38;
	[tilespmem:$0x16900] =	vst v63  }
0x7c: {  	_ =	swait.ge [sflag:s11], $0x50  }
0x7d: {  	[sflag:s11] =	ssyncset.done $0x0  }
0x7e: {  	s31 =	sadd.s32 s19, s8;
	[sflag:s11] =	ssyncadd.s32 $0xFFFFFFB0  }
0x7f: {  	[tilespmem:s12], [sflag:$0x2] =	stream.linear.gather [hbm4b:s31+s3], $0x50, $0x38;
	[tilespmem:$0x16900] =	vst v63  }
0x80: {  	_ =	swait.ge [sflag:s11], $0x50  }
0x81: {  	[sflag:s11] =	ssyncset.done $0x0  }
0x82: {  	[sflag:s11] =	ssyncadd.s32 $0xFFFFFFB0  }
0x83: {  	[tilespmem:s14], [sflag:$0x1] =	stream.indirect.gather [hbm4b:s4+s13], $0x80, s3, s13, $0xb8;
	[tilespmem:$0x16900] =	vst v63  }
0x84: {  	_ =	swait.ge [sflag:s15], $0x2800  }
0x85: {  	[sflag:s15] =	ssyncset.done $0x0  }
0x86: {  	[sflag:s15] =	ssyncadd.s32 $0xFFFFD800  }
0x87: {  	[spmem:s2] =	stream.indirect.scatter.add.f32 [tilespmem:s14], [sflag:$0x2], $0x80, s12, s13, $0xb8;
	[tilespmem:$0x16900] =	vst v63  }
0x88: {  	_ =	swait.ge [sflag:s11], $0x2800  }
0x89: {  	s18 =	sadd.s32 $0x1, s18;
	[sflag:s11] =	ssyncset.done $0x0  }
0x8a: {  	p0 =	sne.s32 s18, s7;
	[sflag:s11] =	ssyncadd.s32 $0xFFFFD800  }
.Ltmp2:
0x8b: {  	[bflag:$0x0] =	sbarrier.arrive $0xFFFF;
	(pc) =	sbr.rel @p0 .LBB2_1-.Ltmp2, $4  }
0x8c: {  	[hbm:s6], [sflag:s16] =	dma.local [spmem:s17], $0x2780  }
0x8d: {  	_ =	swait.ge [sflag:s11], $0x2780  }
0x8e: {  	[sflag:s11] =	ssyncset.done $0x0  }
0x8f: {  	[sflag:s11] =	ssyncadd.s32 $0xFFFFD880  }
0x90: {  	_ =	sfence.sel $0x180000  }
0x91: {  	[bflag:$0x0] =	sbarrier.arrive $0xFFFF  }
0x92: {  	p0 =	sne.s32 s1, $0x0;
	_ =	strace $0x9000004D  }
0x93: {  	s0 =	sadd.s32 @!p0 $0x100000, s0;
	[bflag:$0x2] =	sbarrier.arrive $0xFFFF  }
0x94: {  	[sflag:s0] =	ssyncadd.tile.s32 @!p0 $0x1;
	_ =	shalt  }
.Lfunc_end2:
_tile_overlayer_lowered:
.L_overlay_start_2:
0x95: {  	(tag) =	ssettag $0x2  }
0x96: {  	s0 =	rddreg [dreg:$0x0];
	s2 =	stileid.u32  }
0x97: {  	s1 =	rddreg [dreg:$0x1];
	p0 =	sne.s32 s2, $0x0  }
0x98: {  	s3 =	rddreg [dreg:$0x2];
	[bflag:$0x3] =	sbarrier.arrive $0xFFFF;
	s2 =	simm.s32 @!p0 $0x1C02  }
0x99: {  	[timem:s3], [sflag:s2] =	dma.local @!p0 [hbm:s0], s1  }
0x9a: {  	s0 =	simm.s32 @!p0 $0x2  }
0x9b: {  	_ =	swait.ge @!p0 [sflag:s0], s1  }
0x9c: {  	s1 =	ssub.s32 @!p0 $0x0, s1;
	[sflag:s0] =	ssyncset.done @!p0 $0x0  }
0x9d: {  	[sflag:s0] =	ssyncadd.s32 @!p0 s1  }
0x9e: {  	[bflag:$0x3] =	sbarrier.arrive $0xFFFF  }
0x9f: {  	_ =	shalt  }

// kernel: kernel.8.cloned.1.call-start
scs
__scs_entry_jumppad:
0x0: {  	(pc) =	sbr.rel $0x88, $3  }
0x1: {  	(tag) =	ssettag $0x0;
	lr =	simm.s32 $0x1  }
0x2: {  	[smem:$0x3F9A] =	sst lr;
	_ =	strace $0xD0000000  }
0x3: {  	_ = 	snop  }
0x4: {  	_ = 	snop  }
0x5: {  	_ = 	snop  }
0x6: {  	_ = 	snop  }
0x7: {  	_ = 	snop  }
__scs_overlays_trampoline_lowered:
0x8: {  	[smem:$0x3FA9] =	sst s0  }
0x9: {  	[smem:$0x3FAA] =	sst s1  }
0xa: {  	[smem:$0x3FAB] =	sst s2  }
0xb: {  	[smem:$0x3FAC] =	sst s3  }
0xc: {  	[smem:$0x3FAD] =	sst s4  }
0xd: {  	[smem:$0x3FAE] =	sst s5  }
0xe: {  	[smem:$0x3FAF] =	sst s6  }
0xf: {  	[smem:$0x3FB0] =	sst s7  }
0x10: {  	[smem:$0x3FB1] =	sst s8  }
0x11: {  	[smem:$0x3FB2] =	sst s9;
	s0 =	simm.s32 @!p0 $0x0  }
0x12: {  	s1 =	sld [smem:$0x3F98];
	s0 =	simm.s32 @p0 $0x1  }
0x13: {  	[smem:$0x3FB3] =	sst s0;
	s0 =	simm.s32 @!p1 $0x0  }
0x14: {  	s2 =	sld [smem:$0x3F97];
	s0 =	simm.s32 @p1 $0x1  }
0x15: {  	[smem:$0x3FB4] =	sst s0;
	s0 =	simm.s32 @!p2 $0x0  }
0x16: {  	s3 =	sld [smem:$0x3FDB];
	s0 =	simm.s32 @p2 $0x1  }
0x17: {  	s4 =	simm.s32 $0x1BF5;
	[smem:$0x3FB6] =	sst s0  }
0x18: {  	s0 =	sld [smem:$0x3F99];
	_ =	swait.ge [sflag:s4], $0x0  }
0x19: {  	s7 =	sld [smem:$0x3F9A]  }
0x1a: {  	s8 =	sadd.s32 $0xFFFFE003, lr  }
0x1b: {  	s9 =	sadd.s32 $0xFFFFFEF7, lr;
	s5 =	simm.s32 $0xFFFFFFFF;
	p2 =	slt.u32 s8, $0xFFFFF086  }
0x1c: {  	p1 =	slt.u32 s9, $0xF7A;
	s5 =	simm.s32 @!p2 $0x0  }
0x1d: {  	s5 =	simm.s32 @p1 $0x1;
	p0 =	seq.s32 s7, s2  }
0x1e: {  	s7 =	smul.u32 @!p0 $0xF7A, s2;
	p2 =	seq.s32 @!p0 s5, $0x0  }
0x1f: {  	s9 =	smul.u32 $0xF7A, s1;
	s8 =	simm.s32 @!p0 $0x1BF5;
	p2 =	por !p2, p0  }
0x20: {  	[sflag:s8] =	ssyncset.s32 @!p0 $0xFFFFF086;
	s6 =	sadd.s32 @!p0 s3, s7;
	s7 =	simm.s32 @!p0 $0x108  }
0x21: {  	s3 =	sadd.s32 s3, s9;
	s6 =	sadd.s32 @!p0 $0x88, s6;
	s7 =	simm.s32 @p2 $0x1082  }
0x22: {  	[simem:s7], [sflag:s8] =	dma.local @!p0 [hbm:s6], $0xF7A  }
0x23: {  	s9 =	sor.u32 $0xD0000000, s2;
	s6 =	simm.s32 $0x108;
	_ =	swait.ge @!p0 [sflag:s8], $0x0  }
0x24: {  	s3 =	sadd.s32 $0x88, s3;
	s6 =	simm.s32 @!p1 $0x1082;
	[sflag:s4] =	ssyncset.s32 $0xFFFFF086  }
0x25: {  	[simem:s6], [sflag:s4] =	dma.local [hbm:s3], $0xF7A  }
0x26: {  	[smem:$0x3F9A] =	sst s1;
	(tag) =	ssettag s2;
	_ =	strace s9  }
0x27: {  	s1 =	sld [smem:$0x3FAA]  }
0x28: {  	s2 =	sld [smem:$0x3FAB]  }
0x29: {  	s4 =	sld [smem:$0x3FAD]  }
0x2a: {  	p0 =	seq.s32 s5, $0x0;
	s5 =	sld [smem:$0x3FAE]  }
0x2b: {  	s6 =	sld [smem:$0x3FAF]  }
0x2c: {  	s7 =	sld [smem:$0x3FB0]  }
0x2d: {  	s3 =	simm.s32 $0x108;
	s8 =	sld [smem:$0x3FB1]  }
0x2e: {  	s3 =	simm.s32 @!p0 $0x1082;
	s9 =	sld [smem:$0x3FB2]  }
0x2f: {  	lr =	sadd.s32 s0, s3;
	s0 =	sld [smem:$0x3FA9]  }
0x30: {  	s3 =	sld [smem:$0x3FAC]  }
0x31: {  	[smem:$0x3FB5] =	sst s10  }
0x32: {  	s10 =	sld [smem:$0x3FB3];
	_ =	sdelay $0x3  }
0x33: {  	p0 =	seq.s32 s10, $0x1;
	s10 =	sld [smem:$0x3FB5];
	_ =	sdelay $0x3  }
0x34: {  	[smem:$0x3FB5] =	sst s10  }
0x35: {  	s10 =	sld [smem:$0x3FB4];
	_ =	sdelay $0x3  }
0x36: {  	p1 =	seq.s32 s10, $0x1;
	s10 =	sld [smem:$0x3FB5];
	_ =	sdelay $0x3  }
0x37: {  	[smem:$0x3FB5] =	sst s10  }
0x38: {  	s10 =	sld [smem:$0x3FB6]  }
0x39: {  	_ = 	snop;
	(pc) =	sbr.ind lr, $3  }
0x3a: {  	_ = 	snop  }
0x3b: {  	_ = 	snop  }
0x3c: {  	p2 =	seq.s32 s10, $0x1;
	s10 =	sld [smem:$0x3FB5]  }
0x3d: {  	_ =	shalt  }
0x3e: {  	_ =	shalt  }
0x3f: {  	_ =	shalt  }
0x40: {  	_ =	shalt  }
0x41: {  	_ =	shalt  }
0x42: {  	_ =	shalt  }
0x43: {  	_ =	shalt  }
0x44: {  	_ =	shalt  }
0x45: {  	_ =	shalt  }
0x46: {  	_ =	shalt  }
0x47: {  	_ =	shalt  }
0x48: {  	_ =	shalt  }
0x49: {  	_ =	shalt  }
0x4a: {  	_ =	shalt  }
0x4b: {  	_ =	shalt  }
0x4c: {  	_ =	shalt  }
0x4d: {  	_ =	shalt  }
0x4e: {  	_ =	shalt  }
0x4f: {  	_ =	shalt  }
0x50: {  	_ =	shalt  }
0x51: {  	_ =	shalt  }
0x52: {  	_ =	shalt  }
0x53: {  	_ =	shalt  }
0x54: {  	_ =	shalt  }
0x55: {  	_ =	shalt  }
0x56: {  	_ =	shalt  }
0x57: {  	_ =	shalt  }
0x58: {  	_ =	shalt  }
0x59: {  	_ =	shalt  }
0x5a: {  	_ =	shalt  }
0x5b: {  	_ =	shalt  }
0x5c: {  	_ =	shalt  }
0x5d: {  	_ =	shalt  }
0x5e: {  	_ =	shalt  }
0x5f: {  	_ =	shalt  }
0x60: {  	_ =	shalt  }
0x61: {  	_ =	shalt  }
0x62: {  	_ =	shalt  }
0x63: {  	_ =	shalt  }
0x64: {  	_ =	shalt  }
0x65: {  	_ =	shalt  }
0x66: {  	_ =	shalt  }
0x67: {  	_ =	shalt  }
0x68: {  	_ =	shalt  }
0x69: {  	_ =	shalt  }
0x6a: {  	_ =	shalt  }
0x6b: {  	_ =	shalt  }
0x6c: {  	_ =	shalt  }
0x6d: {  	_ =	shalt  }
0x6e: {  	_ =	shalt  }
0x6f: {  	_ =	shalt  }
0x70: {  	_ =	shalt  }
0x71: {  	_ =	shalt  }
0x72: {  	_ =	shalt  }
0x73: {  	_ =	shalt  }
0x74: {  	_ =	shalt  }
0x75: {  	_ =	shalt  }
0x76: {  	_ =	shalt  }
0x77: {  	_ =	shalt  }
0x78: {  	_ =	shalt  }
0x79: {  	_ =	shalt  }
0x7a: {  	_ =	shalt  }
0x7b: {  	_ =	shalt  }
0x7c: {  	_ =	shalt  }
0x7d: {  	_ =	shalt  }
0x7e: {  	_ =	shalt  }
0x7f: {  	_ =	shalt  }
0x80: {  	_ =	shalt  }
0x81: {  	_ =	shalt  }
0x82: {  	_ =	shalt  }
0x83: {  	_ =	shalt  }
0x84: {  	_ =	shalt  }
0x85: {  	_ =	shalt  }
0x86: {  	_ =	shalt  }
0x87: {  	_ =	shalt  }
.Lfunc_end0:
.L_simem_size_0:
called_computation_lowered:
.L_overlay_start_0:
0x88: {  	s2 =	sld [smem:$0x3FD9]  }
0x89: {  	s3 =	sld [smem:$0x3FFE];
	_ =	sdelay $0x1  }
0x8a: {  	s1 =	srdreg.scid  }
0x8b: {  	s0 =	sand.u32 $0x1, s1  }
0x8c: {  	s16 =	sshll.u32 s0, $0xA;
	s2 =	sadd.s32 s3, s2  }
0x8d: {  	s2 =	sadd.s32 s2, s16  }
0x8e: {  	[smem:$0x3FC1] =	sst s2  }
0x8f: {  	_ = 	snop  }
0x90: {  	(tm) =	ssettm $0x1  }
0x91: {  	s17 =	sld [smem:$0x3FFB];
	_ =	sdelay $0x3  }
0x92: {  	_ =	strace s17  }
0x93: {  	s2 =	sld [smem:$0x3FFC];
	_ =	sdelay $0x3  }
0x94: {  	_ =	strace s2  }
0x95: {  	s2 =	sld [smem:$0x3FFD];
	_ =	sdelay $0x3  }
0x96: {  	_ =	strace s2  }
0x97: {  	_ =	strace $0x8FFFFFFF  }
0x98: {  	s18 =	sld [smem:$0x3FDB];
	_ =	sdelay $0x1  }
0x99: {  	s19 =	simm.s32 $_scs_section_size  }
0x9a: {  	s4 =	simm.s32 $_size__tile_overlayer_lowered;
	s5 =	simm.s32 $_tile_overlayer_lowered  }
0x9b: {  	s22 =	simm.s32 $0x1BFF;
	s21 =	sshll.u32 s5, $0x1;
	s2 =	sadd.s32 s19, s18  }
0x9c: {  	s6 =	simm.s32 $0x0;
	s20 =	sshll.u32 s4, $0x1;
	s4 =	sadd.s32 s21, s2  }
0x9d: {  	[timem:s6], [sflag:s22] =	dma.local [hbm:s4], s20  }
0x9e: {  	_ =	swait.ge [sflag:s22], s20  }
0x9f: {  	s3 =	ssub.s32 $0x0, s20;
	[sflag:s22] =	ssyncset.done $0x0  }
0xa0: {  	[sflag:s22] =	ssyncadd.s32 s3;
	_ =	sdelay $0x1  }
0xa1: {  	s23 =	simm.s32 $0x1B8B  }
0xa2: {  	_ =	swait.ge [sflag:s23], $0x1  }
0xa3: {  	[sflag:s23] =	ssyncset.done $0x0  }
0xa4: {  	s25 =	simm.s32 $0x1B8E;
	s24 =	sld [smem:$0x3FFE];
	[sflag:s23] =	ssyncadd.s32 $0xFFFFFFFF  }
0xa5: {  	s26 =	simm.s32 $execute0_lowered;
	[smem:$0x3FD2] =	sst s25  }
0xa6: {  	s4 =	sshll.u32 s26, $0x1;
	_ =	strace $0x80000046;
	[dreg:$0x1] =	wrdreg $0xFFFFFFFF  }
0xa7: {  	s28 =	simm.s32 $_size_execute0_lowered;
	s2 =	sadd.s32 s2, s4;
	[dreg:$0x0] =	wrdreg $0x0  }
0xa8: {  	s4 =	sshll.u32 s28, $0x1;
	[dreg:$0x2] =	wrdreg s2  }
0xa9: {  	[dreg:$0x3] =	wrdreg s4  }
0xaa: {  	[dreg:$0x4] =	wrdreg $0xC0  }
0xab: {  	_ =	task [dreg:s6], $0x5FFFF  }
0xac: {  	[dreg:$0x1] =	wrdreg $0xFFFFFFFF  }
0xad: {  	[dreg:$0x0] =	wrdreg $0x60  }
0xae: {  	[dreg:$0x2] =	wrdreg s24  }
0xaf: {  	[dreg:$0x3] =	wrdreg $0x2D000  }
0xb0: {  	[dreg:$0x4] =	wrdreg $0x9  }
0xb1: {  	_ =	task.clear_ibuf [dreg:s6], $0x5FFFF;
	_ =	strace $0x90000046  }
0xb2: {  	s29 =	simm.s32 $0x9;
	_ =	strace $0x80000048  }
0xb3: {  	_ =	swait.ge [sflag:s29], $0x1  }
0xb4: {  	[sflag:s29] =	ssyncadd.s32 $0xFFFFFFFF  }
0xb5: {  	_ =	strace $0x90000048  }
0xb6: {  	_ =	sfence  }
0xb7: {  	s30 =	sld [smem:$0x0];
	_ =	sdelay $0x2  }
0xb8: {  	s31 =	sshll.u32 s1, $0xD;
	s1 =	sshrl.u32 s1, $0x2  }
0xb9: {  	s3 =	sand.u32 $0x4000, s31;
	s1 =	sadd.s32 s1, s30  }
0xba: {  	s0 =	sor.u32 s3, s0;
	s1 =	sshll.u32 s1, $0x11  }
0xbb: {  	s0 =	sor.u32 s1, s0  }
0xbc: {  	s0 =	sadd.s32 $0x8F2B, s0  }
0xbd: {  	[sflag:s0] =	ssyncadd.remote.s32 $0x1  }
0xbe: {  	_ =	sfence.sel $0xFFFF  }
0xbf: {  	[dreg:$0x0] =	wrdreg $0xFFFFFFFF;
	(pc) =	sbr.abs _section_cstart, $3  }
0xc0: {  	[dreg:$0x1] =	wrdreg $0xFFFFFFFF  }
0xc1: {  	_ =	task.clear_ibuf [dreg:s6], $0x2FFFF;
	_ =	strace $0x9FFFFFFF  }
0xc2: {  	(tm) =	ssettm $0x7FFFFFFF  }
0xc3: {  	_ =	shalt  }
tec
execute0_lowered:
.L_overlay_start_1:
0x0: {  	(tag) =	ssettag $0x1  }
0x1: {  	s5 =	rddreg [dreg:$0x0]  }
0x2: {  	s2 =	rddreg [dreg:$0x1]  }
0x3: {  	s0 =	rddreg [dreg:$0x2]  }
0x4: {  	s4 =	srdreg.scid;
	s1 =	stileid.u32;
	s3 =	simm.s32 $0x0  }
0x5: {  	s12 =	simm.s32 $0x80;
	s13 =	simm.s32 $0x50;
	s7 =	smul.u32 $0x4E20, s1  }
0x6: {  	s14 =	simm.s32 $0x100;
	s15 =	simm.s32 $0x1;
	s9 =	smul.u32 $0x2780, s1  }
0x7: {  	s18 =	simm.s32 $0x0;
	s6 =	sand.u32 $0x1, s4;
	s10 =	smul.u32 $0x4F000, s1  }
0x8: {  	[smem:$0x7FF] =	sst s3;
	s4 =	sadd.s32 $0x15400, s5;
	s8 =	smul.u32 $0x2710, s6  }
0x9: {  	s16 =	sshll.u32 s1, $0x6;
	s28 =	smul.u32 $0x27800, s6;
	s6 =	ssub.s32 $0x2, s6  }
0xa: {  	_ =	strace $0x80000047;
	s16 =	sor.u32 $0x1C02, s16;
	s30 =	sshrl.u32 s6, $0x1  }
0xb: {  	s31 =	sshrl.u32 s10, $0x2;
	s10 =	simm.s32 $0x2900;
	s7 =	sadd.s32 s8, s7  }
0xc: {  	s29 =	sadd.s32 s9, s28;
	s8 =	ssub.s32 s6, s30;
	s7 =	sshrl.u32 s7, $0x3  }
0xd: {  	s11 =	sadd.s32 s7, s5;
	s7 =	sadd.s32 s29, s5;
	s5 =	sadd.s32 s31, s2  }
0xe: {  	s6 =	sadd.s32 $0x3C600, s7;
	s7 =	smax.u32 s8, $0x1;
	s8 =	sadd.s32 $0x1800, s11  }
0xf: {  	v0 =	vimm.f32 $0.0e+00;
	s9 =	sadd.s32 $0xB600, s11;
	s11 =	simm.s32 $0x2;
	s17 =	sshrl.u32 s5, $0x3  }
.LBB2_1:
0x10: {  	[tilespmem:$0x2900] =	vst v0  }
0x11: {  	[tilespmem:$0x2910] =	vst v0  }
0x12: {  	[tilespmem:$0x2920] =	vst v0  }
0x13: {  	[tilespmem:$0x2930] =	vst v0  }
0x14: {  	[tilespmem:$0x2940] =	vst v0  }
0x15: {  	[tilespmem:$0x2950] =	vst v0  }
0x16: {  	[tilespmem:$0x2960] =	vst v0  }
0x17: {  	[tilespmem:$0x2970] =	vst v0  }
0x18: {  	[tilespmem:$0x2980] =	vst v0  }
0x19: {  	[tilespmem:$0x2990] =	vst v0  }
0x1a: {  	[tilespmem:$0x29A0] =	vst v0  }
0x1b: {  	[tilespmem:$0x29B0] =	vst v0  }
0x1c: {  	[tilespmem:$0x29C0] =	vst v0  }
0x1d: {  	[tilespmem:$0x29D0] =	vst v0  }
0x1e: {  	[tilespmem:$0x29E0] =	vst v0  }
0x1f: {  	[tilespmem:$0x29F0] =	vst v0  }
0x20: {  	[tilespmem:$0x2A00] =	vst v0  }
0x21: {  	[tilespmem:$0x2A10] =	vst v0  }
0x22: {  	[tilespmem:$0x2A20] =	vst v0  }
0x23: {  	[tilespmem:$0x2A30] =	vst v0  }
0x24: {  	[tilespmem:$0x2A40] =	vst v0  }
0x25: {  	[tilespmem:$0x2A50] =	vst v0  }
0x26: {  	[tilespmem:$0x2A60] =	vst v0  }
0x27: {  	[tilespmem:$0x2A70] =	vst v0  }
0x28: {  	[tilespmem:$0x2A80] =	vst v0  }
0x29: {  	[tilespmem:$0x2A90] =	vst v0  }
0x2a: {  	[tilespmem:$0x2AA0] =	vst v0  }
0x2b: {  	[tilespmem:$0x2AB0] =	vst v0  }
0x2c: {  	[tilespmem:$0x2AC0] =	vst v0  }
0x2d: {  	[tilespmem:$0x2AD0] =	vst v0  }
0x2e: {  	[tilespmem:$0x2AE0] =	vst v0  }
0x2f: {  	[tilespmem:$0x2AF0] =	vst v0  }
0x30: {  	[tilespmem:$0x2B00] =	vst v0  }
0x31: {  	[tilespmem:$0x2B10] =	vst v0  }
0x32: {  	[tilespmem:$0x2B20] =	vst v0  }
0x33: {  	[tilespmem:$0x2B30] =	vst v0  }
0x34: {  	[tilespmem:$0x2B40] =	vst v0  }
0x35: {  	[tilespmem:$0x2B50] =	vst v0  }
0x36: {  	[tilespmem:$0x2B60] =	vst v0  }
0x37: {  	[tilespmem:$0x2B70] =	vst v0  }
0x38: {  	[tilespmem:$0x2B80] =	vst v0  }
0x39: {  	[tilespmem:$0x2B90] =	vst v0  }
0x3a: {  	[tilespmem:$0x2BA0] =	vst v0  }
0x3b: {  	[tilespmem:$0x2BB0] =	vst v0  }
0x3c: {  	[tilespmem:$0x2BC0] =	vst v0  }
0x3d: {  	[tilespmem:$0x2BD0] =	vst v0  }
0x3e: {  	[tilespmem:$0x2BE0] =	vst v0  }
0x3f: {  	[tilespmem:$0x2BF0] =	vst v0  }
0x40: {  	[tilespmem:$0x2C00] =	vst v0  }
0x41: {  	[tilespmem:$0x2C10] =	vst v0  }
0x42: {  	[tilespmem:$0x2C20] =	vst v0  }
0x43: {  	[tilespmem:$0x2C30] =	vst v0  }
0x44: {  	[tilespmem:$0x2C40] =	vst v0  }
0x45: {  	[tilespmem:$0x2C50] =	vst v0  }
0x46: {  	[tilespmem:$0x2C60] =	vst v0  }
0x47: {  	[tilespmem:$0x2C70] =	vst v0  }
0x48: {  	[tilespmem:$0x2C80] =	vst v0  }
0x49: {  	[tilespmem:$0x2C90] =	vst v0  }
0x4a: {  	[tilespmem:$0x2CA0] =	vst v0  }
0x4b: {  	[tilespmem:$0x2CB0] =	vst v0  }
0x4c: {  	[tilespmem:$0x2CC0] =	vst v0  }
0x4d: {  	[tilespmem:$0x2CD0] =	vst v0  }
0x4e: {  	[tilespmem:$0x2CE0] =	vst v0  }
0x4f: {  	[tilespmem:$0x2CF0] =	vst v0;
	s19 =	sadd.s32 $0x0, s5  }
0x50: {  	[spmem:s19] =	stream.linear.scatter [tilespmem:s10], [sflag:$0x2], $0x400, $0x38;
	[tilespmem:$0x16900] =	vst v63  }
0x51: {  	s19 =	simm.s32 $0x1000;
	_ =	swait.ge [sflag:s11], $0x400  }
.LBB2_2:
0x52: {  	s20 =	sshra.s32 s19, $0x2;
	[sflag:s11] =	ssyncset.done $0x0;
	p0 =	sne.s32 s19, $0x4E000  }
.Ltmp0:
0x53: {  	s20 =	sadd.s32 s20, s5;
	[sflag:s11] =	ssyncadd.s32 $0xFFFFFC00;
	(pc) =	sbr.rel @p0 .LBB2_2-.Ltmp0, $3  }
0x54: {  	[spmem:s20] =	stream.linear.scatter [tilespmem:s10], [sflag:$0x2], $0x400, $0x38;
	[tilespmem:$0x16900] =	vst v63  }
0x55: {  	s19 =	sadd.s32 $0x1000, s19;
	_ =	sdelay $0x1  }
0x56: {  	_ =	swait.ge [sflag:s11], $0x400  }
0x57: {  	[sflag:s11] =	ssyncset.done $0x0  }
0x58: {  	[sflag:s11] =	ssyncadd.s32 $0xFFFFFC00  }
0x59: {  	s19 =	sadd.s32 $0x0, s9;
	[bflag:$0x0] =	sbarrier.arrive $0xFFFF  }
0x5a: {  	[tilespmem:s3], [sflag:$0x2] =	stream.linear.gather [hbm4b:s19+s3], $0x50, $0x38;
	[tilespmem:$0x16900] =	vst v63  }
0x5b: {  	_ =	swait.ge [sflag:s11], $0x50  }
0x5c: {  	[sflag:s11] =	ssyncset.done $0x0  }
0x5d: {  	s31 =	sadd.s32 $0x0, s8;
	[sflag:s11] =	ssyncadd.s32 $0xFFFFFFB0  }
0x5e: {  	[tilespmem:s12], [sflag:$0x2] =	stream.linear.gather [hbm4b:s31+s3], $0x50, $0x38;
	[tilespmem:$0x16900] =	vst v63  }
0x5f: {  	_ =	swait.ge [sflag:s11], $0x50  }
0x60: {  	[sflag:s11] =	ssyncset.done $0x0  }
0x61: {  	[sflag:s11] =	ssyncadd.s32 $0xFFFFFFB0  }
0x62: {  	[tilespmem:s14], [sflag:$0x1] =	stream.indirect.gather [hbm4b:s4+s13], $0x80, s3, s13, $0xb8;
	[tilespmem:$0x16900] =	vst v63  }
0x63: {  	_ =	swait.ge [sflag:s15], $0x2800  }
0x64: {  	[sflag:s15] =	ssyncset.done $0x0  }
0x65: {  	[sflag:s15] =	ssyncadd.s32 $0xFFFFD800  }
0x66: {  	[spmem:s2] =	stream.indirect.scatter.add.f32 [tilespmem:s14], [sflag:$0x2], $0x80, s12, s13, $0xb8;
	[tilespmem:$0x16900] =	vst v63  }
0x67: {  	_ =	swait.ge [sflag:s11], $0x2800  }
0x68: {  	s20 =	simm.s32 $0x14;
	s19 =	simm.s32 $0xA;
	[sflag:s11] =	ssyncset.done $0x0  }
.LBB2_4:
0x69: {  	s21 =	sadd.s32 s19, s9  }
0x6a: {  	[sflag:s11] =	ssyncadd.s32 $0xFFFFD800;
	s22 =	smov.u32 s20;
	s23 =	sadd.s32 $0xA, s20  }
0x6b: {  	[tilespmem:s3], [sflag:$0x2] =	stream.linear.gather [hbm4b:s21+s3], $0x50, $0x38;
	[tilespmem:$0x16900] =	vst v63  }
0x6c: {  	p0 =	sne.s32 s20, $0x4D8;
	_ =	swait.ge [sflag:s11], $0x50  }
0x6d: {  	[sflag:s11] =	ssyncset.done $0x0  }
0x6e: {  	s20 =	sadd.s32 s19, s8;
	s19 =	smov.u32 s22;
	[sflag:s11] =	ssyncadd.s32 $0xFFFFFFB0  }
0x6f: {  	[tilespmem:s12], [sflag:$0x2] =	stream.linear.gather [hbm4b:s20+s3], $0x50, $0x38;
	[tilespmem:$0x16900] =	vst v63  }
0x70: {  	_ =	swait.ge [sflag:s11], $0x50  }
0x71: {  	[sflag:s11] =	ssyncset.done $0x0  }
0x72: {  	[sflag:s11] =	ssyncadd.s32 $0xFFFFFFB0  }
0x73: {  	[tilespmem:s14], [sflag:$0x1] =	stream.indirect.gather [hbm4b:s4+s13], $0x80, s3, s13, $0xb8;
	[tilespmem:$0x16900] =	vst v63  }
0x74: {  	_ =	swait.ge [sflag:s15], $0x2800  }
.Ltmp1:
0x75: {  	[sflag:s15] =	ssyncset.done $0x0;
	(pc) =	sbr.rel @p0 .LBB2_4-.Ltmp1, $4  }
0x76: {  	[sflag:s15] =	ssyncadd.s32 $0xFFFFD800  }
0x77: {  	[spmem:s2] =	stream.indirect.scatter.add.f32 [tilespmem:s14], [sflag:$0x2], $0x80, s12, s13, $0xb8;
	[tilespmem:$0x16900] =	vst v63  }
0x78: {  	_ =	swait.ge [sflag:s11], $0x2800  }
0x79: {  	s20 =	smov.u32 s23;
	[sflag:s11] =	ssyncset.done $0x0  }
0x7a: {  	s20 =	sadd.s32 s19, s9;
	[sflag:s11] =	ssyncadd.s32 $0xFFFFD800  }
0x7b: {  	[tilespmem:s3], [sflag:$0x2] =	stream.linear.gather [hbm4b:s20+s3], $0x50, $0x38;
	[tilespmem:$0x16900] =	vst v63  }
0x7c: {  	_ =	swait.ge [sflag:s11], $0x50  }
0x7d: {  	[sflag:s11] =	ssyncset.done $0x0  }
0x7e: {  	s31 =	sadd.s32 s19, s8;
	[sflag:s11] =	ssyncadd.s32 $0xFFFFFFB0  }
0x7f: {  	[tilespmem:s12], [sflag:$0x2] =	stream.linear.gather [hbm4b:s31+s3], $0x50, $0x38;
	[tilespmem:$0x16900] =	vst v63  }
0x80: {  	_ =	swait.ge [sflag:s11], $0x50  }
0x81: {  	[sflag:s11] =	ssyncset.done $0x0  }
0x82: {  	[sflag:s11] =	ssyncadd.s32 $0xFFFFFFB0  }
0x83: {  	[tilespmem:s14], [sflag:$0x1] =	stream.indirect.gather [hbm4b:s4+s13], $0x80, s3, s13, $0xb8;
	[tilespmem:$0x16900] =	vst v63  }
0x84: {  	_ =	swait.ge [sflag:s15], $0x2800  }
0x85: {  	[sflag:s15] =	ssyncset.done $0x0  }
0x86: {  	[sflag:s15] =	ssyncadd.s32 $0xFFFFD800  }
0x87: {  	[spmem:s2] =	stream.indirect.scatter.add.f32 [tilespmem:s14], [sflag:$0x2], $0x80, s12, s13, $0xb8;
	[tilespmem:$0x16900] =	vst v63  }
0x88: {  	_ =	swait.ge [sflag:s11], $0x2800  }
0x89: {  	s18 =	sadd.s32 $0x1, s18;
	[sflag:s11] =	ssyncset.done $0x0  }
0x8a: {  	p0 =	sne.s32 s18, s7;
	[sflag:s11] =	ssyncadd.s32 $0xFFFFD800  }
.Ltmp2:
0x8b: {  	[bflag:$0x0] =	sbarrier.arrive $0xFFFF;
	(pc) =	sbr.rel @p0 .LBB2_1-.Ltmp2, $4  }
0x8c: {  	[hbm:s6], [sflag:s16] =	dma.local [spmem:s17], $0x2780  }
0x8d: {  	_ =	swait.ge [sflag:s11], $0x2780  }
0x8e: {  	[sflag:s11] =	ssyncset.done $0x0  }
0x8f: {  	[sflag:s11] =	ssyncadd.s32 $0xFFFFD880  }
0x90: {  	_ =	sfence.sel $0x180000  }
0x91: {  	[bflag:$0x0] =	sbarrier.arrive $0xFFFF  }
0x92: {  	p0 =	sne.s32 s1, $0x0;
	_ =	strace $0x90000047  }
0x93: {  	s0 =	sadd.s32 @!p0 $0x100000, s0;
	[bflag:$0x2] =	sbarrier.arrive $0xFFFF  }
0x94: {  	[sflag:s0] =	ssyncadd.tile.s32 @!p0 $0x1;
	_ =	shalt  }
.Lfunc_end2:
_tile_overlayer_lowered:
.L_overlay_start_2:
0x95: {  	(tag) =	ssettag $0x2  }
0x96: {  	s0 =	rddreg [dreg:$0x0];
	s2 =	stileid.u32  }
0x97: {  	s1 =	rddreg [dreg:$0x1];
	p0 =	sne.s32 s2, $0x0  }
0x98: {  	s3 =	rddreg [dreg:$0x2];
	[bflag:$0x3] =	sbarrier.arrive $0xFFFF;
	s2 =	simm.s32 @!p0 $0x1C02  }
0x99: {  	[timem:s3], [sflag:s2] =	dma.local @!p0 [hbm:s0], s1  }
0x9a: {  	s0 =	simm.s32 @!p0 $0x2  }
0x9b: {  	_ =	swait.ge @!p0 [sflag:s0], s1  }
0x9c: {  	s1 =	ssub.s32 @!p0 $0x0, s1;
	[sflag:s0] =	ssyncset.done @!p0 $0x0  }
0x9d: {  	[sflag:s0] =	ssyncadd.s32 @!p0 s1  }
0x9e: {  	[bflag:$0x3] =	sbarrier.arrive $0xFFFF  }
0x9f: {  	_ =	shalt  }

</sc_bundles>
